<compile_context>
chip_gen: v7x
topology: tpu7x:2x2x1
jax: 0.10.2.dev20260603
libtpu: 0.0.44.dev20260713+nightly
codegen_flags: <defaults>
</compile_context>

<pallas_src>
import functools

import jax
import jax.numpy as jnp
from jax import lax
from jax.experimental import pallas as pl
from jax.experimental.pallas import tpu as pltpu
from jax.experimental.pallas import tpu_sc as plsc

NC = 2
NS = 16
K = 128
CPW = 80
NW = NC * NS
EPW = K * CPW
E_PAD = NW * EPW
NP = 10240
STRIP = NP // NS
ZR = 160

_mesh = plsc.VectorSubcoreMesh(
    core_axis_name="c", subcore_axis_name="s", num_cores=NC, num_subcores=NS)
_sc_params = pltpu.CompilerParams(use_tc_tiling_on_sc=False)


def _deg_kernel():

    @functools.partial(
        pl.kernel,
        out_type=jax.ShapeDtypeStruct((NC, NP, 16), jnp.float32),
        mesh=_mesh,
        scratch_types=[
            pltpu.VMEM((CPW, K), jnp.int32),
            pltpu.VMEM((K, 16), jnp.float32),
            pltpu.VMEM((STRIP, 16), jnp.float32),
            pltpu.VMEM_SHARED((NP, 16), jnp.float32),
            pltpu.SemaphoreType.DMA,
        ],
        compiler_params=_sc_params,
    )
    def deg(dst_hbm, ones_hbm, zeros_hbm, out_hbm, dst_v, ones_v, zbuf, acc,
            sem):
        c = lax.axis_index("c")
        s = lax.axis_index("s")
        wid = s * NC + c
        pltpu.sync_copy(dst_hbm.at[pl.ds(wid * CPW, CPW)], dst_v)
        pltpu.sync_copy(ones_hbm, ones_v)
        pltpu.sync_copy(zeros_hbm.at[pl.ds(s * STRIP, STRIP)], zbuf)
        pltpu.sync_copy(zbuf, acc.at[pl.ds(s * STRIP, STRIP)])
        plsc.subcore_barrier()

        def group(g, carry):
            hs = [pltpu.async_copy(ones_v, acc.at[dst_v.at[g * 8 + b]],
                                   sem, add=True)
                  for b in range(8)]
            for h in hs:
                h.wait()
            return carry

        lax.fori_loop(0, CPW // 8, group, 0)
        plsc.subcore_barrier()
        pltpu.sync_copy(acc.at[pl.ds(s * STRIP, STRIP)], zbuf)
        pltpu.sync_copy(zbuf, out_hbm.at[c, pl.ds(s * STRIP, STRIP)])

    return deg


def _agg_kernel(D, NBUF=5):
    G = CPW // NBUF

    @functools.partial(
        pl.kernel,
        out_type=jax.ShapeDtypeStruct((NC, NP, D), jnp.float32),
        mesh=_mesh,
        scratch_types=(
            [pltpu.VMEM((CPW, K), jnp.int32),
             pltpu.VMEM((CPW, K), jnp.int32)]
            + [pltpu.VMEM((K, D), jnp.float32)] * NBUF
            + [pltpu.VMEM((ZR, D), jnp.float32),
               pltpu.VMEM_SHARED((NP, D), jnp.float32)]
            + [pltpu.SemaphoreType.DMA] * (2 * NBUF)
        ),
        compiler_params=_sc_params,
    )
    def agg(src_hbm, dst_hbm, table_hbm, zeros_hbm, out_hbm,
            src_v, dst_v, *rest):
        rows = rest[:NBUF]
        zbuf = rest[NBUF]
        acc = rest[NBUF + 1]
        sems = rest[NBUF + 2:NBUF + 2 + NBUF]
        ssems = rest[NBUF + 2 + NBUF:]
        c = lax.axis_index("c")
        s = lax.axis_index("s")
        wid = s * NC + c
        with jax.named_scope("agg_init"):
            pltpu.sync_copy(src_hbm.at[pl.ds(wid * CPW, CPW)], src_v)
            pltpu.sync_copy(dst_hbm.at[pl.ds(wid * CPW, CPW)], dst_v)
            pltpu.sync_copy(zeros_hbm, zbuf)
            for t in range(STRIP // ZR):
                pltpu.sync_copy(zbuf, acc.at[pl.ds(s * STRIP + t * ZR, ZR)])
            plsc.subcore_barrier()

        def group(g, carry):
            hs = [pltpu.async_copy(table_hbm.at[src_v.at[g * NBUF + b]],
                                   rows[b], sems[b])
                  for b in range(NBUF)]
            ss = []
            for b in range(NBUF):
                hs[b].wait()
                ss.append(pltpu.async_copy(rows[b],
                                           acc.at[dst_v.at[g * NBUF + b]],
                                           ssems[b], add=True))
            for h in ss:
                h.wait()
            return carry

        with jax.named_scope("agg_gather"):
            lax.fori_loop(0, G, group, 0)
            plsc.subcore_barrier()
        with jax.named_scope("agg_flush"):
            for t in range(STRIP // ZR):
                pltpu.sync_copy(acc.at[pl.ds(s * STRIP + t * ZR, ZR)], zbuf)
                pltpu.sync_copy(zbuf, out_hbm.at[c, pl.ds(s * STRIP + t * ZR, ZR)])

    return agg


_deg = _deg_kernel()
_agg64 = _agg_kernel(64)


def _tc_enc(x_ref, w_ref, degp_ref, out_ref, dis_ref):
    counts = degp_ref[0, :, 0:1] + degp_ref[1, :, 0:1]
    dis = lax.rsqrt(counts + 1.0)
    dis_ref[...] = dis
    h = jnp.dot(x_ref[...], w_ref[...], preferred_element_type=jnp.float32)
    out_ref[...] = h * dis


def _tc_mid(aggp_ref, h1p_ref, dis_ref, b_ref, out_ref):
    dis = dis_ref[...]
    z = (aggp_ref[0] + aggp_ref[1] + h1p_ref[...]) * dis + b_ref[...]
    out_ref[...] = z * dis


def _tc_out(aggp_ref, zp_ref, dis_ref, b_ref, w_ref, out_ref):
    t = aggp_ref[0] + aggp_ref[1] + zp_ref[...]
    h2 = jnp.dot(t, w_ref[...], preferred_element_type=jnp.float32)
    out_ref[...] = h2 * dis_ref[...] + b_ref[...]


def kernel(x, edge_index, W_enc, b_enc, W_dec, b_dec):
    N, D_IN = x.shape
    D_BOT = W_enc.shape[1]
    E = edge_index.shape[1]

    ar = jnp.arange(E_PAD - E, dtype=edge_index.dtype)
    pad_src = ar % NP
    pad_dst = N + ar % (NP - N)
    src = jnp.concatenate([edge_index[0], pad_src]).reshape(E_PAD // K, K)
    dst = jnp.concatenate([edge_index[1], pad_dst]).reshape(E_PAD // K, K)
    x_pad = jnp.pad(x, ((0, NP - N), (0, 0)))

    ones1 = jnp.ones((K, 16), jnp.float32)
    zeros1 = jnp.zeros((NP, 16), jnp.float32)
    zeros_bot = jnp.zeros((ZR, D_BOT), jnp.float32)

    degp = _deg(dst, ones1, zeros1)

    h1p, dis = pl.pallas_call(
        _tc_enc,
        out_shape=(jax.ShapeDtypeStruct((NP, D_BOT), jnp.float32),
                   jax.ShapeDtypeStruct((NP, 1), jnp.float32)),
    )(x_pad, W_enc, degp)

    agg1 = _agg64(src, dst, h1p, zeros_bot)

    zp = pl.pallas_call(
        _tc_mid,
        out_shape=jax.ShapeDtypeStruct((NP, D_BOT), jnp.float32),
    )(agg1, h1p, dis, b_enc.reshape(1, D_BOT))

    agg2 = _agg64(src, dst, zp, zeros_bot)

    out = pl.pallas_call(
        _tc_out,
        out_shape=jax.ShapeDtypeStruct((NP, D_IN), jnp.float32),
    )(agg2, zp, dis, b_dec.reshape(1, D_IN), W_dec)

    return out[:N]

# --- scband reference (transcript-rebuilt; emitter-appended) ---
"""Pipeline reference for scband-shallow-gnnauto-encoder-88313117541119 (READ-ONLY COPY).

The authoritative reference and input builder live on the scoring server;
editing this copy changes nothing except your own understanding.
"""

import jax, jax.numpy as jnp
import numpy as np

N_NODES = 10000
N_EDGES = 320000
D_IN = 128
D_BOT = 64


def setup_inputs(seed: int = 0) -> dict:
    key = jax.random.key(seed)
    k1, k2, k3, k4, k5, k6 = jax.random.split(key, 6)
    x = jax.random.normal(k1, (N_NODES, D_IN), dtype=jnp.float32)
    edge_index = jax.random.randint(k2, (2, N_EDGES), 0, N_NODES, dtype=jnp.int32)
    # GCNConv parameters (glorot-style init)
    W_enc = jax.random.normal(k3, (D_IN, D_BOT), dtype=jnp.float32) * (1.0 / np.sqrt(D_IN))
    b_enc = jnp.zeros((D_BOT,), dtype=jnp.float32)
    W_dec = jax.random.normal(k4, (D_BOT, D_IN), dtype=jnp.float32) * (1.0 / np.sqrt(D_BOT))
    b_dec = jnp.zeros((D_IN,), dtype=jnp.float32)
    return {"x": x, "edge_index": edge_index, "W_enc": W_enc, "b_enc": b_enc, "W_dec": W_dec, "b_dec": b_dec}


def _gcn_conv(x, edge_index, W, b):
    # Faithful PyG GCNConv: add self-loops, symmetric normalization, linear, scatter-add aggregate, bias.
    N = x.shape[0]
    loop = jnp.arange(N, dtype=edge_index.dtype)
    src = jnp.concatenate([edge_index[0], loop])
    dst = jnp.concatenate([edge_index[1], loop])
    deg = jnp.zeros((N,), dtype=x.dtype).at[dst].add(1.0)
    deg_inv_sqrt = jnp.where(deg > 0, 1.0 / jnp.sqrt(deg), 0.0)
    norm = deg_inv_sqrt[src] * deg_inv_sqrt[dst]
    h = x @ W
    msg = jnp.take(h, src, axis=0) * norm[:, None]
    out = jnp.zeros((N, W.shape[1]), dtype=x.dtype).at[dst].add(msg)
    return out + b


def reference(x, edge_index, W_enc, b_enc, W_dec, b_dec):
    z = _gcn_conv(x, edge_index, W_enc, b_enc)   # encoder (no activation per module)
    out = _gcn_conv(z, edge_index, W_dec, b_dec)  # decoder
    return out

if __name__ == "__main__":
    import jax
    _d = setup_inputs()
    print(jax.jit(kernel)(*tuple(_d.values())))

</pallas_src>

<mosaic_0001>
#map = affine_map<(d0, d1) -> (0, 0)>
#map1 = affine_map<(d0, d1) -> (0, 0, 0)>
module attributes {stable_mosaic.version = 14 : i64} {
  func.func @agg(%arg0: i32, %arg1: i32, %arg2: memref<2560x128xi32, #tpu.memory_space<hbm>>, %arg3: memref<2560x128xi32, #tpu.memory_space<hbm>>, %arg4: memref<10240x64xf32, #tpu.memory_space<hbm>>, %arg5: memref<160x64xf32, #tpu.memory_space<hbm>>, %arg6: memref<2x10240x64xf32, #tpu.memory_space<hbm>>, %arg7: memref<80x128xi32, #tpu.memory_space<vmem>>, %arg8: memref<80x128xi32, #tpu.memory_space<vmem>>, %arg9: memref<128x64xf32, #tpu.memory_space<vmem>>, %arg10: memref<128x64xf32, #tpu.memory_space<vmem>>, %arg11: memref<128x64xf32, #tpu.memory_space<vmem>>, %arg12: memref<128x64xf32, #tpu.memory_space<vmem>>, %arg13: memref<128x64xf32, #tpu.memory_space<vmem>>, %arg14: memref<160x64xf32, #tpu.memory_space<vmem>>, %arg15: memref<10240x64xf32, #tpu.memory_space<vmem_shared>>, %arg16: memref<!tpu.dma_semaphore, #tpu.memory_space<semaphore_mem>>, %arg17: memref<!tpu.dma_semaphore, #tpu.memory_space<semaphore_mem>>, %arg18: memref<!tpu.dma_semaphore, #tpu.memory_space<semaphore_mem>>, %arg19: memref<!tpu.dma_semaphore, #tpu.memory_space<semaphore_mem>>, %arg20: memref<!tpu.dma_semaphore, #tpu.memory_space<semaphore_mem>>, %arg21: memref<!tpu.dma_semaphore, #tpu.memory_space<semaphore_mem>>, %arg22: memref<!tpu.dma_semaphore, #tpu.memory_space<semaphore_mem>>, %arg23: memref<!tpu.dma_semaphore, #tpu.memory_space<semaphore_mem>>, %arg24: memref<!tpu.dma_semaphore, #tpu.memory_space<semaphore_mem>>, %arg25: memref<!tpu.dma_semaphore, #tpu.memory_space<semaphore_mem>>) attributes {dimension_semantics = [#tpu.dimension_semantics<core_parallel>, #tpu.dimension_semantics<subcore_parallel>], iteration_bounds = array<i64: 2, 16>, scalar_prefetch = 0 : i64, scratch_operands = 19 : i64, tpu.core_type = #tpu.core_type<sc_vector_subcore>, window_params = [{transform_indices = #map}, {transform_indices = #map}, {transform_indices = #map}, {transform_indices = #map}, {transform_indices = #map1}]} {
    %mul3A = arith.constant 2 : i32
    %mul3A_0 = arith.muli %arg1, %mul3A : i32
    %add3A = arith.addi %mul3A_0, %arg0 : i32
    "tpu.trace_start"() <{level = 10 : i32, message = "agg_init"}> : () -> ()
    %mul3A_1 = arith.constant 80 : i32
    %mul3A_2 = arith.muli %add3A, %mul3A_1 : i32
    "tpu.region"() ({
      %run_scoped3A = tpu.sem_alloc : memref<!tpu.dma_semaphore, #tpu.memory_space<semaphore_mem>>
      %dma_start3A = arith.constant 0 : i32
      %dma_start3A_59 = tpu.memref_slice %arg2[%mul3A_2, %dma_start3A] : memref<2560x128xi32, #tpu.memory_space<hbm>> -> memref<80x128xi32, #tpu.memory_space<hbm>>
      %dma_start3A_60 = arith.constant 0 : i32
      %dma_start3A_61 = tpu.memref_slice %arg2[%mul3A_2, %dma_start3A_60] : memref<2560x128xi32, #tpu.memory_space<hbm>> -> memref<80x128xi32, #tpu.memory_space<hbm>>
      tpu.enqueue_dma source(%dma_start3A_61 : memref<80x128xi32, #tpu.memory_space<hbm>>) target(%arg7 : memref<80x128xi32, #tpu.memory_space<vmem>>) target_semaphore(%run_scoped3A : memref<!tpu.dma_semaphore, #tpu.memory_space<semaphore_mem>>)
      %dma_wait3A = arith.constant 0 : i32
      %dma_wait3A_62 = tpu.memref_slice %arg2[%mul3A_2, %dma_wait3A] : memref<2560x128xi32, #tpu.memory_space<hbm>> -> memref<80x128xi32, #tpu.memory_space<hbm>>
      %dma_wait3A_63 = arith.constant 0 : i32
      %dma_wait3A_64 = tpu.memref_slice %arg2[%mul3A_2, %dma_wait3A_63] : memref<2560x128xi32, #tpu.memory_space<hbm>> -> memref<80x128xi32, #tpu.memory_space<hbm>>
      tpu.wait_dma2 semaphore(%run_scoped3A : memref<!tpu.dma_semaphore, #tpu.memory_space<semaphore_mem>>) src(%dma_wait3A_64 : memref<80x128xi32, #tpu.memory_space<hbm>>) dst(%arg7 : memref<80x128xi32, #tpu.memory_space<vmem>>)
      tpu.yield
    }) : () -> ()
    %mul3A_3 = arith.constant 80 : i32
    %mul3A_4 = arith.muli %add3A, %mul3A_3 : i32
    "tpu.region"() ({
      %run_scoped3A = tpu.sem_alloc : memref<!tpu.dma_semaphore, #tpu.memory_space<semaphore_mem>>
      %dma_start3A = arith.constant 0 : i32
      %dma_start3A_59 = tpu.memref_slice %arg3[%mul3A_4, %dma_start3A] : memref<2560x128xi32, #tpu.memory_space<hbm>> -> memref<80x128xi32, #tpu.memory_space<hbm>>
      %dma_start3A_60 = arith.constant 0 : i32
      %dma_start3A_61 = tpu.memref_slice %arg3[%mul3A_4, %dma_start3A_60] : memref<2560x128xi32, #tpu.memory_space<hbm>> -> memref<80x128xi32, #tpu.memory_space<hbm>>
      tpu.enqueue_dma source(%dma_start3A_61 : memref<80x128xi32, #tpu.memory_space<hbm>>) target(%arg8 : memref<80x128xi32, #tpu.memory_space<vmem>>) target_semaphore(%run_scoped3A : memref<!tpu.dma_semaphore, #tpu.memory_space<semaphore_mem>>)
      %dma_wait3A = arith.constant 0 : i32
      %dma_wait3A_62 = tpu.memref_slice %arg3[%mul3A_4, %dma_wait3A] : memref<2560x128xi32, #tpu.memory_space<hbm>> -> memref<80x128xi32, #tpu.memory_space<hbm>>
      %dma_wait3A_63 = arith.constant 0 : i32
      %dma_wait3A_64 = tpu.memref_slice %arg3[%mul3A_4, %dma_wait3A_63] : memref<2560x128xi32, #tpu.memory_space<hbm>> -> memref<80x128xi32, #tpu.memory_space<hbm>>
      tpu.wait_dma2 semaphore(%run_scoped3A : memref<!tpu.dma_semaphore, #tpu.memory_space<semaphore_mem>>) src(%dma_wait3A_64 : memref<80x128xi32, #tpu.memory_space<hbm>>) dst(%arg8 : memref<80x128xi32, #tpu.memory_space<vmem>>)
      tpu.yield
    }) : () -> ()
    "tpu.region"() ({
      %run_scoped3A = tpu.sem_alloc : memref<!tpu.dma_semaphore, #tpu.memory_space<semaphore_mem>>
      tpu.enqueue_dma source(%arg5 : memref<160x64xf32, #tpu.memory_space<hbm>>) target(%arg14 : memref<160x64xf32, #tpu.memory_space<vmem>>) target_semaphore(%run_scoped3A : memref<!tpu.dma_semaphore, #tpu.memory_space<semaphore_mem>>)
      tpu.wait_dma2 semaphore(%run_scoped3A : memref<!tpu.dma_semaphore, #tpu.memory_space<semaphore_mem>>) src(%arg5 : memref<160x64xf32, #tpu.memory_space<hbm>>) dst(%arg14 : memref<160x64xf32, #tpu.memory_space<vmem>>)
      tpu.yield
    }) : () -> ()
    %mul3A_5 = arith.constant 640 : i32
    %mul3A_6 = arith.muli %arg1, %mul3A_5 : i32
    %add3A_7 = arith.constant 0 : i32
    %add3A_8 = arith.addi %mul3A_6, %add3A_7 : i32
    "tpu.region"() ({
      %run_scoped3A = tpu.sem_alloc : memref<!tpu.dma_semaphore, #tpu.memory_space<semaphore_mem>>
      %dma_start3A = arith.constant 0 : i32
      %dma_start3A_59 = tpu.memref_slice %arg15[%add3A_8, %dma_start3A] : memref<10240x64xf32, #tpu.memory_space<vmem_shared>> -> memref<160x64xf32, #tpu.memory_space<vmem_shared>>
      %dma_start3A_60 = arith.constant 0 : i32
      %dma_start3A_61 = tpu.memref_slice %arg15[%add3A_8, %dma_start3A_60] : memref<10240x64xf32, #tpu.memory_space<vmem_shared>> -> memref<160x64xf32, #tpu.memory_space<vmem_shared>>
      tpu.enqueue_dma source(%arg14 : memref<160x64xf32, #tpu.memory_space<vmem>>) target(%dma_start3A_61 : memref<160x64xf32, #tpu.memory_space<vmem_shared>>) target_semaphore(%run_scoped3A : memref<!tpu.dma_semaphore, #tpu.memory_space<semaphore_mem>>)
      %dma_wait3A = arith.constant 0 : i32
      %dma_wait3A_62 = tpu.memref_slice %arg15[%add3A_8, %dma_wait3A] : memref<10240x64xf32, #tpu.memory_space<vmem_shared>> -> memref<160x64xf32, #tpu.memory_space<vmem_shared>>
      %dma_wait3A_63 = arith.constant 0 : i32
      %dma_wait3A_64 = tpu.memref_slice %arg15[%add3A_8, %dma_wait3A_63] : memref<10240x64xf32, #tpu.memory_space<vmem_shared>> -> memref<160x64xf32, #tpu.memory_space<vmem_shared>>
      tpu.wait_dma2 semaphore(%run_scoped3A : memref<!tpu.dma_semaphore, #tpu.memory_space<semaphore_mem>>) src(%arg14 : memref<160x64xf32, #tpu.memory_space<vmem>>) dst(%dma_wait3A_64 : memref<160x64xf32, #tpu.memory_space<vmem_shared>>)
      tpu.yield
    }) : () -> ()
    %mul3A_9 = arith.constant 640 : i32
    %mul3A_10 = arith.muli %arg1, %mul3A_9 : i32
    %add3A_11 = arith.constant 160 : i32
    %add3A_12 = arith.addi %mul3A_10, %add3A_11 : i32
    "tpu.region"() ({
      %run_scoped3A = tpu.sem_alloc : memref<!tpu.dma_semaphore, #tpu.memory_space<semaphore_mem>>
      %dma_start3A = arith.constant 0 : i32
      %dma_start3A_59 = tpu.memref_slice %arg15[%add3A_12, %dma_start3A] : memref<10240x64xf32, #tpu.memory_space<vmem_shared>> -> memref<160x64xf32, #tpu.memory_space<vmem_shared>>
      %dma_start3A_60 = arith.constant 0 : i32
      %dma_start3A_61 = tpu.memref_slice %arg15[%add3A_12, %dma_start3A_60] : memref<10240x64xf32, #tpu.memory_space<vmem_shared>> -> memref<160x64xf32, #tpu.memory_space<vmem_shared>>
      tpu.enqueue_dma source(%arg14 : memref<160x64xf32, #tpu.memory_space<vmem>>) target(%dma_start3A_61 : memref<160x64xf32, #tpu.memory_space<vmem_shared>>) target_semaphore(%run_scoped3A : memref<!tpu.dma_semaphore, #tpu.memory_space<semaphore_mem>>)
      %dma_wait3A = arith.constant 0 : i32
      %dma_wait3A_62 = tpu.memref_slice %arg15[%add3A_12, %dma_wait3A] : memref<10240x64xf32, #tpu.memory_space<vmem_shared>> -> memref<160x64xf32, #tpu.memory_space<vmem_shared>>
      %dma_wait3A_63 = arith.constant 0 : i32
      %dma_wait3A_64 = tpu.memref_slice %arg15[%add3A_12, %dma_wait3A_63] : memref<10240x64xf32, #tpu.memory_space<vmem_shared>> -> memref<160x64xf32, #tpu.memory_space<vmem_shared>>
      tpu.wait_dma2 semaphore(%run_scoped3A : memref<!tpu.dma_semaphore, #tpu.memory_space<semaphore_mem>>) src(%arg14 : memref<160x64xf32, #tpu.memory_space<vmem>>) dst(%dma_wait3A_64 : memref<160x64xf32, #tpu.memory_space<vmem_shared>>)
      tpu.yield
    }) : () -> ()
    %mul3A_13 = arith.constant 640 : i32
    %mul3A_14 = arith.muli %arg1, %mul3A_13 : i32
    %add3A_15 = arith.constant 320 : i32
    %add3A_16 = arith.addi %mul3A_14, %add3A_15 : i32
    "tpu.region"() ({
      %run_scoped3A = tpu.sem_alloc : memref<!tpu.dma_semaphore, #tpu.memory_space<semaphore_mem>>
      %dma_start3A = arith.constant 0 : i32
      %dma_start3A_59 = tpu.memref_slice %arg15[%add3A_16, %dma_start3A] : memref<10240x64xf32, #tpu.memory_space<vmem_shared>> -> memref<160x64xf32, #tpu.memory_space<vmem_shared>>
      %dma_start3A_60 = arith.constant 0 : i32
      %dma_start3A_61 = tpu.memref_slice %arg15[%add3A_16, %dma_start3A_60] : memref<10240x64xf32, #tpu.memory_space<vmem_shared>> -> memref<160x64xf32, #tpu.memory_space<vmem_shared>>
      tpu.enqueue_dma source(%arg14 : memref<160x64xf32, #tpu.memory_space<vmem>>) target(%dma_start3A_61 : memref<160x64xf32, #tpu.memory_space<vmem_shared>>) target_semaphore(%run_scoped3A : memref<!tpu.dma_semaphore, #tpu.memory_space<semaphore_mem>>)
      %dma_wait3A = arith.constant 0 : i32
      %dma_wait3A_62 = tpu.memref_slice %arg15[%add3A_16, %dma_wait3A] : memref<10240x64xf32, #tpu.memory_space<vmem_shared>> -> memref<160x64xf32, #tpu.memory_space<vmem_shared>>
      %dma_wait3A_63 = arith.constant 0 : i32
      %dma_wait3A_64 = tpu.memref_slice %arg15[%add3A_16, %dma_wait3A_63] : memref<10240x64xf32, #tpu.memory_space<vmem_shared>> -> memref<160x64xf32, #tpu.memory_space<vmem_shared>>
      tpu.wait_dma2 semaphore(%run_scoped3A : memref<!tpu.dma_semaphore, #tpu.memory_space<semaphore_mem>>) src(%arg14 : memref<160x64xf32, #tpu.memory_space<vmem>>) dst(%dma_wait3A_64 : memref<160x64xf32, #tpu.memory_space<vmem_shared>>)
      tpu.yield
    }) : () -> ()
    %mul3A_17 = arith.constant 640 : i32
    %mul3A_18 = arith.muli %arg1, %mul3A_17 : i32
    %add3A_19 = arith.constant 480 : i32
    %add3A_20 = arith.addi %mul3A_18, %add3A_19 : i32
    "tpu.region"() ({
      %run_scoped3A = tpu.sem_alloc : memref<!tpu.dma_semaphore, #tpu.memory_space<semaphore_mem>>
      %dma_start3A = arith.constant 0 : i32
      %dma_start3A_59 = tpu.memref_slice %arg15[%add3A_20, %dma_start3A] : memref<10240x64xf32, #tpu.memory_space<vmem_shared>> -> memref<160x64xf32, #tpu.memory_space<vmem_shared>>
      %dma_start3A_60 = arith.constant 0 : i32
      %dma_start3A_61 = tpu.memref_slice %arg15[%add3A_20, %dma_start3A_60] : memref<10240x64xf32, #tpu.memory_space<vmem_shared>> -> memref<160x64xf32, #tpu.memory_space<vmem_shared>>
      tpu.enqueue_dma source(%arg14 : memref<160x64xf32, #tpu.memory_space<vmem>>) target(%dma_start3A_61 : memref<160x64xf32, #tpu.memory_space<vmem_shared>>) target_semaphore(%run_scoped3A : memref<!tpu.dma_semaphore, #tpu.memory_space<semaphore_mem>>)
      %dma_wait3A = arith.constant 0 : i32
      %dma_wait3A_62 = tpu.memref_slice %arg15[%add3A_20, %dma_wait3A] : memref<10240x64xf32, #tpu.memory_space<vmem_shared>> -> memref<160x64xf32, #tpu.memory_space<vmem_shared>>
      %dma_wait3A_63 = arith.constant 0 : i32
      %dma_wait3A_64 = tpu.memref_slice %arg15[%add3A_20, %dma_wait3A_63] : memref<10240x64xf32, #tpu.memory_space<vmem_shared>> -> memref<160x64xf32, #tpu.memory_space<vmem_shared>>
      tpu.wait_dma2 semaphore(%run_scoped3A : memref<!tpu.dma_semaphore, #tpu.memory_space<semaphore_mem>>) src(%arg14 : memref<160x64xf32, #tpu.memory_space<vmem>>) dst(%dma_wait3A_64 : memref<160x64xf32, #tpu.memory_space<vmem_shared>>)
      tpu.yield
    }) : () -> ()
    %barrier3A = arith.constant 0 : index
    tpu.barrier barrier_id(%barrier3A)
    "tpu.trace_stop"() : () -> ()
    "tpu.trace_start"() <{level = 10 : i32, message = "agg_gather"}> : () -> ()
    %scan3A = arith.constant 0 : i32
    %scan3A_21 = arith.constant 0 : i32
    %scan3A_22 = arith.constant 16 : i32
    %scan3A_23 = arith.addi %scan3A_21, %scan3A_22 : i32
    %scan3A_24 = arith.constant 1 : i32
    scf.for %scan3A_59 = %scan3A_21 to %scan3A_23 step %scan3A_24  : i32 {
      %mul3A_60 = arith.constant 5 : i32
      %mul3A_61 = arith.muli %scan3A_59, %mul3A_60 : i32
      %add3A_62 = arith.constant 0 : i32
      %add3A_63 = arith.addi %mul3A_61, %add3A_62 : i32
      %dma_start3A = arith.constant 0 : i32
      %dma_start3A_64 = tpu.memref_slice %arg7[%add3A_63, %dma_start3A] : memref<80x128xi32, #tpu.memory_space<vmem>> -> memref<1x128xi32, #tpu.memory_space<vmem>>
      %dma_start3A_65 = tpu.memref_squeeze %dma_start3A_64 : memref<1x128xi32, #tpu.memory_space<vmem>> -> memref<128xi32, #tpu.memory_space<vmem>>
      %dma_start3A_66 = arith.constant 0 : i32
      %dma_start3A_67 = arith.constant 0 : i32
      %dma_start3A_68 = tpu.memref_slice %arg4[%dma_start3A_66, %dma_start3A_67] : memref<10240x64xf32, #tpu.memory_space<hbm>> -> memref<10240x64xf32, #tpu.memory_space<hbm>>
      tpu.enqueue_indirect_dma source(%dma_start3A_68 : memref<10240x64xf32, #tpu.memory_space<hbm>>) target(%arg9 : memref<128x64xf32, #tpu.memory_space<vmem>>) offsets(%dma_start3A_65 : memref<128xi32, #tpu.memory_space<vmem>>) semaphore(%arg16 : memref<!tpu.dma_semaphore, #tpu.memory_space<semaphore_mem>>)
      %mul3A_69 = arith.constant 5 : i32
      %mul3A_70 = arith.muli %scan3A_59, %mul3A_69 : i32
      %add3A_71 = arith.constant 1 : i32
      %add3A_72 = arith.addi %mul3A_70, %add3A_71 : i32
      %dma_start3A_73 = arith.constant 0 : i32
      %dma_start3A_74 = tpu.memref_slice %arg7[%add3A_72, %dma_start3A_73] : memref<80x128xi32, #tpu.memory_space<vmem>> -> memref<1x128xi32, #tpu.memory_space<vmem>>
      %dma_start3A_75 = tpu.memref_squeeze %dma_start3A_74 : memref<1x128xi32, #tpu.memory_space<vmem>> -> memref<128xi32, #tpu.memory_space<vmem>>
      %dma_start3A_76 = arith.constant 0 : i32
      %dma_start3A_77 = arith.constant 0 : i32
      %dma_start3A_78 = tpu.memref_slice %arg4[%dma_start3A_76, %dma_start3A_77] : memref<10240x64xf32, #tpu.memory_space<hbm>> -> memref<10240x64xf32, #tpu.memory_space<hbm>>
      tpu.enqueue_indirect_dma source(%dma_start3A_78 : memref<10240x64xf32, #tpu.memory_space<hbm>>) target(%arg10 : memref<128x64xf32, #tpu.memory_space<vmem>>) offsets(%dma_start3A_75 : memref<128xi32, #tpu.memory_space<vmem>>) semaphore(%arg17 : memref<!tpu.dma_semaphore, #tpu.memory_space<semaphore_mem>>)
      %mul3A_79 = arith.constant 5 : i32
      %mul3A_80 = arith.muli %scan3A_59, %mul3A_79 : i32
      %add3A_81 = arith.constant 2 : i32
      %add3A_82 = arith.addi %mul3A_80, %add3A_81 : i32
      %dma_start3A_83 = arith.constant 0 : i32
      %dma_start3A_84 = tpu.memref_slice %arg7[%add3A_82, %dma_start3A_83] : memref<80x128xi32, #tpu.memory_space<vmem>> -> memref<1x128xi32, #tpu.memory_space<vmem>>
      %dma_start3A_85 = tpu.memref_squeeze %dma_start3A_84 : memref<1x128xi32, #tpu.memory_space<vmem>> -> memref<128xi32, #tpu.memory_space<vmem>>
      %dma_start3A_86 = arith.constant 0 : i32
      %dma_start3A_87 = arith.constant 0 : i32
      %dma_start3A_88 = tpu.memref_slice %arg4[%dma_start3A_86, %dma_start3A_87] : memref<10240x64xf32, #tpu.memory_space<hbm>> -> memref<10240x64xf32, #tpu.memory_space<hbm>>
      tpu.enqueue_indirect_dma source(%dma_start3A_88 : memref<10240x64xf32, #tpu.memory_space<hbm>>) target(%arg11 : memref<128x64xf32, #tpu.memory_space<vmem>>) offsets(%dma_start3A_85 : memref<128xi32, #tpu.memory_space<vmem>>) semaphore(%arg18 : memref<!tpu.dma_semaphore, #tpu.memory_space<semaphore_mem>>)
      %mul3A_89 = arith.constant 5 : i32
      %mul3A_90 = arith.muli %scan3A_59, %mul3A_89 : i32
      %add3A_91 = arith.constant 3 : i32
      %add3A_92 = arith.addi %mul3A_90, %add3A_91 : i32
      %dma_start3A_93 = arith.constant 0 : i32
      %dma_start3A_94 = tpu.memref_slice %arg7[%add3A_92, %dma_start3A_93] : memref<80x128xi32, #tpu.memory_space<vmem>> -> memref<1x128xi32, #tpu.memory_space<vmem>>
      %dma_start3A_95 = tpu.memref_squeeze %dma_start3A_94 : memref<1x128xi32, #tpu.memory_space<vmem>> -> memref<128xi32, #tpu.memory_space<vmem>>
      %dma_start3A_96 = arith.constant 0 : i32
      %dma_start3A_97 = arith.constant 0 : i32
      %dma_start3A_98 = tpu.memref_slice %arg4[%dma_start3A_96, %dma_start3A_97] : memref<10240x64xf32, #tpu.memory_space<hbm>> -> memref<10240x64xf32, #tpu.memory_space<hbm>>
      tpu.enqueue_indirect_dma source(%dma_start3A_98 : memref<10240x64xf32, #tpu.memory_space<hbm>>) target(%arg12 : memref<128x64xf32, #tpu.memory_space<vmem>>) offsets(%dma_start3A_95 : memref<128xi32, #tpu.memory_space<vmem>>) semaphore(%arg19 : memref<!tpu.dma_semaphore, #tpu.memory_space<semaphore_mem>>)
      %mul3A_99 = arith.constant 5 : i32
      %mul3A_100 = arith.muli %scan3A_59, %mul3A_99 : i32
      %add3A_101 = arith.constant 4 : i32
      %add3A_102 = arith.addi %mul3A_100, %add3A_101 : i32
      %dma_start3A_103 = arith.constant 0 : i32
      %dma_start3A_104 = tpu.memref_slice %arg7[%add3A_102, %dma_start3A_103] : memref<80x128xi32, #tpu.memory_space<vmem>> -> memref<1x128xi32, #tpu.memory_space<vmem>>
      %dma_start3A_105 = tpu.memref_squeeze %dma_start3A_104 : memref<1x128xi32, #tpu.memory_space<vmem>> -> memref<128xi32, #tpu.memory_space<vmem>>
      %dma_start3A_106 = arith.constant 0 : i32
      %dma_start3A_107 = arith.constant 0 : i32
      %dma_start3A_108 = tpu.memref_slice %arg4[%dma_start3A_106, %dma_start3A_107] : memref<10240x64xf32, #tpu.memory_space<hbm>> -> memref<10240x64xf32, #tpu.memory_space<hbm>>
      tpu.enqueue_indirect_dma source(%dma_start3A_108 : memref<10240x64xf32, #tpu.memory_space<hbm>>) target(%arg13 : memref<128x64xf32, #tpu.memory_space<vmem>>) offsets(%dma_start3A_105 : memref<128xi32, #tpu.memory_space<vmem>>) semaphore(%arg20 : memref<!tpu.dma_semaphore, #tpu.memory_space<semaphore_mem>>)
      %dma_wait3A = arith.constant 0 : i32
      %dma_wait3A_109 = tpu.memref_slice %arg7[%add3A_63, %dma_wait3A] : memref<80x128xi32, #tpu.memory_space<vmem>> -> memref<1x128xi32, #tpu.memory_space<vmem>>
      %dma_wait3A_110 = tpu.memref_squeeze %dma_wait3A_109 : memref<1x128xi32, #tpu.memory_space<vmem>> -> memref<128xi32, #tpu.memory_space<vmem>>
      %dma_wait3A_111 = arith.constant 0 : i32
      %dma_wait3A_112 = arith.constant 0 : i32
      %dma_wait3A_113 = tpu.memref_slice %arg4[%dma_wait3A_111, %dma_wait3A_112] : memref<10240x64xf32, #tpu.memory_space<hbm>> -> memref<10240x64xf32, #tpu.memory_space<hbm>>
      tpu.wait_indirect_dma semaphore(%arg16 : memref<!tpu.dma_semaphore, #tpu.memory_space<semaphore_mem>>) src(%dma_wait3A_113 : memref<10240x64xf32, #tpu.memory_space<hbm>>) dst(%arg9 : memref<128x64xf32, #tpu.memory_space<vmem>>)
      %mul3A_114 = arith.constant 5 : i32
      %mul3A_115 = arith.muli %scan3A_59, %mul3A_114 : i32
      %add3A_116 = arith.constant 0 : i32
      %add3A_117 = arith.addi %mul3A_115, %add3A_116 : i32
      %dma_start3A_118 = arith.constant 0 : i32
      %dma_start3A_119 = tpu.memref_slice %arg8[%add3A_117, %dma_start3A_118] : memref<80x128xi32, #tpu.memory_space<vmem>> -> memref<1x128xi32, #tpu.memory_space<vmem>>
      %dma_start3A_120 = tpu.memref_squeeze %dma_start3A_119 : memref<1x128xi32, #tpu.memory_space<vmem>> -> memref<128xi32, #tpu.memory_space<vmem>>
      %dma_start3A_121 = arith.constant 0 : i32
      %dma_start3A_122 = arith.constant 0 : i32
      %dma_start3A_123 = tpu.memref_slice %arg15[%dma_start3A_121, %dma_start3A_122] : memref<10240x64xf32, #tpu.memory_space<vmem_shared>> -> memref<10240x64xf32, #tpu.memory_space<vmem_shared>>
      tpu.enqueue_indirect_dma source(%arg9 : memref<128x64xf32, #tpu.memory_space<vmem>>) target(%dma_start3A_123 : memref<10240x64xf32, #tpu.memory_space<vmem_shared>>) offsets(%dma_start3A_120 : memref<128xi32, #tpu.memory_space<vmem>>) semaphore(%arg21 : memref<!tpu.dma_semaphore, #tpu.memory_space<semaphore_mem>>) {add = true}
      %dma_wait3A_124 = arith.constant 0 : i32
      %dma_wait3A_125 = tpu.memref_slice %arg7[%add3A_72, %dma_wait3A_124] : memref<80x128xi32, #tpu.memory_space<vmem>> -> memref<1x128xi32, #tpu.memory_space<vmem>>
      %dma_wait3A_126 = tpu.memref_squeeze %dma_wait3A_125 : memref<1x128xi32, #tpu.memory_space<vmem>> -> memref<128xi32, #tpu.memory_space<vmem>>
      %dma_wait3A_127 = arith.constant 0 : i32
      %dma_wait3A_128 = arith.constant 0 : i32
      %dma_wait3A_129 = tpu.memref_slice %arg4[%dma_wait3A_127, %dma_wait3A_128] : memref<10240x64xf32, #tpu.memory_space<hbm>> -> memref<10240x64xf32, #tpu.memory_space<hbm>>
      tpu.wait_indirect_dma semaphore(%arg17 : memref<!tpu.dma_semaphore, #tpu.memory_space<semaphore_mem>>) src(%dma_wait3A_129 : memref<10240x64xf32, #tpu.memory_space<hbm>>) dst(%arg10 : memref<128x64xf32, #tpu.memory_space<vmem>>)
      %mul3A_130 = arith.constant 5 : i32
      %mul3A_131 = arith.muli %scan3A_59, %mul3A_130 : i32
      %add3A_132 = arith.constant 1 : i32
      %add3A_133 = arith.addi %mul3A_131, %add3A_132 : i32
      %dma_start3A_134 = arith.constant 0 : i32
      %dma_start3A_135 = tpu.memref_slice %arg8[%add3A_133, %dma_start3A_134] : memref<80x128xi32, #tpu.memory_space<vmem>> -> memref<1x128xi32, #tpu.memory_space<vmem>>
      %dma_start3A_136 = tpu.memref_squeeze %dma_start3A_135 : memref<1x128xi32, #tpu.memory_space<vmem>> -> memref<128xi32, #tpu.memory_space<vmem>>
      %dma_start3A_137 = arith.constant 0 : i32
      %dma_start3A_138 = arith.constant 0 : i32
      %dma_start3A_139 = tpu.memref_slice %arg15[%dma_start3A_137, %dma_start3A_138] : memref<10240x64xf32, #tpu.memory_space<vmem_shared>> -> memref<10240x64xf32, #tpu.memory_space<vmem_shared>>
      tpu.enqueue_indirect_dma source(%arg10 : memref<128x64xf32, #tpu.memory_space<vmem>>) target(%dma_start3A_139 : memref<10240x64xf32, #tpu.memory_space<vmem_shared>>) offsets(%dma_start3A_136 : memref<128xi32, #tpu.memory_space<vmem>>) semaphore(%arg22 : memref<!tpu.dma_semaphore, #tpu.memory_space<semaphore_mem>>) {add = true}
      %dma_wait3A_140 = arith.constant 0 : i32
      %dma_wait3A_141 = tpu.memref_slice %arg7[%add3A_82, %dma_wait3A_140] : memref<80x128xi32, #tpu.memory_space<vmem>> -> memref<1x128xi32, #tpu.memory_space<vmem>>
      %dma_wait3A_142 = tpu.memref_squeeze %dma_wait3A_141 : memref<1x128xi32, #tpu.memory_space<vmem>> -> memref<128xi32, #tpu.memory_space<vmem>>
      %dma_wait3A_143 = arith.constant 0 : i32
      %dma_wait3A_144 = arith.constant 0 : i32
      %dma_wait3A_145 = tpu.memref_slice %arg4[%dma_wait3A_143, %dma_wait3A_144] : memref<10240x64xf32, #tpu.memory_space<hbm>> -> memref<10240x64xf32, #tpu.memory_space<hbm>>
      tpu.wait_indirect_dma semaphore(%arg18 : memref<!tpu.dma_semaphore, #tpu.memory_space<semaphore_mem>>) src(%dma_wait3A_145 : memref<10240x64xf32, #tpu.memory_space<hbm>>) dst(%arg11 : memref<128x64xf32, #tpu.memory_space<vmem>>)
      %mul3A_146 = arith.constant 5 : i32
      %mul3A_147 = arith.muli %scan3A_59, %mul3A_146 : i32
      %add3A_148 = arith.constant 2 : i32
      %add3A_149 = arith.addi %mul3A_147, %add3A_148 : i32
      %dma_start3A_150 = arith.constant 0 : i32
      %dma_start3A_151 = tpu.memref_slice %arg8[%add3A_149, %dma_start3A_150] : memref<80x128xi32, #tpu.memory_space<vmem>> -> memref<1x128xi32, #tpu.memory_space<vmem>>
      %dma_start3A_152 = tpu.memref_squeeze %dma_start3A_151 : memref<1x128xi32, #tpu.memory_space<vmem>> -> memref<128xi32, #tpu.memory_space<vmem>>
      %dma_start3A_153 = arith.constant 0 : i32
      %dma_start3A_154 = arith.constant 0 : i32
      %dma_start3A_155 = tpu.memref_slice %arg15[%dma_start3A_153, %dma_start3A_154] : memref<10240x64xf32, #tpu.memory_space<vmem_shared>> -> memref<10240x64xf32, #tpu.memory_space<vmem_shared>>
      tpu.enqueue_indirect_dma source(%arg11 : memref<128x64xf32, #tpu.memory_space<vmem>>) target(%dma_start3A_155 : memref<10240x64xf32, #tpu.memory_space<vmem_shared>>) offsets(%dma_start3A_152 : memref<128xi32, #tpu.memory_space<vmem>>) semaphore(%arg23 : memref<!tpu.dma_semaphore, #tpu.memory_space<semaphore_mem>>) {add = true}
      %dma_wait3A_156 = arith.constant 0 : i32
      %dma_wait3A_157 = tpu.memref_slice %arg7[%add3A_92, %dma_wait3A_156] : memref<80x128xi32, #tpu.memory_space<vmem>> -> memref<1x128xi32, #tpu.memory_space<vmem>>
      %dma_wait3A_158 = tpu.memref_squeeze %dma_wait3A_157 : memref<1x128xi32, #tpu.memory_space<vmem>> -> memref<128xi32, #tpu.memory_space<vmem>>
      %dma_wait3A_159 = arith.constant 0 : i32
      %dma_wait3A_160 = arith.constant 0 : i32
      %dma_wait3A_161 = tpu.memref_slice %arg4[%dma_wait3A_159, %dma_wait3A_160] : memref<10240x64xf32, #tpu.memory_space<hbm>> -> memref<10240x64xf32, #tpu.memory_space<hbm>>
      tpu.wait_indirect_dma semaphore(%arg19 : memref<!tpu.dma_semaphore, #tpu.memory_space<semaphore_mem>>) src(%dma_wait3A_161 : memref<10240x64xf32, #tpu.memory_space<hbm>>) dst(%arg12 : memref<128x64xf32, #tpu.memory_space<vmem>>)
      %mul3A_162 = arith.constant 5 : i32
      %mul3A_163 = arith.muli %scan3A_59, %mul3A_162 : i32
      %add3A_164 = arith.constant 3 : i32
      %add3A_165 = arith.addi %mul3A_163, %add3A_164 : i32
      %dma_start3A_166 = arith.constant 0 : i32
      %dma_start3A_167 = tpu.memref_slice %arg8[%add3A_165, %dma_start3A_166] : memref<80x128xi32, #tpu.memory_space<vmem>> -> memref<1x128xi32, #tpu.memory_space<vmem>>
      %dma_start3A_168 = tpu.memref_squeeze %dma_start3A_167 : memref<1x128xi32, #tpu.memory_space<vmem>> -> memref<128xi32, #tpu.memory_space<vmem>>
      %dma_start3A_169 = arith.constant 0 : i32
      %dma_start3A_170 = arith.constant 0 : i32
      %dma_start3A_171 = tpu.memref_slice %arg15[%dma_start3A_169, %dma_start3A_170] : memref<10240x64xf32, #tpu.memory_space<vmem_shared>> -> memref<10240x64xf32, #tpu.memory_space<vmem_shared>>
      tpu.enqueue_indirect_dma source(%arg12 : memref<128x64xf32, #tpu.memory_space<vmem>>) target(%dma_start3A_171 : memref<10240x64xf32, #tpu.memory_space<vmem_shared>>) offsets(%dma_start3A_168 : memref<128xi32, #tpu.memory_space<vmem>>) semaphore(%arg24 : memref<!tpu.dma_semaphore, #tpu.memory_space<semaphore_mem>>) {add = true}
      %dma_wait3A_172 = arith.constant 0 : i32
      %dma_wait3A_173 = tpu.memref_slice %arg7[%add3A_102, %dma_wait3A_172] : memref<80x128xi32, #tpu.memory_space<vmem>> -> memref<1x128xi32, #tpu.memory_space<vmem>>
      %dma_wait3A_174 = tpu.memref_squeeze %dma_wait3A_173 : memref<1x128xi32, #tpu.memory_space<vmem>> -> memref<128xi32, #tpu.memory_space<vmem>>
      %dma_wait3A_175 = arith.constant 0 : i32
      %dma_wait3A_176 = arith.constant 0 : i32
      %dma_wait3A_177 = tpu.memref_slice %arg4[%dma_wait3A_175, %dma_wait3A_176] : memref<10240x64xf32, #tpu.memory_space<hbm>> -> memref<10240x64xf32, #tpu.memory_space<hbm>>
      tpu.wait_indirect_dma semaphore(%arg20 : memref<!tpu.dma_semaphore, #tpu.memory_space<semaphore_mem>>) src(%dma_wait3A_177 : memref<10240x64xf32, #tpu.memory_space<hbm>>) dst(%arg13 : memref<128x64xf32, #tpu.memory_space<vmem>>)
      %mul3A_178 = arith.constant 5 : i32
      %mul3A_179 = arith.muli %scan3A_59, %mul3A_178 : i32
      %add3A_180 = arith.constant 4 : i32
      %add3A_181 = arith.addi %mul3A_179, %add3A_180 : i32
      %dma_start3A_182 = arith.constant 0 : i32
      %dma_start3A_183 = tpu.memref_slice %arg8[%add3A_181, %dma_start3A_182] : memref<80x128xi32, #tpu.memory_space<vmem>> -> memref<1x128xi32, #tpu.memory_space<vmem>>
      %dma_start3A_184 = tpu.memref_squeeze %dma_start3A_183 : memref<1x128xi32, #tpu.memory_space<vmem>> -> memref<128xi32, #tpu.memory_space<vmem>>
      %dma_start3A_185 = arith.constant 0 : i32
      %dma_start3A_186 = arith.constant 0 : i32
      %dma_start3A_187 = tpu.memref_slice %arg15[%dma_start3A_185, %dma_start3A_186] : memref<10240x64xf32, #tpu.memory_space<vmem_shared>> -> memref<10240x64xf32, #tpu.memory_space<vmem_shared>>
      tpu.enqueue_indirect_dma source(%arg13 : memref<128x64xf32, #tpu.memory_space<vmem>>) target(%dma_start3A_187 : memref<10240x64xf32, #tpu.memory_space<vmem_shared>>) offsets(%dma_start3A_184 : memref<128xi32, #tpu.memory_space<vmem>>) semaphore(%arg25 : memref<!tpu.dma_semaphore, #tpu.memory_space<semaphore_mem>>) {add = true}
      %dma_wait3A_188 = arith.constant 0 : i32
      %dma_wait3A_189 = tpu.memref_slice %arg8[%add3A_117, %dma_wait3A_188] : memref<80x128xi32, #tpu.memory_space<vmem>> -> memref<1x128xi32, #tpu.memory_space<vmem>>
      %dma_wait3A_190 = tpu.memref_squeeze %dma_wait3A_189 : memref<1x128xi32, #tpu.memory_space<vmem>> -> memref<128xi32, #tpu.memory_space<vmem>>
      %dma_wait3A_191 = arith.constant 0 : i32
      %dma_wait3A_192 = arith.constant 0 : i32
      %dma_wait3A_193 = tpu.memref_slice %arg15[%dma_wait3A_191, %dma_wait3A_192] : memref<10240x64xf32, #tpu.memory_space<vmem_shared>> -> memref<10240x64xf32, #tpu.memory_space<vmem_shared>>
      tpu.wait_indirect_dma semaphore(%arg21 : memref<!tpu.dma_semaphore, #tpu.memory_space<semaphore_mem>>) src(%arg9 : memref<128x64xf32, #tpu.memory_space<vmem>>) dst(%dma_wait3A_193 : memref<10240x64xf32, #tpu.memory_space<vmem_shared>>)
      %dma_wait3A_194 = arith.constant 0 : i32
      %dma_wait3A_195 = tpu.memref_slice %arg8[%add3A_133, %dma_wait3A_194] : memref<80x128xi32, #tpu.memory_space<vmem>> -> memref<1x128xi32, #tpu.memory_space<vmem>>
      %dma_wait3A_196 = tpu.memref_squeeze %dma_wait3A_195 : memref<1x128xi32, #tpu.memory_space<vmem>> -> memref<128xi32, #tpu.memory_space<vmem>>
      %dma_wait3A_197 = arith.constant 0 : i32
      %dma_wait3A_198 = arith.constant 0 : i32
      %dma_wait3A_199 = tpu.memref_slice %arg15[%dma_wait3A_197, %dma_wait3A_198] : memref<10240x64xf32, #tpu.memory_space<vmem_shared>> -> memref<10240x64xf32, #tpu.memory_space<vmem_shared>>
      tpu.wait_indirect_dma semaphore(%arg22 : memref<!tpu.dma_semaphore, #tpu.memory_space<semaphore_mem>>) src(%arg10 : memref<128x64xf32, #tpu.memory_space<vmem>>) dst(%dma_wait3A_199 : memref<10240x64xf32, #tpu.memory_space<vmem_shared>>)
      %dma_wait3A_200 = arith.constant 0 : i32
      %dma_wait3A_201 = tpu.memref_slice %arg8[%add3A_149, %dma_wait3A_200] : memref<80x128xi32, #tpu.memory_space<vmem>> -> memref<1x128xi32, #tpu.memory_space<vmem>>
      %dma_wait3A_202 = tpu.memref_squeeze %dma_wait3A_201 : memref<1x128xi32, #tpu.memory_space<vmem>> -> memref<128xi32, #tpu.memory_space<vmem>>
      %dma_wait3A_203 = arith.constant 0 : i32
      %dma_wait3A_204 = arith.constant 0 : i32
      %dma_wait3A_205 = tpu.memref_slice %arg15[%dma_wait3A_203, %dma_wait3A_204] : memref<10240x64xf32, #tpu.memory_space<vmem_shared>> -> memref<10240x64xf32, #tpu.memory_space<vmem_shared>>
      tpu.wait_indirect_dma semaphore(%arg23 : memref<!tpu.dma_semaphore, #tpu.memory_space<semaphore_mem>>) src(%arg11 : memref<128x64xf32, #tpu.memory_space<vmem>>) dst(%dma_wait3A_205 : memref<10240x64xf32, #tpu.memory_space<vmem_shared>>)
      %dma_wait3A_206 = arith.constant 0 : i32
      %dma_wait3A_207 = tpu.memref_slice %arg8[%add3A_165, %dma_wait3A_206] : memref<80x128xi32, #tpu.memory_space<vmem>> -> memref<1x128xi32, #tpu.memory_space<vmem>>
      %dma_wait3A_208 = tpu.memref_squeeze %dma_wait3A_207 : memref<1x128xi32, #tpu.memory_space<vmem>> -> memref<128xi32, #tpu.memory_space<vmem>>
      %dma_wait3A_209 = arith.constant 0 : i32
      %dma_wait3A_210 = arith.constant 0 : i32
      %dma_wait3A_211 = tpu.memref_slice %arg15[%dma_wait3A_209, %dma_wait3A_210] : memref<10240x64xf32, #tpu.memory_space<vmem_shared>> -> memref<10240x64xf32, #tpu.memory_space<vmem_shared>>
      tpu.wait_indirect_dma semaphore(%arg24 : memref<!tpu.dma_semaphore, #tpu.memory_space<semaphore_mem>>) src(%arg12 : memref<128x64xf32, #tpu.memory_space<vmem>>) dst(%dma_wait3A_211 : memref<10240x64xf32, #tpu.memory_space<vmem_shared>>)
      %dma_wait3A_212 = arith.constant 0 : i32
      %dma_wait3A_213 = tpu.memref_slice %arg8[%add3A_181, %dma_wait3A_212] : memref<80x128xi32, #tpu.memory_space<vmem>> -> memref<1x128xi32, #tpu.memory_space<vmem>>
      %dma_wait3A_214 = tpu.memref_squeeze %dma_wait3A_213 : memref<1x128xi32, #tpu.memory_space<vmem>> -> memref<128xi32, #tpu.memory_space<vmem>>
      %dma_wait3A_215 = arith.constant 0 : i32
      %dma_wait3A_216 = arith.constant 0 : i32
      %dma_wait3A_217 = tpu.memref_slice %arg15[%dma_wait3A_215, %dma_wait3A_216] : memref<10240x64xf32, #tpu.memory_space<vmem_shared>> -> memref<10240x64xf32, #tpu.memory_space<vmem_shared>>
      tpu.wait_indirect_dma semaphore(%arg25 : memref<!tpu.dma_semaphore, #tpu.memory_space<semaphore_mem>>) src(%arg13 : memref<128x64xf32, #tpu.memory_space<vmem>>) dst(%dma_wait3A_217 : memref<10240x64xf32, #tpu.memory_space<vmem_shared>>)
    }
    %scan3A_25 = arith.constant 16 : i32
    %barrier3A_26 = arith.constant 0 : index
    tpu.barrier barrier_id(%barrier3A_26)
    "tpu.trace_stop"() : () -> ()
    "tpu.trace_start"() <{level = 10 : i32, message = "agg_flush"}> : () -> ()
    %mul3A_27 = arith.constant 640 : i32
    %mul3A_28 = arith.muli %arg1, %mul3A_27 : i32
    %add3A_29 = arith.constant 0 : i32
    %add3A_30 = arith.addi %mul3A_28, %add3A_29 : i32
    "tpu.region"() ({
      %run_scoped3A = tpu.sem_alloc : memref<!tpu.dma_semaphore, #tpu.memory_space<semaphore_mem>>
      %dma_start3A = arith.constant 0 : i32
      %dma_start3A_59 = tpu.memref_slice %arg15[%add3A_30, %dma_start3A] : memref<10240x64xf32, #tpu.memory_space<vmem_shared>> -> memref<160x64xf32, #tpu.memory_space<vmem_shared>>
      %dma_start3A_60 = arith.constant 0 : i32
      %dma_start3A_61 = tpu.memref_slice %arg15[%add3A_30, %dma_start3A_60] : memref<10240x64xf32, #tpu.memory_space<vmem_shared>> -> memref<160x64xf32, #tpu.memory_space<vmem_shared>>
      tpu.enqueue_dma source(%dma_start3A_61 : memref<160x64xf32, #tpu.memory_space<vmem_shared>>) target(%arg14 : memref<160x64xf32, #tpu.memory_space<vmem>>) target_semaphore(%run_scoped3A : memref<!tpu.dma_semaphore, #tpu.memory_space<semaphore_mem>>)
      %dma_wait3A = arith.constant 0 : i32
      %dma_wait3A_62 = tpu.memref_slice %arg15[%add3A_30, %dma_wait3A] : memref<10240x64xf32, #tpu.memory_space<vmem_shared>> -> memref<160x64xf32, #tpu.memory_space<vmem_shared>>
      %dma_wait3A_63 = arith.constant 0 : i32
      %dma_wait3A_64 = tpu.memref_slice %arg15[%add3A_30, %dma_wait3A_63] : memref<10240x64xf32, #tpu.memory_space<vmem_shared>> -> memref<160x64xf32, #tpu.memory_space<vmem_shared>>
      tpu.wait_dma2 semaphore(%run_scoped3A : memref<!tpu.dma_semaphore, #tpu.memory_space<semaphore_mem>>) src(%dma_wait3A_64 : memref<160x64xf32, #tpu.memory_space<vmem_shared>>) dst(%arg14 : memref<160x64xf32, #tpu.memory_space<vmem>>)
      tpu.yield
    }) : () -> ()
    %mul3A_31 = arith.constant 640 : i32
    %mul3A_32 = arith.muli %arg1, %mul3A_31 : i32
    %add3A_33 = arith.constant 0 : i32
    %add3A_34 = arith.addi %mul3A_32, %add3A_33 : i32
    "tpu.region"() ({
      %run_scoped3A = tpu.sem_alloc : memref<!tpu.dma_semaphore, #tpu.memory_space<semaphore_mem>>
      %dma_start3A = arith.constant 0 : i32
      %dma_start3A_59 = tpu.memref_slice %arg6[%arg0, %add3A_34, %dma_start3A] : memref<2x10240x64xf32, #tpu.memory_space<hbm>> -> memref<1x160x64xf32, #tpu.memory_space<hbm>>
      %dma_start3A_60 = tpu.memref_squeeze %dma_start3A_59 : memref<1x160x64xf32, #tpu.memory_space<hbm>> -> memref<160x64xf32, #tpu.memory_space<hbm>>
      %dma_start3A_61 = arith.constant 0 : i32
      %dma_start3A_62 = tpu.memref_slice %arg6[%arg0, %add3A_34, %dma_start3A_61] : memref<2x10240x64xf32, #tpu.memory_space<hbm>> -> memref<1x160x64xf32, #tpu.memory_space<hbm>>
      %dma_start3A_63 = tpu.memref_squeeze %dma_start3A_62 : memref<1x160x64xf32, #tpu.memory_space<hbm>> -> memref<160x64xf32, #tpu.memory_space<hbm>>
      tpu.enqueue_dma source(%arg14 : memref<160x64xf32, #tpu.memory_space<vmem>>) target(%dma_start3A_63 : memref<160x64xf32, #tpu.memory_space<hbm>>) target_semaphore(%run_scoped3A : memref<!tpu.dma_semaphore, #tpu.memory_space<semaphore_mem>>)
      %dma_wait3A = arith.constant 0 : i32
      %dma_wait3A_64 = tpu.memref_slice %arg6[%arg0, %add3A_34, %dma_wait3A] : memref<2x10240x64xf32, #tpu.memory_space<hbm>> -> memref<1x160x64xf32, #tpu.memory_space<hbm>>
      %dma_wait3A_65 = tpu.memref_squeeze %dma_wait3A_64 : memref<1x160x64xf32, #tpu.memory_space<hbm>> -> memref<160x64xf32, #tpu.memory_space<hbm>>
      %dma_wait3A_66 = arith.constant 0 : i32
      %dma_wait3A_67 = tpu.memref_slice %arg6[%arg0, %add3A_34, %dma_wait3A_66] : memref<2x10240x64xf32, #tpu.memory_space<hbm>> -> memref<1x160x64xf32, #tpu.memory_space<hbm>>
      %dma_wait3A_68 = tpu.memref_squeeze %dma_wait3A_67 : memref<1x160x64xf32, #tpu.memory_space<hbm>> -> memref<160x64xf32, #tpu.memory_space<hbm>>
      tpu.wait_dma2 semaphore(%run_scoped3A : memref<!tpu.dma_semaphore, #tpu.memory_space<semaphore_mem>>) src(%arg14 : memref<160x64xf32, #tpu.memory_space<vmem>>) dst(%dma_wait3A_68 : memref<160x64xf32, #tpu.memory_space<hbm>>)
      tpu.yield
    }) : () -> ()
    %mul3A_35 = arith.constant 640 : i32
    %mul3A_36 = arith.muli %arg1, %mul3A_35 : i32
    %add3A_37 = arith.constant 160 : i32
    %add3A_38 = arith.addi %mul3A_36, %add3A_37 : i32
    "tpu.region"() ({
      %run_scoped3A = tpu.sem_alloc : memref<!tpu.dma_semaphore, #tpu.memory_space<semaphore_mem>>
      %dma_start3A = arith.constant 0 : i32
      %dma_start3A_59 = tpu.memref_slice %arg15[%add3A_38, %dma_start3A] : memref<10240x64xf32, #tpu.memory_space<vmem_shared>> -> memref<160x64xf32, #tpu.memory_space<vmem_shared>>
      %dma_start3A_60 = arith.constant 0 : i32
      %dma_start3A_61 = tpu.memref_slice %arg15[%add3A_38, %dma_start3A_60] : memref<10240x64xf32, #tpu.memory_space<vmem_shared>> -> memref<160x64xf32, #tpu.memory_space<vmem_shared>>
      tpu.enqueue_dma source(%dma_start3A_61 : memref<160x64xf32, #tpu.memory_space<vmem_shared>>) target(%arg14 : memref<160x64xf32, #tpu.memory_space<vmem>>) target_semaphore(%run_scoped3A : memref<!tpu.dma_semaphore, #tpu.memory_space<semaphore_mem>>)
      %dma_wait3A = arith.constant 0 : i32
      %dma_wait3A_62 = tpu.memref_slice %arg15[%add3A_38, %dma_wait3A] : memref<10240x64xf32, #tpu.memory_space<vmem_shared>> -> memref<160x64xf32, #tpu.memory_space<vmem_shared>>
      %dma_wait3A_63 = arith.constant 0 : i32
      %dma_wait3A_64 = tpu.memref_slice %arg15[%add3A_38, %dma_wait3A_63] : memref<10240x64xf32, #tpu.memory_space<vmem_shared>> -> memref<160x64xf32, #tpu.memory_space<vmem_shared>>
      tpu.wait_dma2 semaphore(%run_scoped3A : memref<!tpu.dma_semaphore, #tpu.memory_space<semaphore_mem>>) src(%dma_wait3A_64 : memref<160x64xf32, #tpu.memory_space<vmem_shared>>) dst(%arg14 : memref<160x64xf32, #tpu.memory_space<vmem>>)
      tpu.yield
    }) : () -> ()
    %mul3A_39 = arith.constant 640 : i32
    %mul3A_40 = arith.muli %arg1, %mul3A_39 : i32
    %add3A_41 = arith.constant 160 : i32
    %add3A_42 = arith.addi %mul3A_40, %add3A_41 : i32
    "tpu.region"() ({
      %run_scoped3A = tpu.sem_alloc : memref<!tpu.dma_semaphore, #tpu.memory_space<semaphore_mem>>
      %dma_start3A = arith.constant 0 : i32
      %dma_start3A_59 = tpu.memref_slice %arg6[%arg0, %add3A_42, %dma_start3A] : memref<2x10240x64xf32, #tpu.memory_space<hbm>> -> memref<1x160x64xf32, #tpu.memory_space<hbm>>
      %dma_start3A_60 = tpu.memref_squeeze %dma_start3A_59 : memref<1x160x64xf32, #tpu.memory_space<hbm>> -> memref<160x64xf32, #tpu.memory_space<hbm>>
      %dma_start3A_61 = arith.constant 0 : i32
      %dma_start3A_62 = tpu.memref_slice %arg6[%arg0, %add3A_42, %dma_start3A_61] : memref<2x10240x64xf32, #tpu.memory_space<hbm>> -> memref<1x160x64xf32, #tpu.memory_space<hbm>>
      %dma_start3A_63 = tpu.memref_squeeze %dma_start3A_62 : memref<1x160x64xf32, #tpu.memory_space<hbm>> -> memref<160x64xf32, #tpu.memory_space<hbm>>
      tpu.enqueue_dma source(%arg14 : memref<160x64xf32, #tpu.memory_space<vmem>>) target(%dma_start3A_63 : memref<160x64xf32, #tpu.memory_space<hbm>>) target_semaphore(%run_scoped3A : memref<!tpu.dma_semaphore, #tpu.memory_space<semaphore_mem>>)
      %dma_wait3A = arith.constant 0 : i32
      %dma_wait3A_64 = tpu.memref_slice %arg6[%arg0, %add3A_42, %dma_wait3A] : memref<2x10240x64xf32, #tpu.memory_space<hbm>> -> memref<1x160x64xf32, #tpu.memory_space<hbm>>
      %dma_wait3A_65 = tpu.memref_squeeze %dma_wait3A_64 : memref<1x160x64xf32, #tpu.memory_space<hbm>> -> memref<160x64xf32, #tpu.memory_space<hbm>>
      %dma_wait3A_66 = arith.constant 0 : i32
      %dma_wait3A_67 = tpu.memref_slice %arg6[%arg0, %add3A_42, %dma_wait3A_66] : memref<2x10240x64xf32, #tpu.memory_space<hbm>> -> memref<1x160x64xf32, #tpu.memory_space<hbm>>
      %dma_wait3A_68 = tpu.memref_squeeze %dma_wait3A_67 : memref<1x160x64xf32, #tpu.memory_space<hbm>> -> memref<160x64xf32, #tpu.memory_space<hbm>>
      tpu.wait_dma2 semaphore(%run_scoped3A : memref<!tpu.dma_semaphore, #tpu.memory_space<semaphore_mem>>) src(%arg14 : memref<160x64xf32, #tpu.memory_space<vmem>>) dst(%dma_wait3A_68 : memref<160x64xf32, #tpu.memory_space<hbm>>)
      tpu.yield
    }) : () -> ()
    %mul3A_43 = arith.constant 640 : i32
    %mul3A_44 = arith.muli %arg1, %mul3A_43 : i32
    %add3A_45 = arith.constant 320 : i32
    %add3A_46 = arith.addi %mul3A_44, %add3A_45 : i32
    "tpu.region"() ({
      %run_scoped3A = tpu.sem_alloc : memref<!tpu.dma_semaphore, #tpu.memory_space<semaphore_mem>>
      %dma_start3A = arith.constant 0 : i32
      %dma_start3A_59 = tpu.memref_slice %arg15[%add3A_46, %dma_start3A] : memref<10240x64xf32, #tpu.memory_space<vmem_shared>> -> memref<160x64xf32, #tpu.memory_space<vmem_shared>>
      %dma_start3A_60 = arith.constant 0 : i32
      %dma_start3A_61 = tpu.memref_slice %arg15[%add3A_46, %dma_start3A_60] : memref<10240x64xf32, #tpu.memory_space<vmem_shared>> -> memref<160x64xf32, #tpu.memory_space<vmem_shared>>
      tpu.enqueue_dma source(%dma_start3A_61 : memref<160x64xf32, #tpu.memory_space<vmem_shared>>) target(%arg14 : memref<160x64xf32, #tpu.memory_space<vmem>>) target_semaphore(%run_scoped3A : memref<!tpu.dma_semaphore, #tpu.memory_space<semaphore_mem>>)
      %dma_wait3A = arith.constant 0 : i32
      %dma_wait3A_62 = tpu.memref_slice %arg15[%add3A_46, %dma_wait3A] : memref<10240x64xf32, #tpu.memory_space<vmem_shared>> -> memref<160x64xf32, #tpu.memory_space<vmem_shared>>
      %dma_wait3A_63 = arith.constant 0 : i32
      %dma_wait3A_64 = tpu.memref_slice %arg15[%add3A_46, %dma_wait3A_63] : memref<10240x64xf32, #tpu.memory_space<vmem_shared>> -> memref<160x64xf32, #tpu.memory_space<vmem_shared>>
      tpu.wait_dma2 semaphore(%run_scoped3A : memref<!tpu.dma_semaphore, #tpu.memory_space<semaphore_mem>>) src(%dma_wait3A_64 : memref<160x64xf32, #tpu.memory_space<vmem_shared>>) dst(%arg14 : memref<160x64xf32, #tpu.memory_space<vmem>>)
      tpu.yield
    }) : () -> ()
    %mul3A_47 = arith.constant 640 : i32
    %mul3A_48 = arith.muli %arg1, %mul3A_47 : i32
    %add3A_49 = arith.constant 320 : i32
    %add3A_50 = arith.addi %mul3A_48, %add3A_49 : i32
    "tpu.region"() ({
      %run_scoped3A = tpu.sem_alloc : memref<!tpu.dma_semaphore, #tpu.memory_space<semaphore_mem>>
      %dma_start3A = arith.constant 0 : i32
      %dma_start3A_59 = tpu.memref_slice %arg6[%arg0, %add3A_50, %dma_start3A] : memref<2x10240x64xf32, #tpu.memory_space<hbm>> -> memref<1x160x64xf32, #tpu.memory_space<hbm>>
      %dma_start3A_60 = tpu.memref_squeeze %dma_start3A_59 : memref<1x160x64xf32, #tpu.memory_space<hbm>> -> memref<160x64xf32, #tpu.memory_space<hbm>>
      %dma_start3A_61 = arith.constant 0 : i32
      %dma_start3A_62 = tpu.memref_slice %arg6[%arg0, %add3A_50, %dma_start3A_61] : memref<2x10240x64xf32, #tpu.memory_space<hbm>> -> memref<1x160x64xf32, #tpu.memory_space<hbm>>
      %dma_start3A_63 = tpu.memref_squeeze %dma_start3A_62 : memref<1x160x64xf32, #tpu.memory_space<hbm>> -> memref<160x64xf32, #tpu.memory_space<hbm>>
      tpu.enqueue_dma source(%arg14 : memref<160x64xf32, #tpu.memory_space<vmem>>) target(%dma_start3A_63 : memref<160x64xf32, #tpu.memory_space<hbm>>) target_semaphore(%run_scoped3A : memref<!tpu.dma_semaphore, #tpu.memory_space<semaphore_mem>>)
      %dma_wait3A = arith.constant 0 : i32
      %dma_wait3A_64 = tpu.memref_slice %arg6[%arg0, %add3A_50, %dma_wait3A] : memref<2x10240x64xf32, #tpu.memory_space<hbm>> -> memref<1x160x64xf32, #tpu.memory_space<hbm>>
      %dma_wait3A_65 = tpu.memref_squeeze %dma_wait3A_64 : memref<1x160x64xf32, #tpu.memory_space<hbm>> -> memref<160x64xf32, #tpu.memory_space<hbm>>
      %dma_wait3A_66 = arith.constant 0 : i32
      %dma_wait3A_67 = tpu.memref_slice %arg6[%arg0, %add3A_50, %dma_wait3A_66] : memref<2x10240x64xf32, #tpu.memory_space<hbm>> -> memref<1x160x64xf32, #tpu.memory_space<hbm>>
      %dma_wait3A_68 = tpu.memref_squeeze %dma_wait3A_67 : memref<1x160x64xf32, #tpu.memory_space<hbm>> -> memref<160x64xf32, #tpu.memory_space<hbm>>
      tpu.wait_dma2 semaphore(%run_scoped3A : memref<!tpu.dma_semaphore, #tpu.memory_space<semaphore_mem>>) src(%arg14 : memref<160x64xf32, #tpu.memory_space<vmem>>) dst(%dma_wait3A_68 : memref<160x64xf32, #tpu.memory_space<hbm>>)
      tpu.yield
    }) : () -> ()
    %mul3A_51 = arith.constant 640 : i32
    %mul3A_52 = arith.muli %arg1, %mul3A_51 : i32
    %add3A_53 = arith.constant 480 : i32
    %add3A_54 = arith.addi %mul3A_52, %add3A_53 : i32
    "tpu.region"() ({
      %run_scoped3A = tpu.sem_alloc : memref<!tpu.dma_semaphore, #tpu.memory_space<semaphore_mem>>
      %dma_start3A = arith.constant 0 : i32
      %dma_start3A_59 = tpu.memref_slice %arg15[%add3A_54, %dma_start3A] : memref<10240x64xf32, #tpu.memory_space<vmem_shared>> -> memref<160x64xf32, #tpu.memory_space<vmem_shared>>
      %dma_start3A_60 = arith.constant 0 : i32
      %dma_start3A_61 = tpu.memref_slice %arg15[%add3A_54, %dma_start3A_60] : memref<10240x64xf32, #tpu.memory_space<vmem_shared>> -> memref<160x64xf32, #tpu.memory_space<vmem_shared>>
      tpu.enqueue_dma source(%dma_start3A_61 : memref<160x64xf32, #tpu.memory_space<vmem_shared>>) target(%arg14 : memref<160x64xf32, #tpu.memory_space<vmem>>) target_semaphore(%run_scoped3A : memref<!tpu.dma_semaphore, #tpu.memory_space<semaphore_mem>>)
      %dma_wait3A = arith.constant 0 : i32
      %dma_wait3A_62 = tpu.memref_slice %arg15[%add3A_54, %dma_wait3A] : memref<10240x64xf32, #tpu.memory_space<vmem_shared>> -> memref<160x64xf32, #tpu.memory_space<vmem_shared>>
      %dma_wait3A_63 = arith.constant 0 : i32
      %dma_wait3A_64 = tpu.memref_slice %arg15[%add3A_54, %dma_wait3A_63] : memref<10240x64xf32, #tpu.memory_space<vmem_shared>> -> memref<160x64xf32, #tpu.memory_space<vmem_shared>>
      tpu.wait_dma2 semaphore(%run_scoped3A : memref<!tpu.dma_semaphore, #tpu.memory_space<semaphore_mem>>) src(%dma_wait3A_64 : memref<160x64xf32, #tpu.memory_space<vmem_shared>>) dst(%arg14 : memref<160x64xf32, #tpu.memory_space<vmem>>)
      tpu.yield
    }) : () -> ()
    %mul3A_55 = arith.constant 640 : i32
    %mul3A_56 = arith.muli %arg1, %mul3A_55 : i32
    %add3A_57 = arith.constant 480 : i32
    %add3A_58 = arith.addi %mul3A_56, %add3A_57 : i32
    "tpu.region"() ({
      %run_scoped3A = tpu.sem_alloc : memref<!tpu.dma_semaphore, #tpu.memory_space<semaphore_mem>>
      %dma_start3A = arith.constant 0 : i32
      %dma_start3A_59 = tpu.memref_slice %arg6[%arg0, %add3A_58, %dma_start3A] : memref<2x10240x64xf32, #tpu.memory_space<hbm>> -> memref<1x160x64xf32, #tpu.memory_space<hbm>>
      %dma_start3A_60 = tpu.memref_squeeze %dma_start3A_59 : memref<1x160x64xf32, #tpu.memory_space<hbm>> -> memref<160x64xf32, #tpu.memory_space<hbm>>
      %dma_start3A_61 = arith.constant 0 : i32
      %dma_start3A_62 = tpu.memref_slice %arg6[%arg0, %add3A_58, %dma_start3A_61] : memref<2x10240x64xf32, #tpu.memory_space<hbm>> -> memref<1x160x64xf32, #tpu.memory_space<hbm>>
      %dma_start3A_63 = tpu.memref_squeeze %dma_start3A_62 : memref<1x160x64xf32, #tpu.memory_space<hbm>> -> memref<160x64xf32, #tpu.memory_space<hbm>>
      tpu.enqueue_dma source(%arg14 : memref<160x64xf32, #tpu.memory_space<vmem>>) target(%dma_start3A_63 : memref<160x64xf32, #tpu.memory_space<hbm>>) target_semaphore(%run_scoped3A : memref<!tpu.dma_semaphore, #tpu.memory_space<semaphore_mem>>)
      %dma_wait3A = arith.constant 0 : i32
      %dma_wait3A_64 = tpu.memref_slice %arg6[%arg0, %add3A_58, %dma_wait3A] : memref<2x10240x64xf32, #tpu.memory_space<hbm>> -> memref<1x160x64xf32, #tpu.memory_space<hbm>>
      %dma_wait3A_65 = tpu.memref_squeeze %dma_wait3A_64 : memref<1x160x64xf32, #tpu.memory_space<hbm>> -> memref<160x64xf32, #tpu.memory_space<hbm>>
      %dma_wait3A_66 = arith.constant 0 : i32
      %dma_wait3A_67 = tpu.memref_slice %arg6[%arg0, %add3A_58, %dma_wait3A_66] : memref<2x10240x64xf32, #tpu.memory_space<hbm>> -> memref<1x160x64xf32, #tpu.memory_space<hbm>>
      %dma_wait3A_68 = tpu.memref_squeeze %dma_wait3A_67 : memref<1x160x64xf32, #tpu.memory_space<hbm>> -> memref<160x64xf32, #tpu.memory_space<hbm>>
      tpu.wait_dma2 semaphore(%run_scoped3A : memref<!tpu.dma_semaphore, #tpu.memory_space<semaphore_mem>>) src(%arg14 : memref<160x64xf32, #tpu.memory_space<vmem>>) dst(%dma_wait3A_68 : memref<160x64xf32, #tpu.memory_space<hbm>>)
      tpu.yield
    }) : () -> ()
    "tpu.trace_stop"() : () -> ()
    return
  }
}

#map = affine_map<(d0, d1) -> (0, 0)>
#map1 = affine_map<(d0, d1) -> (0, 0, 0)>
module attributes {stable_mosaic.version = 14 : i64} {
  func.func @agg(%arg0: i32, %arg1: i32, %arg2: memref<2560x128xi32, #tpu.memory_space<hbm>>, %arg3: memref<2560x128xi32, #tpu.memory_space<hbm>>, %arg4: memref<10240x64xf32, #tpu.memory_space<hbm>>, %arg5: memref<160x64xf32, #tpu.memory_space<hbm>>, %arg6: memref<2x10240x64xf32, #tpu.memory_space<hbm>>, %arg7: memref<80x128xi32, #tpu.memory_space<vmem>>, %arg8: memref<80x128xi32, #tpu.memory_space<vmem>>, %arg9: memref<128x64xf32, #tpu.memory_space<vmem>>, %arg10: memref<128x64xf32, #tpu.memory_space<vmem>>, %arg11: memref<128x64xf32, #tpu.memory_space<vmem>>, %arg12: memref<128x64xf32, #tpu.memory_space<vmem>>, %arg13: memref<128x64xf32, #tpu.memory_space<vmem>>, %arg14: memref<160x64xf32, #tpu.memory_space<vmem>>, %arg15: memref<10240x64xf32, #tpu.memory_space<vmem_shared>>, %arg16: memref<!tpu.dma_semaphore, #tpu.memory_space<semaphore_mem>>, %arg17: memref<!tpu.dma_semaphore, #tpu.memory_space<semaphore_mem>>, %arg18: memref<!tpu.dma_semaphore, #tpu.memory_space<semaphore_mem>>, %arg19: memref<!tpu.dma_semaphore, #tpu.memory_space<semaphore_mem>>, %arg20: memref<!tpu.dma_semaphore, #tpu.memory_space<semaphore_mem>>, %arg21: memref<!tpu.dma_semaphore, #tpu.memory_space<semaphore_mem>>, %arg22: memref<!tpu.dma_semaphore, #tpu.memory_space<semaphore_mem>>, %arg23: memref<!tpu.dma_semaphore, #tpu.memory_space<semaphore_mem>>, %arg24: memref<!tpu.dma_semaphore, #tpu.memory_space<semaphore_mem>>, %arg25: memref<!tpu.dma_semaphore, #tpu.memory_space<semaphore_mem>>) attributes {dimension_semantics = [#tpu.dimension_semantics<core_parallel>, #tpu.dimension_semantics<subcore_parallel>], iteration_bounds = array<i64: 2, 16>, scalar_prefetch = 0 : i64, scratch_operands = 19 : i64, tpu.core_type = #tpu.core_type<sc_vector_subcore>, window_params = [{transform_indices = #map}, {transform_indices = #map}, {transform_indices = #map}, {transform_indices = #map}, {transform_indices = #map1}]} {
    %mul3A = arith.constant 2 : i32
    %mul3A_0 = arith.muli %arg1, %mul3A : i32
    %add3A = arith.addi %mul3A_0, %arg0 : i32
    "tpu.trace_start"() <{level = 10 : i32, message = "agg_init"}> : () -> ()
    %mul3A_1 = arith.constant 80 : i32
    %mul3A_2 = arith.muli %add3A, %mul3A_1 : i32
    "tpu.region"() ({
      %run_scoped3A = tpu.sem_alloc : memref<!tpu.dma_semaphore, #tpu.memory_space<semaphore_mem>>
      %dma_start3A = arith.constant 0 : i32
      %dma_start3A_59 = tpu.memref_slice %arg2[%mul3A_2, %dma_start3A] : memref<2560x128xi32, #tpu.memory_space<hbm>> -> memref<80x128xi32, #tpu.memory_space<hbm>>
      %dma_start3A_60 = arith.constant 0 : i32
      %dma_start3A_61 = tpu.memref_slice %arg2[%mul3A_2, %dma_start3A_60] : memref<2560x128xi32, #tpu.memory_space<hbm>> -> memref<80x128xi32, #tpu.memory_space<hbm>>
      tpu.enqueue_dma source(%dma_start3A_61 : memref<80x128xi32, #tpu.memory_space<hbm>>) target(%arg7 : memref<80x128xi32, #tpu.memory_space<vmem>>) target_semaphore(%run_scoped3A : memref<!tpu.dma_semaphore, #tpu.memory_space<semaphore_mem>>)
      %dma_wait3A = arith.constant 0 : i32
      %dma_wait3A_62 = tpu.memref_slice %arg2[%mul3A_2, %dma_wait3A] : memref<2560x128xi32, #tpu.memory_space<hbm>> -> memref<80x128xi32, #tpu.memory_space<hbm>>
      %dma_wait3A_63 = arith.constant 0 : i32
      %dma_wait3A_64 = tpu.memref_slice %arg2[%mul3A_2, %dma_wait3A_63] : memref<2560x128xi32, #tpu.memory_space<hbm>> -> memref<80x128xi32, #tpu.memory_space<hbm>>
      tpu.wait_dma2 semaphore(%run_scoped3A : memref<!tpu.dma_semaphore, #tpu.memory_space<semaphore_mem>>) src(%dma_wait3A_64 : memref<80x128xi32, #tpu.memory_space<hbm>>) dst(%arg7 : memref<80x128xi32, #tpu.memory_space<vmem>>)
      tpu.yield
    }) : () -> ()
    %mul3A_3 = arith.constant 80 : i32
    %mul3A_4 = arith.muli %add3A, %mul3A_3 : i32
    "tpu.region"() ({
      %run_scoped3A = tpu.sem_alloc : memref<!tpu.dma_semaphore, #tpu.memory_space<semaphore_mem>>
      %dma_start3A = arith.constant 0 : i32
      %dma_start3A_59 = tpu.memref_slice %arg3[%mul3A_4, %dma_start3A] : memref<2560x128xi32, #tpu.memory_space<hbm>> -> memref<80x128xi32, #tpu.memory_space<hbm>>
      %dma_start3A_60 = arith.constant 0 : i32
      %dma_start3A_61 = tpu.memref_slice %arg3[%mul3A_4, %dma_start3A_60] : memref<2560x128xi32, #tpu.memory_space<hbm>> -> memref<80x128xi32, #tpu.memory_space<hbm>>
      tpu.enqueue_dma source(%dma_start3A_61 : memref<80x128xi32, #tpu.memory_space<hbm>>) target(%arg8 : memref<80x128xi32, #tpu.memory_space<vmem>>) target_semaphore(%run_scoped3A : memref<!tpu.dma_semaphore, #tpu.memory_space<semaphore_mem>>)
      %dma_wait3A = arith.constant 0 : i32
      %dma_wait3A_62 = tpu.memref_slice %arg3[%mul3A_4, %dma_wait3A] : memref<2560x128xi32, #tpu.memory_space<hbm>> -> memref<80x128xi32, #tpu.memory_space<hbm>>
      %dma_wait3A_63 = arith.constant 0 : i32
      %dma_wait3A_64 = tpu.memref_slice %arg3[%mul3A_4, %dma_wait3A_63] : memref<2560x128xi32, #tpu.memory_space<hbm>> -> memref<80x128xi32, #tpu.memory_space<hbm>>
      tpu.wait_dma2 semaphore(%run_scoped3A : memref<!tpu.dma_semaphore, #tpu.memory_space<semaphore_mem>>) src(%dma_wait3A_64 : memref<80x128xi32, #tpu.memory_space<hbm>>) dst(%arg8 : memref<80x128xi32, #tpu.memory_space<vmem>>)
      tpu.yield
    }) : () -> ()
    "tpu.region"() ({
      %run_scoped3A = tpu.sem_alloc : memref<!tpu.dma_semaphore, #tpu.memory_space<semaphore_mem>>
      tpu.enqueue_dma source(%arg5 : memref<160x64xf32, #tpu.memory_space<hbm>>) target(%arg14 : memref<160x64xf32, #tpu.memory_space<vmem>>) target_semaphore(%run_scoped3A : memref<!tpu.dma_semaphore, #tpu.memory_space<semaphore_mem>>)
      tpu.wait_dma2 semaphore(%run_scoped3A : memref<!tpu.dma_semaphore, #tpu.memory_space<semaphore_mem>>) src(%arg5 : memref<160x64xf32, #tpu.memory_space<hbm>>) dst(%arg14 : memref<160x64xf32, #tpu.memory_space<vmem>>)
      tpu.yield
    }) : () -> ()
    %mul3A_5 = arith.constant 640 : i32
    %mul3A_6 = arith.muli %arg1, %mul3A_5 : i32
    %add3A_7 = arith.constant 0 : i32
    %add3A_8 = arith.addi %mul3A_6, %add3A_7 : i32
    "tpu.region"() ({
      %run_scoped3A = tpu.sem_alloc : memref<!tpu.dma_semaphore, #tpu.memory_space<semaphore_mem>>
      %dma_start3A = arith.constant 0 : i32
      %dma_start3A_59 = tpu.memref_slice %arg15[%add3A_8, %dma_start3A] : memref<10240x64xf32, #tpu.memory_space<vmem_shared>> -> memref<160x64xf32, #tpu.memory_space<vmem_shared>>
      %dma_start3A_60 = arith.constant 0 : i32
      %dma_start3A_61 = tpu.memref_slice %arg15[%add3A_8, %dma_start3A_60] : memref<10240x64xf32, #tpu.memory_space<vmem_shared>> -> memref<160x64xf32, #tpu.memory_space<vmem_shared>>
      tpu.enqueue_dma source(%arg14 : memref<160x64xf32, #tpu.memory_space<vmem>>) target(%dma_start3A_61 : memref<160x64xf32, #tpu.memory_space<vmem_shared>>) target_semaphore(%run_scoped3A : memref<!tpu.dma_semaphore, #tpu.memory_space<semaphore_mem>>)
      %dma_wait3A = arith.constant 0 : i32
      %dma_wait3A_62 = tpu.memref_slice %arg15[%add3A_8, %dma_wait3A] : memref<10240x64xf32, #tpu.memory_space<vmem_shared>> -> memref<160x64xf32, #tpu.memory_space<vmem_shared>>
      %dma_wait3A_63 = arith.constant 0 : i32
      %dma_wait3A_64 = tpu.memref_slice %arg15[%add3A_8, %dma_wait3A_63] : memref<10240x64xf32, #tpu.memory_space<vmem_shared>> -> memref<160x64xf32, #tpu.memory_space<vmem_shared>>
      tpu.wait_dma2 semaphore(%run_scoped3A : memref<!tpu.dma_semaphore, #tpu.memory_space<semaphore_mem>>) src(%arg14 : memref<160x64xf32, #tpu.memory_space<vmem>>) dst(%dma_wait3A_64 : memref<160x64xf32, #tpu.memory_space<vmem_shared>>)
      tpu.yield
    }) : () -> ()
    %mul3A_9 = arith.constant 640 : i32
    %mul3A_10 = arith.muli %arg1, %mul3A_9 : i32
    %add3A_11 = arith.constant 160 : i32
    %add3A_12 = arith.addi %mul3A_10, %add3A_11 : i32
    "tpu.region"() ({
      %run_scoped3A = tpu.sem_alloc : memref<!tpu.dma_semaphore, #tpu.memory_space<semaphore_mem>>
      %dma_start3A = arith.constant 0 : i32
      %dma_start3A_59 = tpu.memref_slice %arg15[%add3A_12, %dma_start3A] : memref<10240x64xf32, #tpu.memory_space<vmem_shared>> -> memref<160x64xf32, #tpu.memory_space<vmem_shared>>
      %dma_start3A_60 = arith.constant 0 : i32
      %dma_start3A_61 = tpu.memref_slice %arg15[%add3A_12, %dma_start3A_60] : memref<10240x64xf32, #tpu.memory_space<vmem_shared>> -> memref<160x64xf32, #tpu.memory_space<vmem_shared>>
      tpu.enqueue_dma source(%arg14 : memref<160x64xf32, #tpu.memory_space<vmem>>) target(%dma_start3A_61 : memref<160x64xf32, #tpu.memory_space<vmem_shared>>) target_semaphore(%run_scoped3A : memref<!tpu.dma_semaphore, #tpu.memory_space<semaphore_mem>>)
      %dma_wait3A = arith.constant 0 : i32
      %dma_wait3A_62 = tpu.memref_slice %arg15[%add3A_12, %dma_wait3A] : memref<10240x64xf32, #tpu.memory_space<vmem_shared>> -> memref<160x64xf32, #tpu.memory_space<vmem_shared>>
      %dma_wait3A_63 = arith.constant 0 : i32
      %dma_wait3A_64 = tpu.memref_slice %arg15[%add3A_12, %dma_wait3A_63] : memref<10240x64xf32, #tpu.memory_space<vmem_shared>> -> memref<160x64xf32, #tpu.memory_space<vmem_shared>>
      tpu.wait_dma2 semaphore(%run_scoped3A : memref<!tpu.dma_semaphore, #tpu.memory_space<semaphore_mem>>) src(%arg14 : memref<160x64xf32, #tpu.memory_space<vmem>>) dst(%dma_wait3A_64 : memref<160x64xf32, #tpu.memory_space<vmem_shared>>)
      tpu.yield
    }) : () -> ()
    %mul3A_13 = arith.constant 640 : i32
    %mul3A_14 = arith.muli %arg1, %mul3A_13 : i32
    %add3A_15 = arith.constant 320 : i32
    %add3A_16 = arith.addi %mul3A_14, %add3A_15 : i32
    "tpu.region"() ({
      %run_scoped3A = tpu.sem_alloc : memref<!tpu.dma_semaphore, #tpu.memory_space<semaphore_mem>>
      %dma_start3A = arith.constant 0 : i32
      %dma_start3A_59 = tpu.memref_slice %arg15[%add3A_16, %dma_start3A] : memref<10240x64xf32, #tpu.memory_space<vmem_shared>> -> memref<160x64xf32, #tpu.memory_space<vmem_shared>>
      %dma_start3A_60 = arith.constant 0 : i32
      %dma_start3A_61 = tpu.memref_slice %arg15[%add3A_16, %dma_start3A_60] : memref<10240x64xf32, #tpu.memory_space<vmem_shared>> -> memref<160x64xf32, #tpu.memory_space<vmem_shared>>
      tpu.enqueue_dma source(%arg14 : memref<160x64xf32, #tpu.memory_space<vmem>>) target(%dma_start3A_61 : memref<160x64xf32, #tpu.memory_space<vmem_shared>>) target_semaphore(%run_scoped3A : memref<!tpu.dma_semaphore, #tpu.memory_space<semaphore_mem>>)
      %dma_wait3A = arith.constant 0 : i32
      %dma_wait3A_62 = tpu.memref_slice %arg15[%add3A_16, %dma_wait3A] : memref<10240x64xf32, #tpu.memory_space<vmem_shared>> -> memref<160x64xf32, #tpu.memory_space<vmem_shared>>
      %dma_wait3A_63 = arith.constant 0 : i32
      %dma_wait3A_64 = tpu.memref_slice %arg15[%add3A_16, %dma_wait3A_63] : memref<10240x64xf32, #tpu.memory_space<vmem_shared>> -> memref<160x64xf32, #tpu.memory_space<vmem_shared>>
      tpu.wait_dma2 semaphore(%run_scoped3A : memref<!tpu.dma_semaphore, #tpu.memory_space<semaphore_mem>>) src(%arg14 : memref<160x64xf32, #tpu.memory_space<vmem>>) dst(%dma_wait3A_64 : memref<160x64xf32, #tpu.memory_space<vmem_shared>>)
      tpu.yield
    }) : () -> ()
    %mul3A_17 = arith.constant 640 : i32
    %mul3A_18 = arith.muli %arg1, %mul3A_17 : i32
    %add3A_19 = arith.constant 480 : i32
    %add3A_20 = arith.addi %mul3A_18, %add3A_19 : i32
    "tpu.region"() ({
      %run_scoped3A = tpu.sem_alloc : memref<!tpu.dma_semaphore, #tpu.memory_space<semaphore_mem>>
      %dma_start3A = arith.constant 0 : i32
      %dma_start3A_59 = tpu.memref_slice %arg15[%add3A_20, %dma_start3A] : memref<10240x64xf32, #tpu.memory_space<vmem_shared>> -> memref<160x64xf32, #tpu.memory_space<vmem_shared>>
      %dma_start3A_60 = arith.constant 0 : i32
      %dma_start3A_61 = tpu.memref_slice %arg15[%add3A_20, %dma_start3A_60] : memref<10240x64xf32, #tpu.memory_space<vmem_shared>> -> memref<160x64xf32, #tpu.memory_space<vmem_shared>>
      tpu.enqueue_dma source(%arg14 : memref<160x64xf32, #tpu.memory_space<vmem>>) target(%dma_start3A_61 : memref<160x64xf32, #tpu.memory_space<vmem_shared>>) target_semaphore(%run_scoped3A : memref<!tpu.dma_semaphore, #tpu.memory_space<semaphore_mem>>)
      %dma_wait3A = arith.constant 0 : i32
      %dma_wait3A_62 = tpu.memref_slice %arg15[%add3A_20, %dma_wait3A] : memref<10240x64xf32, #tpu.memory_space<vmem_shared>> -> memref<160x64xf32, #tpu.memory_space<vmem_shared>>
      %dma_wait3A_63 = arith.constant 0 : i32
      %dma_wait3A_64 = tpu.memref_slice %arg15[%add3A_20, %dma_wait3A_63] : memref<10240x64xf32, #tpu.memory_space<vmem_shared>> -> memref<160x64xf32, #tpu.memory_space<vmem_shared>>
      tpu.wait_dma2 semaphore(%run_scoped3A : memref<!tpu.dma_semaphore, #tpu.memory_space<semaphore_mem>>) src(%arg14 : memref<160x64xf32, #tpu.memory_space<vmem>>) dst(%dma_wait3A_64 : memref<160x64xf32, #tpu.memory_space<vmem_shared>>)
      tpu.yield
    }) : () -> ()
    %barrier3A = arith.constant 0 : index
    tpu.barrier barrier_id(%barrier3A)
    "tpu.trace_stop"() : () -> ()
    "tpu.trace_start"() <{level = 10 : i32, message = "agg_gather"}> : () -> ()
    %scan3A = arith.constant 0 : i32
    %scan3A_21 = arith.constant 0 : i32
    %scan3A_22 = arith.constant 16 : i32
    %scan3A_23 = arith.addi %scan3A_21, %scan3A_22 : i32
    %scan3A_24 = arith.constant 1 : i32
    scf.for %scan3A_59 = %scan3A_21 to %scan3A_23 step %scan3A_24  : i32 {
      %mul3A_60 = arith.constant 5 : i32
      %mul3A_61 = arith.muli %scan3A_59, %mul3A_60 : i32
      %add3A_62 = arith.constant 0 : i32
      %add3A_63 = arith.addi %mul3A_61, %add3A_62 : i32
      %dma_start3A = arith.constant 0 : i32
      %dma_start3A_64 = tpu.memref_slice %arg7[%add3A_63, %dma_start3A] : memref<80x128xi32, #tpu.memory_space<vmem>> -> memref<1x128xi32, #tpu.memory_space<vmem>>
      %dma_start3A_65 = tpu.memref_squeeze %dma_start3A_64 : memref<1x128xi32, #tpu.memory_space<vmem>> -> memref<128xi32, #tpu.memory_space<vmem>>
      %dma_start3A_66 = arith.constant 0 : i32
      %dma_start3A_67 = arith.constant 0 : i32
      %dma_start3A_68 = tpu.memref_slice %arg4[%dma_start3A_66, %dma_start3A_67] : memref<10240x64xf32, #tpu.memory_space<hbm>> -> memref<10240x64xf32, #tpu.memory_space<hbm>>
      tpu.enqueue_indirect_dma source(%dma_start3A_68 : memref<10240x64xf32, #tpu.memory_space<hbm>>) target(%arg9 : memref<128x64xf32, #tpu.memory_space<vmem>>) offsets(%dma_start3A_65 : memref<128xi32, #tpu.memory_space<vmem>>) semaphore(%arg16 : memref<!tpu.dma_semaphore, #tpu.memory_space<semaphore_mem>>)
      %mul3A_69 = arith.constant 5 : i32
      %mul3A_70 = arith.muli %scan3A_59, %mul3A_69 : i32
      %add3A_71 = arith.constant 1 : i32
      %add3A_72 = arith.addi %mul3A_70, %add3A_71 : i32
      %dma_start3A_73 = arith.constant 0 : i32
      %dma_start3A_74 = tpu.memref_slice %arg7[%add3A_72, %dma_start3A_73] : memref<80x128xi32, #tpu.memory_space<vmem>> -> memref<1x128xi32, #tpu.memory_space<vmem>>
      %dma_start3A_75 = tpu.memref_squeeze %dma_start3A_74 : memref<1x128xi32, #tpu.memory_space<vmem>> -> memref<128xi32, #tpu.memory_space<vmem>>
      %dma_start3A_76 = arith.constant 0 : i32
      %dma_start3A_77 = arith.constant 0 : i32
      %dma_start3A_78 = tpu.memref_slice %arg4[%dma_start3A_76, %dma_start3A_77] : memref<10240x64xf32, #tpu.memory_space<hbm>> -> memref<10240x64xf32, #tpu.memory_space<hbm>>
      tpu.enqueue_indirect_dma source(%dma_start3A_78 : memref<10240x64xf32, #tpu.memory_space<hbm>>) target(%arg10 : memref<128x64xf32, #tpu.memory_space<vmem>>) offsets(%dma_start3A_75 : memref<128xi32, #tpu.memory_space<vmem>>) semaphore(%arg17 : memref<!tpu.dma_semaphore, #tpu.memory_space<semaphore_mem>>)
      %mul3A_79 = arith.constant 5 : i32
      %mul3A_80 = arith.muli %scan3A_59, %mul3A_79 : i32
      %add3A_81 = arith.constant 2 : i32
      %add3A_82 = arith.addi %mul3A_80, %add3A_81 : i32
      %dma_start3A_83 = arith.constant 0 : i32
      %dma_start3A_84 = tpu.memref_slice %arg7[%add3A_82, %dma_start3A_83] : memref<80x128xi32, #tpu.memory_space<vmem>> -> memref<1x128xi32, #tpu.memory_space<vmem>>
      %dma_start3A_85 = tpu.memref_squeeze %dma_start3A_84 : memref<1x128xi32, #tpu.memory_space<vmem>> -> memref<128xi32, #tpu.memory_space<vmem>>
      %dma_start3A_86 = arith.constant 0 : i32
      %dma_start3A_87 = arith.constant 0 : i32
      %dma_start3A_88 = tpu.memref_slice %arg4[%dma_start3A_86, %dma_start3A_87] : memref<10240x64xf32, #tpu.memory_space<hbm>> -> memref<10240x64xf32, #tpu.memory_space<hbm>>
      tpu.enqueue_indirect_dma source(%dma_start3A_88 : memref<10240x64xf32, #tpu.memory_space<hbm>>) target(%arg11 : memref<128x64xf32, #tpu.memory_space<vmem>>) offsets(%dma_start3A_85 : memref<128xi32, #tpu.memory_space<vmem>>) semaphore(%arg18 : memref<!tpu.dma_semaphore, #tpu.memory_space<semaphore_mem>>)
      %mul3A_89 = arith.constant 5 : i32
      %mul3A_90 = arith.muli %scan3A_59, %mul3A_89 : i32
      %add3A_91 = arith.constant 3 : i32
      %add3A_92 = arith.addi %mul3A_90, %add3A_91 : i32
      %dma_start3A_93 = arith.constant 0 : i32
      %dma_start3A_94 = tpu.memref_slice %arg7[%add3A_92, %dma_start3A_93] : memref<80x128xi32, #tpu.memory_space<vmem>> -> memref<1x128xi32, #tpu.memory_space<vmem>>
      %dma_start3A_95 = tpu.memref_squeeze %dma_start3A_94 : memref<1x128xi32, #tpu.memory_space<vmem>> -> memref<128xi32, #tpu.memory_space<vmem>>
      %dma_start3A_96 = arith.constant 0 : i32
      %dma_start3A_97 = arith.constant 0 : i32
      %dma_start3A_98 = tpu.memref_slice %arg4[%dma_start3A_96, %dma_start3A_97] : memref<10240x64xf32, #tpu.memory_space<hbm>> -> memref<10240x64xf32, #tpu.memory_space<hbm>>
      tpu.enqueue_indirect_dma source(%dma_start3A_98 : memref<10240x64xf32, #tpu.memory_space<hbm>>) target(%arg12 : memref<128x64xf32, #tpu.memory_space<vmem>>) offsets(%dma_start3A_95 : memref<128xi32, #tpu.memory_space<vmem>>) semaphore(%arg19 : memref<!tpu.dma_semaphore, #tpu.memory_space<semaphore_mem>>)
      %mul3A_99 = arith.constant 5 : i32
      %mul3A_100 = arith.muli %scan3A_59, %mul3A_99 : i32
      %add3A_101 = arith.constant 4 : i32
      %add3A_102 = arith.addi %mul3A_100, %add3A_101 : i32
      %dma_start3A_103 = arith.constant 0 : i32
      %dma_start3A_104 = tpu.memref_slice %arg7[%add3A_102, %dma_start3A_103] : memref<80x128xi32, #tpu.memory_space<vmem>> -> memref<1x128xi32, #tpu.memory_space<vmem>>
      %dma_start3A_105 = tpu.memref_squeeze %dma_start3A_104 : memref<1x128xi32, #tpu.memory_space<vmem>> -> memref<128xi32, #tpu.memory_space<vmem>>
      %dma_start3A_106 = arith.constant 0 : i32
      %dma_start3A_107 = arith.constant 0 : i32
      %dma_start3A_108 = tpu.memref_slice %arg4[%dma_start3A_106, %dma_start3A_107] : memref<10240x64xf32, #tpu.memory_space<hbm>> -> memref<10240x64xf32, #tpu.memory_space<hbm>>
      tpu.enqueue_indirect_dma source(%dma_start3A_108 : memref<10240x64xf32, #tpu.memory_space<hbm>>) target(%arg13 : memref<128x64xf32, #tpu.memory_space<vmem>>) offsets(%dma_start3A_105 : memref<128xi32, #tpu.memory_space<vmem>>) semaphore(%arg20 : memref<!tpu.dma_semaphore, #tpu.memory_space<semaphore_mem>>)
      %dma_wait3A = arith.constant 0 : i32
      %dma_wait3A_109 = tpu.memref_slice %arg7[%add3A_63, %dma_wait3A] : memref<80x128xi32, #tpu.memory_space<vmem>> -> memref<1x128xi32, #tpu.memory_space<vmem>>
      %dma_wait3A_110 = tpu.memref_squeeze %dma_wait3A_109 : memref<1x128xi32, #tpu.memory_space<vmem>> -> memref<128xi32, #tpu.memory_space<vmem>>
      %dma_wait3A_111 = arith.constant 0 : i32
      %dma_wait3A_112 = arith.constant 0 : i32
      %dma_wait3A_113 = tpu.memref_slice %arg4[%dma_wait3A_111, %dma_wait3A_112] : memref<10240x64xf32, #tpu.memory_space<hbm>> -> memref<10240x64xf32, #tpu.memory_space<hbm>>
      tpu.wait_indirect_dma semaphore(%arg16 : memref<!tpu.dma_semaphore, #tpu.memory_space<semaphore_mem>>) src(%dma_wait3A_113 : memref<10240x64xf32, #tpu.memory_space<hbm>>) dst(%arg9 : memref<128x64xf32, #tpu.memory_space<vmem>>)
      %mul3A_114 = arith.constant 5 : i32
      %mul3A_115 = arith.muli %scan3A_59, %mul3A_114 : i32
      %add3A_116 = arith.constant 0 : i32
      %add3A_117 = arith.addi %mul3A_115, %add3A_116 : i32
      %dma_start3A_118 = arith.constant 0 : i32
      %dma_start3A_119 = tpu.memref_slice %arg8[%add3A_117, %dma_start3A_118] : memref<80x128xi32, #tpu.memory_space<vmem>> -> memref<1x128xi32, #tpu.memory_space<vmem>>
      %dma_start3A_120 = tpu.memref_squeeze %dma_start3A_119 : memref<1x128xi32, #tpu.memory_space<vmem>> -> memref<128xi32, #tpu.memory_space<vmem>>
      %dma_start3A_121 = arith.constant 0 : i32
      %dma_start3A_122 = arith.constant 0 : i32
      %dma_start3A_123 = tpu.memref_slice %arg15[%dma_start3A_121, %dma_start3A_122] : memref<10240x64xf32, #tpu.memory_space<vmem_shared>> -> memref<10240x64xf32, #tpu.memory_space<vmem_shared>>
      tpu.enqueue_indirect_dma source(%arg9 : memref<128x64xf32, #tpu.memory_space<vmem>>) target(%dma_start3A_123 : memref<10240x64xf32, #tpu.memory_space<vmem_shared>>) offsets(%dma_start3A_120 : memref<128xi32, #tpu.memory_space<vmem>>) semaphore(%arg21 : memref<!tpu.dma_semaphore, #tpu.memory_space<semaphore_mem>>) {add = true}
      %dma_wait3A_124 = arith.constant 0 : i32
      %dma_wait3A_125 = tpu.memref_slice %arg7[%add3A_72, %dma_wait3A_124] : memref<80x128xi32, #tpu.memory_space<vmem>> -> memref<1x128xi32, #tpu.memory_space<vmem>>
      %dma_wait3A_126 = tpu.memref_squeeze %dma_wait3A_125 : memref<1x128xi32, #tpu.memory_space<vmem>> -> memref<128xi32, #tpu.memory_space<vmem>>
      %dma_wait3A_127 = arith.constant 0 : i32
      %dma_wait3A_128 = arith.constant 0 : i32
      %dma_wait3A_129 = tpu.memref_slice %arg4[%dma_wait3A_127, %dma_wait3A_128] : memref<10240x64xf32, #tpu.memory_space<hbm>> -> memref<10240x64xf32, #tpu.memory_space<hbm>>
      tpu.wait_indirect_dma semaphore(%arg17 : memref<!tpu.dma_semaphore, #tpu.memory_space<semaphore_mem>>) src(%dma_wait3A_129 : memref<10240x64xf32, #tpu.memory_space<hbm>>) dst(%arg10 : memref<128x64xf32, #tpu.memory_space<vmem>>)
      %mul3A_130 = arith.constant 5 : i32
      %mul3A_131 = arith.muli %scan3A_59, %mul3A_130 : i32
      %add3A_132 = arith.constant 1 : i32
      %add3A_133 = arith.addi %mul3A_131, %add3A_132 : i32
      %dma_start3A_134 = arith.constant 0 : i32
      %dma_start3A_135 = tpu.memref_slice %arg8[%add3A_133, %dma_start3A_134] : memref<80x128xi32, #tpu.memory_space<vmem>> -> memref<1x128xi32, #tpu.memory_space<vmem>>
      %dma_start3A_136 = tpu.memref_squeeze %dma_start3A_135 : memref<1x128xi32, #tpu.memory_space<vmem>> -> memref<128xi32, #tpu.memory_space<vmem>>
      %dma_start3A_137 = arith.constant 0 : i32
      %dma_start3A_138 = arith.constant 0 : i32
      %dma_start3A_139 = tpu.memref_slice %arg15[%dma_start3A_137, %dma_start3A_138] : memref<10240x64xf32, #tpu.memory_space<vmem_shared>> -> memref<10240x64xf32, #tpu.memory_space<vmem_shared>>
      tpu.enqueue_indirect_dma source(%arg10 : memref<128x64xf32, #tpu.memory_space<vmem>>) target(%dma_start3A_139 : memref<10240x64xf32, #tpu.memory_space<vmem_shared>>) offsets(%dma_start3A_136 : memref<128xi32, #tpu.memory_space<vmem>>) semaphore(%arg22 : memref<!tpu.dma_semaphore, #tpu.memory_space<semaphore_mem>>) {add = true}
      %dma_wait3A_140 = arith.constant 0 : i32
      %dma_wait3A_141 = tpu.memref_slice %arg7[%add3A_82, %dma_wait3A_140] : memref<80x128xi32, #tpu.memory_space<vmem>> -> memref<1x128xi32, #tpu.memory_space<vmem>>
      %dma_wait3A_142 = tpu.memref_squeeze %dma_wait3A_141 : memref<1x128xi32, #tpu.memory_space<vmem>> -> memref<128xi32, #tpu.memory_space<vmem>>
      %dma_wait3A_143 = arith.constant 0 : i32
      %dma_wait3A_144 = arith.constant 0 : i32
      %dma_wait3A_145 = tpu.memref_slice %arg4[%dma_wait3A_143, %dma_wait3A_144] : memref<10240x64xf32, #tpu.memory_space<hbm>> -> memref<10240x64xf32, #tpu.memory_space<hbm>>
      tpu.wait_indirect_dma semaphore(%arg18 : memref<!tpu.dma_semaphore, #tpu.memory_space<semaphore_mem>>) src(%dma_wait3A_145 : memref<10240x64xf32, #tpu.memory_space<hbm>>) dst(%arg11 : memref<128x64xf32, #tpu.memory_space<vmem>>)
      %mul3A_146 = arith.constant 5 : i32
      %mul3A_147 = arith.muli %scan3A_59, %mul3A_146 : i32
      %add3A_148 = arith.constant 2 : i32
      %add3A_149 = arith.addi %mul3A_147, %add3A_148 : i32
      %dma_start3A_150 = arith.constant 0 : i32
      %dma_start3A_151 = tpu.memref_slice %arg8[%add3A_149, %dma_start3A_150] : memref<80x128xi32, #tpu.memory_space<vmem>> -> memref<1x128xi32, #tpu.memory_space<vmem>>
      %dma_start3A_152 = tpu.memref_squeeze %dma_start3A_151 : memref<1x128xi32, #tpu.memory_space<vmem>> -> memref<128xi32, #tpu.memory_space<vmem>>
      %dma_start3A_153 = arith.constant 0 : i32
      %dma_start3A_154 = arith.constant 0 : i32
      %dma_start3A_155 = tpu.memref_slice %arg15[%dma_start3A_153, %dma_start3A_154] : memref<10240x64xf32, #tpu.memory_space<vmem_shared>> -> memref<10240x64xf32, #tpu.memory_space<vmem_shared>>
      tpu.enqueue_indirect_dma source(%arg11 : memref<128x64xf32, #tpu.memory_space<vmem>>) target(%dma_start3A_155 : memref<10240x64xf32, #tpu.memory_space<vmem_shared>>) offsets(%dma_start3A_152 : memref<128xi32, #tpu.memory_space<vmem>>) semaphore(%arg23 : memref<!tpu.dma_semaphore, #tpu.memory_space<semaphore_mem>>) {add = true}
      %dma_wait3A_156 = arith.constant 0 : i32
      %dma_wait3A_157 = tpu.memref_slice %arg7[%add3A_92, %dma_wait3A_156] : memref<80x128xi32, #tpu.memory_space<vmem>> -> memref<1x128xi32, #tpu.memory_space<vmem>>
      %dma_wait3A_158 = tpu.memref_squeeze %dma_wait3A_157 : memref<1x128xi32, #tpu.memory_space<vmem>> -> memref<128xi32, #tpu.memory_space<vmem>>
      %dma_wait3A_159 = arith.constant 0 : i32
      %dma_wait3A_160 = arith.constant 0 : i32
      %dma_wait3A_161 = tpu.memref_slice %arg4[%dma_wait3A_159, %dma_wait3A_160] : memref<10240x64xf32, #tpu.memory_space<hbm>> -> memref<10240x64xf32, #tpu.memory_space<hbm>>
      tpu.wait_indirect_dma semaphore(%arg19 : memref<!tpu.dma_semaphore, #tpu.memory_space<semaphore_mem>>) src(%dma_wait3A_161 : memref<10240x64xf32, #tpu.memory_space<hbm>>) dst(%arg12 : memref<128x64xf32, #tpu.memory_space<vmem>>)
      %mul3A_162 = arith.constant 5 : i32
      %mul3A_163 = arith.muli %scan3A_59, %mul3A_162 : i32
      %add3A_164 = arith.constant 3 : i32
      %add3A_165 = arith.addi %mul3A_163, %add3A_164 : i32
      %dma_start3A_166 = arith.constant 0 : i32
      %dma_start3A_167 = tpu.memref_slice %arg8[%add3A_165, %dma_start3A_166] : memref<80x128xi32, #tpu.memory_space<vmem>> -> memref<1x128xi32, #tpu.memory_space<vmem>>
      %dma_start3A_168 = tpu.memref_squeeze %dma_start3A_167 : memref<1x128xi32, #tpu.memory_space<vmem>> -> memref<128xi32, #tpu.memory_space<vmem>>
      %dma_start3A_169 = arith.constant 0 : i32
      %dma_start3A_170 = arith.constant 0 : i32
      %dma_start3A_171 = tpu.memref_slice %arg15[%dma_start3A_169, %dma_start3A_170] : memref<10240x64xf32, #tpu.memory_space<vmem_shared>> -> memref<10240x64xf32, #tpu.memory_space<vmem_shared>>
      tpu.enqueue_indirect_dma source(%arg12 : memref<128x64xf32, #tpu.memory_space<vmem>>) target(%dma_start3A_171 : memref<10240x64xf32, #tpu.memory_space<vmem_shared>>) offsets(%dma_start3A_168 : memref<128xi32, #tpu.memory_space<vmem>>) semaphore(%arg24 : memref<!tpu.dma_semaphore, #tpu.memory_space<semaphore_mem>>) {add = true}
      %dma_wait3A_172 = arith.constant 0 : i32
      %dma_wait3A_173 = tpu.memref_slice %arg7[%add3A_102, %dma_wait3A_172] : memref<80x128xi32, #tpu.memory_space<vmem>> -> memref<1x128xi32, #tpu.memory_space<vmem>>
      %dma_wait3A_174 = tpu.memref_squeeze %dma_wait3A_173 : memref<1x128xi32, #tpu.memory_space<vmem>> -> memref<128xi32, #tpu.memory_space<vmem>>
      %dma_wait3A_175 = arith.constant 0 : i32
      %dma_wait3A_176 = arith.constant 0 : i32
      %dma_wait3A_177 = tpu.memref_slice %arg4[%dma_wait3A_175, %dma_wait3A_176] : memref<10240x64xf32, #tpu.memory_space<hbm>> -> memref<10240x64xf32, #tpu.memory_space<hbm>>
      tpu.wait_indirect_dma semaphore(%arg20 : memref<!tpu.dma_semaphore, #tpu.memory_space<semaphore_mem>>) src(%dma_wait3A_177 : memref<10240x64xf32, #tpu.memory_space<hbm>>) dst(%arg13 : memref<128x64xf32, #tpu.memory_space<vmem>>)
      %mul3A_178 = arith.constant 5 : i32
      %mul3A_179 = arith.muli %scan3A_59, %mul3A_178 : i32
      %add3A_180 = arith.constant 4 : i32
      %add3A_181 = arith.addi %mul3A_179, %add3A_180 : i32
      %dma_start3A_182 = arith.constant 0 : i32
      %dma_start3A_183 = tpu.memref_slice %arg8[%add3A_181, %dma_start3A_182] : memref<80x128xi32, #tpu.memory_space<vmem>> -> memref<1x128xi32, #tpu.memory_space<vmem>>
      %dma_start3A_184 = tpu.memref_squeeze %dma_start3A_183 : memref<1x128xi32, #tpu.memory_space<vmem>> -> memref<128xi32, #tpu.memory_space<vmem>>
      %dma_start3A_185 = arith.constant 0 : i32
      %dma_start3A_186 = arith.constant 0 : i32
      %dma_start3A_187 = tpu.memref_slice %arg15[%dma_start3A_185, %dma_start3A_186] : memref<10240x64xf32, #tpu.memory_space<vmem_shared>> -> memref<10240x64xf32, #tpu.memory_space<vmem_shared>>
      tpu.enqueue_indirect_dma source(%arg13 : memref<128x64xf32, #tpu.memory_space<vmem>>) target(%dma_start3A_187 : memref<10240x64xf32, #tpu.memory_space<vmem_shared>>) offsets(%dma_start3A_184 : memref<128xi32, #tpu.memory_space<vmem>>) semaphore(%arg25 : memref<!tpu.dma_semaphore, #tpu.memory_space<semaphore_mem>>) {add = true}
      %dma_wait3A_188 = arith.constant 0 : i32
      %dma_wait3A_189 = tpu.memref_slice %arg8[%add3A_117, %dma_wait3A_188] : memref<80x128xi32, #tpu.memory_space<vmem>> -> memref<1x128xi32, #tpu.memory_space<vmem>>
      %dma_wait3A_190 = tpu.memref_squeeze %dma_wait3A_189 : memref<1x128xi32, #tpu.memory_space<vmem>> -> memref<128xi32, #tpu.memory_space<vmem>>
      %dma_wait3A_191 = arith.constant 0 : i32
      %dma_wait3A_192 = arith.constant 0 : i32
      %dma_wait3A_193 = tpu.memref_slice %arg15[%dma_wait3A_191, %dma_wait3A_192] : memref<10240x64xf32, #tpu.memory_space<vmem_shared>> -> memref<10240x64xf32, #tpu.memory_space<vmem_shared>>
      tpu.wait_indirect_dma semaphore(%arg21 : memref<!tpu.dma_semaphore, #tpu.memory_space<semaphore_mem>>) src(%arg9 : memref<128x64xf32, #tpu.memory_space<vmem>>) dst(%dma_wait3A_193 : memref<10240x64xf32, #tpu.memory_space<vmem_shared>>)
      %dma_wait3A_194 = arith.constant 0 : i32
      %dma_wait3A_195 = tpu.memref_slice %arg8[%add3A_133, %dma_wait3A_194] : memref<80x128xi32, #tpu.memory_space<vmem>> -> memref<1x128xi32, #tpu.memory_space<vmem>>
      %dma_wait3A_196 = tpu.memref_squeeze %dma_wait3A_195 : memref<1x128xi32, #tpu.memory_space<vmem>> -> memref<128xi32, #tpu.memory_space<vmem>>
      %dma_wait3A_197 = arith.constant 0 : i32
      %dma_wait3A_198 = arith.constant 0 : i32
      %dma_wait3A_199 = tpu.memref_slice %arg15[%dma_wait3A_197, %dma_wait3A_198] : memref<10240x64xf32, #tpu.memory_space<vmem_shared>> -> memref<10240x64xf32, #tpu.memory_space<vmem_shared>>
      tpu.wait_indirect_dma semaphore(%arg22 : memref<!tpu.dma_semaphore, #tpu.memory_space<semaphore_mem>>) src(%arg10 : memref<128x64xf32, #tpu.memory_space<vmem>>) dst(%dma_wait3A_199 : memref<10240x64xf32, #tpu.memory_space<vmem_shared>>)
      %dma_wait3A_200 = arith.constant 0 : i32
      %dma_wait3A_201 = tpu.memref_slice %arg8[%add3A_149, %dma_wait3A_200] : memref<80x128xi32, #tpu.memory_space<vmem>> -> memref<1x128xi32, #tpu.memory_space<vmem>>
      %dma_wait3A_202 = tpu.memref_squeeze %dma_wait3A_201 : memref<1x128xi32, #tpu.memory_space<vmem>> -> memref<128xi32, #tpu.memory_space<vmem>>
      %dma_wait3A_203 = arith.constant 0 : i32
      %dma_wait3A_204 = arith.constant 0 : i32
      %dma_wait3A_205 = tpu.memref_slice %arg15[%dma_wait3A_203, %dma_wait3A_204] : memref<10240x64xf32, #tpu.memory_space<vmem_shared>> -> memref<10240x64xf32, #tpu.memory_space<vmem_shared>>
      tpu.wait_indirect_dma semaphore(%arg23 : memref<!tpu.dma_semaphore, #tpu.memory_space<semaphore_mem>>) src(%arg11 : memref<128x64xf32, #tpu.memory_space<vmem>>) dst(%dma_wait3A_205 : memref<10240x64xf32, #tpu.memory_space<vmem_shared>>)
      %dma_wait3A_206 = arith.constant 0 : i32
      %dma_wait3A_207 = tpu.memref_slice %arg8[%add3A_165, %dma_wait3A_206] : memref<80x128xi32, #tpu.memory_space<vmem>> -> memref<1x128xi32, #tpu.memory_space<vmem>>
      %dma_wait3A_208 = tpu.memref_squeeze %dma_wait3A_207 : memref<1x128xi32, #tpu.memory_space<vmem>> -> memref<128xi32, #tpu.memory_space<vmem>>
      %dma_wait3A_209 = arith.constant 0 : i32
      %dma_wait3A_210 = arith.constant 0 : i32
      %dma_wait3A_211 = tpu.memref_slice %arg15[%dma_wait3A_209, %dma_wait3A_210] : memref<10240x64xf32, #tpu.memory_space<vmem_shared>> -> memref<10240x64xf32, #tpu.memory_space<vmem_shared>>
      tpu.wait_indirect_dma semaphore(%arg24 : memref<!tpu.dma_semaphore, #tpu.memory_space<semaphore_mem>>) src(%arg12 : memref<128x64xf32, #tpu.memory_space<vmem>>) dst(%dma_wait3A_211 : memref<10240x64xf32, #tpu.memory_space<vmem_shared>>)
      %dma_wait3A_212 = arith.constant 0 : i32
      %dma_wait3A_213 = tpu.memref_slice %arg8[%add3A_181, %dma_wait3A_212] : memref<80x128xi32, #tpu.memory_space<vmem>> -> memref<1x128xi32, #tpu.memory_space<vmem>>
      %dma_wait3A_214 = tpu.memref_squeeze %dma_wait3A_213 : memref<1x128xi32, #tpu.memory_space<vmem>> -> memref<128xi32, #tpu.memory_space<vmem>>
      %dma_wait3A_215 = arith.constant 0 : i32
      %dma_wait3A_216 = arith.constant 0 : i32
      %dma_wait3A_217 = tpu.memref_slice %arg15[%dma_wait3A_215, %dma_wait3A_216] : memref<10240x64xf32, #tpu.memory_space<vmem_shared>> -> memref<10240x64xf32, #tpu.memory_space<vmem_shared>>
      tpu.wait_indirect_dma semaphore(%arg25 : memref<!tpu.dma_semaphore, #tpu.memory_space<semaphore_mem>>) src(%arg13 : memref<128x64xf32, #tpu.memory_space<vmem>>) dst(%dma_wait3A_217 : memref<10240x64xf32, #tpu.memory_space<vmem_shared>>)
    }
    %scan3A_25 = arith.constant 16 : i32
    %barrier3A_26 = arith.constant 0 : index
    tpu.barrier barrier_id(%barrier3A_26)
    "tpu.trace_stop"() : () -> ()
    "tpu.trace_start"() <{level = 10 : i32, message = "agg_flush"}> : () -> ()
    %mul3A_27 = arith.constant 640 : i32
    %mul3A_28 = arith.muli %arg1, %mul3A_27 : i32
    %add3A_29 = arith.constant 0 : i32
    %add3A_30 = arith.addi %mul3A_28, %add3A_29 : i32
    "tpu.region"() ({
      %run_scoped3A = tpu.sem_alloc : memref<!tpu.dma_semaphore, #tpu.memory_space<semaphore_mem>>
      %dma_start3A = arith.constant 0 : i32
      %dma_start3A_59 = tpu.memref_slice %arg15[%add3A_30, %dma_start3A] : memref<10240x64xf32, #tpu.memory_space<vmem_shared>> -> memref<160x64xf32, #tpu.memory_space<vmem_shared>>
      %dma_start3A_60 = arith.constant 0 : i32
      %dma_start3A_61 = tpu.memref_slice %arg15[%add3A_30, %dma_start3A_60] : memref<10240x64xf32, #tpu.memory_space<vmem_shared>> -> memref<160x64xf32, #tpu.memory_space<vmem_shared>>
      tpu.enqueue_dma source(%dma_start3A_61 : memref<160x64xf32, #tpu.memory_space<vmem_shared>>) target(%arg14 : memref<160x64xf32, #tpu.memory_space<vmem>>) target_semaphore(%run_scoped3A : memref<!tpu.dma_semaphore, #tpu.memory_space<semaphore_mem>>)
      %dma_wait3A = arith.constant 0 : i32
      %dma_wait3A_62 = tpu.memref_slice %arg15[%add3A_30, %dma_wait3A] : memref<10240x64xf32, #tpu.memory_space<vmem_shared>> -> memref<160x64xf32, #tpu.memory_space<vmem_shared>>
      %dma_wait3A_63 = arith.constant 0 : i32
      %dma_wait3A_64 = tpu.memref_slice %arg15[%add3A_30, %dma_wait3A_63] : memref<10240x64xf32, #tpu.memory_space<vmem_shared>> -> memref<160x64xf32, #tpu.memory_space<vmem_shared>>
      tpu.wait_dma2 semaphore(%run_scoped3A : memref<!tpu.dma_semaphore, #tpu.memory_space<semaphore_mem>>) src(%dma_wait3A_64 : memref<160x64xf32, #tpu.memory_space<vmem_shared>>) dst(%arg14 : memref<160x64xf32, #tpu.memory_space<vmem>>)
      tpu.yield
    }) : () -> ()
    %mul3A_31 = arith.constant 640 : i32
    %mul3A_32 = arith.muli %arg1, %mul3A_31 : i32
    %add3A_33 = arith.constant 0 : i32
    %add3A_34 = arith.addi %mul3A_32, %add3A_33 : i32
    "tpu.region"() ({
      %run_scoped3A = tpu.sem_alloc : memref<!tpu.dma_semaphore, #tpu.memory_space<semaphore_mem>>
      %dma_start3A = arith.constant 0 : i32
      %dma_start3A_59 = tpu.memref_slice %arg6[%arg0, %add3A_34, %dma_start3A] : memref<2x10240x64xf32, #tpu.memory_space<hbm>> -> memref<1x160x64xf32, #tpu.memory_space<hbm>>
      %dma_start3A_60 = tpu.memref_squeeze %dma_start3A_59 : memref<1x160x64xf32, #tpu.memory_space<hbm>> -> memref<160x64xf32, #tpu.memory_space<hbm>>
      %dma_start3A_61 = arith.constant 0 : i32
      %dma_start3A_62 = tpu.memref_slice %arg6[%arg0, %add3A_34, %dma_start3A_61] : memref<2x10240x64xf32, #tpu.memory_space<hbm>> -> memref<1x160x64xf32, #tpu.memory_space<hbm>>
      %dma_start3A_63 = tpu.memref_squeeze %dma_start3A_62 : memref<1x160x64xf32, #tpu.memory_space<hbm>> -> memref<160x64xf32, #tpu.memory_space<hbm>>
      tpu.enqueue_dma source(%arg14 : memref<160x64xf32, #tpu.memory_space<vmem>>) target(%dma_start3A_63 : memref<160x64xf32, #tpu.memory_space<hbm>>) target_semaphore(%run_scoped3A : memref<!tpu.dma_semaphore, #tpu.memory_space<semaphore_mem>>)
      %dma_wait3A = arith.constant 0 : i32
      %dma_wait3A_64 = tpu.memref_slice %arg6[%arg0, %add3A_34, %dma_wait3A] : memref<2x10240x64xf32, #tpu.memory_space<hbm>> -> memref<1x160x64xf32, #tpu.memory_space<hbm>>
      %dma_wait3A_65 = tpu.memref_squeeze %dma_wait3A_64 : memref<1x160x64xf32, #tpu.memory_space<hbm>> -> memref<160x64xf32, #tpu.memory_space<hbm>>
      %dma_wait3A_66 = arith.constant 0 : i32
      %dma_wait3A_67 = tpu.memref_slice %arg6[%arg0, %add3A_34, %dma_wait3A_66] : memref<2x10240x64xf32, #tpu.memory_space<hbm>> -> memref<1x160x64xf32, #tpu.memory_space<hbm>>
      %dma_wait3A_68 = tpu.memref_squeeze %dma_wait3A_67 : memref<1x160x64xf32, #tpu.memory_space<hbm>> -> memref<160x64xf32, #tpu.memory_space<hbm>>
      tpu.wait_dma2 semaphore(%run_scoped3A : memref<!tpu.dma_semaphore, #tpu.memory_space<semaphore_mem>>) src(%arg14 : memref<160x64xf32, #tpu.memory_space<vmem>>) dst(%dma_wait3A_68 : memref<160x64xf32, #tpu.memory_space<hbm>>)
      tpu.yield
    }) : () -> ()
    %mul3A_35 = arith.constant 640 : i32
    %mul3A_36 = arith.muli %arg1, %mul3A_35 : i32
    %add3A_37 = arith.constant 160 : i32
    %add3A_38 = arith.addi %mul3A_36, %add3A_37 : i32
    "tpu.region"() ({
      %run_scoped3A = tpu.sem_alloc : memref<!tpu.dma_semaphore, #tpu.memory_space<semaphore_mem>>
      %dma_start3A = arith.constant 0 : i32
      %dma_start3A_59 = tpu.memref_slice %arg15[%add3A_38, %dma_start3A] : memref<10240x64xf32, #tpu.memory_space<vmem_shared>> -> memref<160x64xf32, #tpu.memory_space<vmem_shared>>
      %dma_start3A_60 = arith.constant 0 : i32
      %dma_start3A_61 = tpu.memref_slice %arg15[%add3A_38, %dma_start3A_60] : memref<10240x64xf32, #tpu.memory_space<vmem_shared>> -> memref<160x64xf32, #tpu.memory_space<vmem_shared>>
      tpu.enqueue_dma source(%dma_start3A_61 : memref<160x64xf32, #tpu.memory_space<vmem_shared>>) target(%arg14 : memref<160x64xf32, #tpu.memory_space<vmem>>) target_semaphore(%run_scoped3A : memref<!tpu.dma_semaphore, #tpu.memory_space<semaphore_mem>>)
      %dma_wait3A = arith.constant 0 : i32
      %dma_wait3A_62 = tpu.memref_slice %arg15[%add3A_38, %dma_wait3A] : memref<10240x64xf32, #tpu.memory_space<vmem_shared>> -> memref<160x64xf32, #tpu.memory_space<vmem_shared>>
      %dma_wait3A_63 = arith.constant 0 : i32
      %dma_wait3A_64 = tpu.memref_slice %arg15[%add3A_38, %dma_wait3A_63] : memref<10240x64xf32, #tpu.memory_space<vmem_shared>> -> memref<160x64xf32, #tpu.memory_space<vmem_shared>>
      tpu.wait_dma2 semaphore(%run_scoped3A : memref<!tpu.dma_semaphore, #tpu.memory_space<semaphore_mem>>) src(%dma_wait3A_64 : memref<160x64xf32, #tpu.memory_space<vmem_shared>>) dst(%arg14 : memref<160x64xf32, #tpu.memory_space<vmem>>)
      tpu.yield
    }) : () -> ()
    %mul3A_39 = arith.constant 640 : i32
    %mul3A_40 = arith.muli %arg1, %mul3A_39 : i32
    %add3A_41 = arith.constant 160 : i32
    %add3A_42 = arith.addi %mul3A_40, %add3A_41 : i32
    "tpu.region"() ({
      %run_scoped3A = tpu.sem_alloc : memref<!tpu.dma_semaphore, #tpu.memory_space<semaphore_mem>>
      %dma_start3A = arith.constant 0 : i32
      %dma_start3A_59 = tpu.memref_slice %arg6[%arg0, %add3A_42, %dma_start3A] : memref<2x10240x64xf32, #tpu.memory_space<hbm>> -> memref<1x160x64xf32, #tpu.memory_space<hbm>>
      %dma_start3A_60 = tpu.memref_squeeze %dma_start3A_59 : memref<1x160x64xf32, #tpu.memory_space<hbm>> -> memref<160x64xf32, #tpu.memory_space<hbm>>
      %dma_start3A_61 = arith.constant 0 : i32
      %dma_start3A_62 = tpu.memref_slice %arg6[%arg0, %add3A_42, %dma_start3A_61] : memref<2x10240x64xf32, #tpu.memory_space<hbm>> -> memref<1x160x64xf32, #tpu.memory_space<hbm>>
      %dma_start3A_63 = tpu.memref_squeeze %dma_start3A_62 : memref<1x160x64xf32, #tpu.memory_space<hbm>> -> memref<160x64xf32, #tpu.memory_space<hbm>>
      tpu.enqueue_dma source(%arg14 : memref<160x64xf32, #tpu.memory_space<vmem>>) target(%dma_start3A_63 : memref<160x64xf32, #tpu.memory_space<hbm>>) target_semaphore(%run_scoped3A : memref<!tpu.dma_semaphore, #tpu.memory_space<semaphore_mem>>)
      %dma_wait3A = arith.constant 0 : i32
      %dma_wait3A_64 = tpu.memref_slice %arg6[%arg0, %add3A_42, %dma_wait3A] : memref<2x10240x64xf32, #tpu.memory_space<hbm>> -> memref<1x160x64xf32, #tpu.memory_space<hbm>>
      %dma_wait3A_65 = tpu.memref_squeeze %dma_wait3A_64 : memref<1x160x64xf32, #tpu.memory_space<hbm>> -> memref<160x64xf32, #tpu.memory_space<hbm>>
      %dma_wait3A_66 = arith.constant 0 : i32
      %dma_wait3A_67 = tpu.memref_slice %arg6[%arg0, %add3A_42, %dma_wait3A_66] : memref<2x10240x64xf32, #tpu.memory_space<hbm>> -> memref<1x160x64xf32, #tpu.memory_space<hbm>>
      %dma_wait3A_68 = tpu.memref_squeeze %dma_wait3A_67 : memref<1x160x64xf32, #tpu.memory_space<hbm>> -> memref<160x64xf32, #tpu.memory_space<hbm>>
      tpu.wait_dma2 semaphore(%run_scoped3A : memref<!tpu.dma_semaphore, #tpu.memory_space<semaphore_mem>>) src(%arg14 : memref<160x64xf32, #tpu.memory_space<vmem>>) dst(%dma_wait3A_68 : memref<160x64xf32, #tpu.memory_space<hbm>>)
      tpu.yield
    }) : () -> ()
    %mul3A_43 = arith.constant 640 : i32
    %mul3A_44 = arith.muli %arg1, %mul3A_43 : i32
    %add3A_45 = arith.constant 320 : i32
    %add3A_46 = arith.addi %mul3A_44, %add3A_45 : i32
    "tpu.region"() ({
      %run_scoped3A = tpu.sem_alloc : memref<!tpu.dma_semaphore, #tpu.memory_space<semaphore_mem>>
      %dma_start3A = arith.constant 0 : i32
      %dma_start3A_59 = tpu.memref_slice %arg15[%add3A_46, %dma_start3A] : memref<10240x64xf32, #tpu.memory_space<vmem_shared>> -> memref<160x64xf32, #tpu.memory_space<vmem_shared>>
      %dma_start3A_60 = arith.constant 0 : i32
      %dma_start3A_61 = tpu.memref_slice %arg15[%add3A_46, %dma_start3A_60] : memref<10240x64xf32, #tpu.memory_space<vmem_shared>> -> memref<160x64xf32, #tpu.memory_space<vmem_shared>>
      tpu.enqueue_dma source(%dma_start3A_61 : memref<160x64xf32, #tpu.memory_space<vmem_shared>>) target(%arg14 : memref<160x64xf32, #tpu.memory_space<vmem>>) target_semaphore(%run_scoped3A : memref<!tpu.dma_semaphore, #tpu.memory_space<semaphore_mem>>)
      %dma_wait3A = arith.constant 0 : i32
      %dma_wait3A_62 = tpu.memref_slice %arg15[%add3A_46, %dma_wait3A] : memref<10240x64xf32, #tpu.memory_space<vmem_shared>> -> memref<160x64xf32, #tpu.memory_space<vmem_shared>>
      %dma_wait3A_63 = arith.constant 0 : i32
      %dma_wait3A_64 = tpu.memref_slice %arg15[%add3A_46, %dma_wait3A_63] : memref<10240x64xf32, #tpu.memory_space<vmem_shared>> -> memref<160x64xf32, #tpu.memory_space<vmem_shared>>
      tpu.wait_dma2 semaphore(%run_scoped3A : memref<!tpu.dma_semaphore, #tpu.memory_space<semaphore_mem>>) src(%dma_wait3A_64 : memref<160x64xf32, #tpu.memory_space<vmem_shared>>) dst(%arg14 : memref<160x64xf32, #tpu.memory_space<vmem>>)
      tpu.yield
    }) : () -> ()
    %mul3A_47 = arith.constant 640 : i32
    %mul3A_48 = arith.muli %arg1, %mul3A_47 : i32
    %add3A_49 = arith.constant 320 : i32
    %add3A_50 = arith.addi %mul3A_48, %add3A_49 : i32
    "tpu.region"() ({
      %run_scoped3A = tpu.sem_alloc : memref<!tpu.dma_semaphore, #tpu.memory_space<semaphore_mem>>
      %dma_start3A = arith.constant 0 : i32
      %dma_start3A_59 = tpu.memref_slice %arg6[%arg0, %add3A_50, %dma_start3A] : memref<2x10240x64xf32, #tpu.memory_space<hbm>> -> memref<1x160x64xf32, #tpu.memory_space<hbm>>
      %dma_start3A_60 = tpu.memref_squeeze %dma_start3A_59 : memref<1x160x64xf32, #tpu.memory_space<hbm>> -> memref<160x64xf32, #tpu.memory_space<hbm>>
      %dma_start3A_61 = arith.constant 0 : i32
      %dma_start3A_62 = tpu.memref_slice %arg6[%arg0, %add3A_50, %dma_start3A_61] : memref<2x10240x64xf32, #tpu.memory_space<hbm>> -> memref<1x160x64xf32, #tpu.memory_space<hbm>>
      %dma_start3A_63 = tpu.memref_squeeze %dma_start3A_62 : memref<1x160x64xf32, #tpu.memory_space<hbm>> -> memref<160x64xf32, #tpu.memory_space<hbm>>
      tpu.enqueue_dma source(%arg14 : memref<160x64xf32, #tpu.memory_space<vmem>>) target(%dma_start3A_63 : memref<160x64xf32, #tpu.memory_space<hbm>>) target_semaphore(%run_scoped3A : memref<!tpu.dma_semaphore, #tpu.memory_space<semaphore_mem>>)
      %dma_wait3A = arith.constant 0 : i32
      %dma_wait3A_64 = tpu.memref_slice %arg6[%arg0, %add3A_50, %dma_wait3A] : memref<2x10240x64xf32, #tpu.memory_space<hbm>> -> memref<1x160x64xf32, #tpu.memory_space<hbm>>
      %dma_wait3A_65 = tpu.memref_squeeze %dma_wait3A_64 : memref<1x160x64xf32, #tpu.memory_space<hbm>> -> memref<160x64xf32, #tpu.memory_space<hbm>>
      %dma_wait3A_66 = arith.constant 0 : i32
      %dma_wait3A_67 = tpu.memref_slice %arg6[%arg0, %add3A_50, %dma_wait3A_66] : memref<2x10240x64xf32, #tpu.memory_space<hbm>> -> memref<1x160x64xf32, #tpu.memory_space<hbm>>
      %dma_wait3A_68 = tpu.memref_squeeze %dma_wait3A_67 : memref<1x160x64xf32, #tpu.memory_space<hbm>> -> memref<160x64xf32, #tpu.memory_space<hbm>>
      tpu.wait_dma2 semaphore(%run_scoped3A : memref<!tpu.dma_semaphore, #tpu.memory_space<semaphore_mem>>) src(%arg14 : memref<160x64xf32, #tpu.memory_space<vmem>>) dst(%dma_wait3A_68 : memref<160x64xf32, #tpu.memory_space<hbm>>)
      tpu.yield
    }) : () -> ()
    %mul3A_51 = arith.constant 640 : i32
    %mul3A_52 = arith.muli %arg1, %mul3A_51 : i32
    %add3A_53 = arith.constant 480 : i32
    %add3A_54 = arith.addi %mul3A_52, %add3A_53 : i32
    "tpu.region"() ({
      %run_scoped3A = tpu.sem_alloc : memref<!tpu.dma_semaphore, #tpu.memory_space<semaphore_mem>>
      %dma_start3A = arith.constant 0 : i32
      %dma_start3A_59 = tpu.memref_slice %arg15[%add3A_54, %dma_start3A] : memref<10240x64xf32, #tpu.memory_space<vmem_shared>> -> memref<160x64xf32, #tpu.memory_space<vmem_shared>>
      %dma_start3A_60 = arith.constant 0 : i32
      %dma_start3A_61 = tpu.memref_slice %arg15[%add3A_54, %dma_start3A_60] : memref<10240x64xf32, #tpu.memory_space<vmem_shared>> -> memref<160x64xf32, #tpu.memory_space<vmem_shared>>
      tpu.enqueue_dma source(%dma_start3A_61 : memref<160x64xf32, #tpu.memory_space<vmem_shared>>) target(%arg14 : memref<160x64xf32, #tpu.memory_space<vmem>>) target_semaphore(%run_scoped3A : memref<!tpu.dma_semaphore, #tpu.memory_space<semaphore_mem>>)
      %dma_wait3A = arith.constant 0 : i32
      %dma_wait3A_62 = tpu.memref_slice %arg15[%add3A_54, %dma_wait3A] : memref<10240x64xf32, #tpu.memory_space<vmem_shared>> -> memref<160x64xf32, #tpu.memory_space<vmem_shared>>
      %dma_wait3A_63 = arith.constant 0 : i32
      %dma_wait3A_64 = tpu.memref_slice %arg15[%add3A_54, %dma_wait3A_63] : memref<10240x64xf32, #tpu.memory_space<vmem_shared>> -> memref<160x64xf32, #tpu.memory_space<vmem_shared>>
      tpu.wait_dma2 semaphore(%run_scoped3A : memref<!tpu.dma_semaphore, #tpu.memory_space<semaphore_mem>>) src(%dma_wait3A_64 : memref<160x64xf32, #tpu.memory_space<vmem_shared>>) dst(%arg14 : memref<160x64xf32, #tpu.memory_space<vmem>>)
      tpu.yield
    }) : () -> ()
    %mul3A_55 = arith.constant 640 : i32
    %mul3A_56 = arith.muli %arg1, %mul3A_55 : i32
    %add3A_57 = arith.constant 480 : i32
    %add3A_58 = arith.addi %mul3A_56, %add3A_57 : i32
    "tpu.region"() ({
      %run_scoped3A = tpu.sem_alloc : memref<!tpu.dma_semaphore, #tpu.memory_space<semaphore_mem>>
      %dma_start3A = arith.constant 0 : i32
      %dma_start3A_59 = tpu.memref_slice %arg6[%arg0, %add3A_58, %dma_start3A] : memref<2x10240x64xf32, #tpu.memory_space<hbm>> -> memref<1x160x64xf32, #tpu.memory_space<hbm>>
      %dma_start3A_60 = tpu.memref_squeeze %dma_start3A_59 : memref<1x160x64xf32, #tpu.memory_space<hbm>> -> memref<160x64xf32, #tpu.memory_space<hbm>>
      %dma_start3A_61 = arith.constant 0 : i32
      %dma_start3A_62 = tpu.memref_slice %arg6[%arg0, %add3A_58, %dma_start3A_61] : memref<2x10240x64xf32, #tpu.memory_space<hbm>> -> memref<1x160x64xf32, #tpu.memory_space<hbm>>
      %dma_start3A_63 = tpu.memref_squeeze %dma_start3A_62 : memref<1x160x64xf32, #tpu.memory_space<hbm>> -> memref<160x64xf32, #tpu.memory_space<hbm>>
      tpu.enqueue_dma source(%arg14 : memref<160x64xf32, #tpu.memory_space<vmem>>) target(%dma_start3A_63 : memref<160x64xf32, #tpu.memory_space<hbm>>) target_semaphore(%run_scoped3A : memref<!tpu.dma_semaphore, #tpu.memory_space<semaphore_mem>>)
      %dma_wait3A = arith.constant 0 : i32
      %dma_wait3A_64 = tpu.memref_slice %arg6[%arg0, %add3A_58, %dma_wait3A] : memref<2x10240x64xf32, #tpu.memory_space<hbm>> -> memref<1x160x64xf32, #tpu.memory_space<hbm>>
      %dma_wait3A_65 = tpu.memref_squeeze %dma_wait3A_64 : memref<1x160x64xf32, #tpu.memory_space<hbm>> -> memref<160x64xf32, #tpu.memory_space<hbm>>
      %dma_wait3A_66 = arith.constant 0 : i32
      %dma_wait3A_67 = tpu.memref_slice %arg6[%arg0, %add3A_58, %dma_wait3A_66] : memref<2x10240x64xf32, #tpu.memory_space<hbm>> -> memref<1x160x64xf32, #tpu.memory_space<hbm>>
      %dma_wait3A_68 = tpu.memref_squeeze %dma_wait3A_67 : memref<1x160x64xf32, #tpu.memory_space<hbm>> -> memref<160x64xf32, #tpu.memory_space<hbm>>
      tpu.wait_dma2 semaphore(%run_scoped3A : memref<!tpu.dma_semaphore, #tpu.memory_space<semaphore_mem>>) src(%arg14 : memref<160x64xf32, #tpu.memory_space<vmem>>) dst(%dma_wait3A_68 : memref<160x64xf32, #tpu.memory_space<hbm>>)
      tpu.yield
    }) : () -> ()
    "tpu.trace_stop"() : () -> ()
    return
  }
}

#map = affine_map<(d0, d1) -> (0, 0)>
#map1 = affine_map<(d0, d1) -> (0, 0, 0)>
module attributes {stable_mosaic.version = 14 : i64} {
  func.func @deg(%arg0: i32, %arg1: i32, %arg2: memref<2560x128xi32, #tpu.memory_space<hbm>>, %arg3: memref<128x16xf32, #tpu.memory_space<hbm>>, %arg4: memref<10240x16xf32, #tpu.memory_space<hbm>>, %arg5: memref<2x10240x16xf32, #tpu.memory_space<hbm>>, %arg6: memref<80x128xi32, #tpu.memory_space<vmem>>, %arg7: memref<128x16xf32, #tpu.memory_space<vmem>>, %arg8: memref<640x16xf32, #tpu.memory_space<vmem>>, %arg9: memref<10240x16xf32, #tpu.memory_space<vmem_shared>>, %arg10: memref<!tpu.dma_semaphore, #tpu.memory_space<semaphore_mem>>) attributes {dimension_semantics = [#tpu.dimension_semantics<core_parallel>, #tpu.dimension_semantics<subcore_parallel>], iteration_bounds = array<i64: 2, 16>, scalar_prefetch = 0 : i64, scratch_operands = 5 : i64, tpu.core_type = #tpu.core_type<sc_vector_subcore>, window_params = [{transform_indices = #map}, {transform_indices = #map}, {transform_indices = #map}, {transform_indices = #map1}]} {
    %mul3A = arith.constant 2 : i32
    %mul3A_0 = arith.muli %arg1, %mul3A : i32
    %add3A = arith.addi %mul3A_0, %arg0 : i32
    %mul3A_1 = arith.constant 80 : i32
    %mul3A_2 = arith.muli %add3A, %mul3A_1 : i32
    "tpu.region"() ({
      %run_scoped3A = tpu.sem_alloc : memref<!tpu.dma_semaphore, #tpu.memory_space<semaphore_mem>>
      %dma_start3A = arith.constant 0 : i32
      %dma_start3A_17 = tpu.memref_slice %arg2[%mul3A_2, %dma_start3A] : memref<2560x128xi32, #tpu.memory_space<hbm>> -> memref<80x128xi32, #tpu.memory_space<hbm>>
      %dma_start3A_18 = arith.constant 0 : i32
      %dma_start3A_19 = tpu.memref_slice %arg2[%mul3A_2, %dma_start3A_18] : memref<2560x128xi32, #tpu.memory_space<hbm>> -> memref<80x128xi32, #tpu.memory_space<hbm>>
      tpu.enqueue_dma source(%dma_start3A_19 : memref<80x128xi32, #tpu.memory_space<hbm>>) target(%arg6 : memref<80x128xi32, #tpu.memory_space<vmem>>) target_semaphore(%run_scoped3A : memref<!tpu.dma_semaphore, #tpu.memory_space<semaphore_mem>>)
      %dma_wait3A = arith.constant 0 : i32
      %dma_wait3A_20 = tpu.memref_slice %arg2[%mul3A_2, %dma_wait3A] : memref<2560x128xi32, #tpu.memory_space<hbm>> -> memref<80x128xi32, #tpu.memory_space<hbm>>
      %dma_wait3A_21 = arith.constant 0 : i32
      %dma_wait3A_22 = tpu.memref_slice %arg2[%mul3A_2, %dma_wait3A_21] : memref<2560x128xi32, #tpu.memory_space<hbm>> -> memref<80x128xi32, #tpu.memory_space<hbm>>
      tpu.wait_dma2 semaphore(%run_scoped3A : memref<!tpu.dma_semaphore, #tpu.memory_space<semaphore_mem>>) src(%dma_wait3A_22 : memref<80x128xi32, #tpu.memory_space<hbm>>) dst(%arg6 : memref<80x128xi32, #tpu.memory_space<vmem>>)
      tpu.yield
    }) : () -> ()
    "tpu.region"() ({
      %run_scoped3A = tpu.sem_alloc : memref<!tpu.dma_semaphore, #tpu.memory_space<semaphore_mem>>
      tpu.enqueue_dma source(%arg3 : memref<128x16xf32, #tpu.memory_space<hbm>>) target(%arg7 : memref<128x16xf32, #tpu.memory_space<vmem>>) target_semaphore(%run_scoped3A : memref<!tpu.dma_semaphore, #tpu.memory_space<semaphore_mem>>)
      tpu.wait_dma2 semaphore(%run_scoped3A : memref<!tpu.dma_semaphore, #tpu.memory_space<semaphore_mem>>) src(%arg3 : memref<128x16xf32, #tpu.memory_space<hbm>>) dst(%arg7 : memref<128x16xf32, #tpu.memory_space<vmem>>)
      tpu.yield
    }) : () -> ()
    %mul3A_3 = arith.constant 640 : i32
    %mul3A_4 = arith.muli %arg1, %mul3A_3 : i32
    "tpu.region"() ({
      %run_scoped3A = tpu.sem_alloc : memref<!tpu.dma_semaphore, #tpu.memory_space<semaphore_mem>>
      %dma_start3A = arith.constant 0 : i32
      %dma_start3A_17 = tpu.memref_slice %arg4[%mul3A_4, %dma_start3A] : memref<10240x16xf32, #tpu.memory_space<hbm>> -> memref<640x16xf32, #tpu.memory_space<hbm>>
      %dma_start3A_18 = arith.constant 0 : i32
      %dma_start3A_19 = tpu.memref_slice %arg4[%mul3A_4, %dma_start3A_18] : memref<10240x16xf32, #tpu.memory_space<hbm>> -> memref<640x16xf32, #tpu.memory_space<hbm>>
      tpu.enqueue_dma source(%dma_start3A_19 : memref<640x16xf32, #tpu.memory_space<hbm>>) target(%arg8 : memref<640x16xf32, #tpu.memory_space<vmem>>) target_semaphore(%run_scoped3A : memref<!tpu.dma_semaphore, #tpu.memory_space<semaphore_mem>>)
      %dma_wait3A = arith.constant 0 : i32
      %dma_wait3A_20 = tpu.memref_slice %arg4[%mul3A_4, %dma_wait3A] : memref<10240x16xf32, #tpu.memory_space<hbm>> -> memref<640x16xf32, #tpu.memory_space<hbm>>
      %dma_wait3A_21 = arith.constant 0 : i32
      %dma_wait3A_22 = tpu.memref_slice %arg4[%mul3A_4, %dma_wait3A_21] : memref<10240x16xf32, #tpu.memory_space<hbm>> -> memref<640x16xf32, #tpu.memory_space<hbm>>
      tpu.wait_dma2 semaphore(%run_scoped3A : memref<!tpu.dma_semaphore, #tpu.memory_space<semaphore_mem>>) src(%dma_wait3A_22 : memref<640x16xf32, #tpu.memory_space<hbm>>) dst(%arg8 : memref<640x16xf32, #tpu.memory_space<vmem>>)
      tpu.yield
    }) : () -> ()
    %mul3A_5 = arith.constant 640 : i32
    %mul3A_6 = arith.muli %arg1, %mul3A_5 : i32
    "tpu.region"() ({
      %run_scoped3A = tpu.sem_alloc : memref<!tpu.dma_semaphore, #tpu.memory_space<semaphore_mem>>
      %dma_start3A = arith.constant 0 : i32
      %dma_start3A_17 = tpu.memref_slice %arg9[%mul3A_6, %dma_start3A] : memref<10240x16xf32, #tpu.memory_space<vmem_shared>> -> memref<640x16xf32, #tpu.memory_space<vmem_shared>>
      %dma_start3A_18 = arith.constant 0 : i32
      %dma_start3A_19 = tpu.memref_slice %arg9[%mul3A_6, %dma_start3A_18] : memref<10240x16xf32, #tpu.memory_space<vmem_shared>> -> memref<640x16xf32, #tpu.memory_space<vmem_shared>>
      tpu.enqueue_dma source(%arg8 : memref<640x16xf32, #tpu.memory_space<vmem>>) target(%dma_start3A_19 : memref<640x16xf32, #tpu.memory_space<vmem_shared>>) target_semaphore(%run_scoped3A : memref<!tpu.dma_semaphore, #tpu.memory_space<semaphore_mem>>)
      %dma_wait3A = arith.constant 0 : i32
      %dma_wait3A_20 = tpu.memref_slice %arg9[%mul3A_6, %dma_wait3A] : memref<10240x16xf32, #tpu.memory_space<vmem_shared>> -> memref<640x16xf32, #tpu.memory_space<vmem_shared>>
      %dma_wait3A_21 = arith.constant 0 : i32
      %dma_wait3A_22 = tpu.memref_slice %arg9[%mul3A_6, %dma_wait3A_21] : memref<10240x16xf32, #tpu.memory_space<vmem_shared>> -> memref<640x16xf32, #tpu.memory_space<vmem_shared>>
      tpu.wait_dma2 semaphore(%run_scoped3A : memref<!tpu.dma_semaphore, #tpu.memory_space<semaphore_mem>>) src(%arg8 : memref<640x16xf32, #tpu.memory_space<vmem>>) dst(%dma_wait3A_22 : memref<640x16xf32, #tpu.memory_space<vmem_shared>>)
      tpu.yield
    }) : () -> ()
    %barrier3A = arith.constant 0 : index
    tpu.barrier barrier_id(%barrier3A)
    %scan3A = arith.constant 0 : i32
    %scan3A_7 = arith.constant 0 : i32
    %scan3A_8 = arith.constant 10 : i32
    %scan3A_9 = arith.addi %scan3A_7, %scan3A_8 : i32
    %scan3A_10 = arith.constant 1 : i32
    scf.for %scan3A_17 = %scan3A_7 to %scan3A_9 step %scan3A_10  : i32 {
      %mul3A_18 = arith.constant 8 : i32
      %mul3A_19 = arith.muli %scan3A_17, %mul3A_18 : i32
      %add3A_20 = arith.constant 0 : i32
      %add3A_21 = arith.addi %mul3A_19, %add3A_20 : i32
      %dma_start3A = arith.constant 0 : i32
      %dma_start3A_22 = tpu.memref_slice %arg6[%add3A_21, %dma_start3A] : memref<80x128xi32, #tpu.memory_space<vmem>> -> memref<1x128xi32, #tpu.memory_space<vmem>>
      %dma_start3A_23 = tpu.memref_squeeze %dma_start3A_22 : memref<1x128xi32, #tpu.memory_space<vmem>> -> memref<128xi32, #tpu.memory_space<vmem>>
      %dma_start3A_24 = arith.constant 0 : i32
      %dma_start3A_25 = arith.constant 0 : i32
      %dma_start3A_26 = tpu.memref_slice %arg9[%dma_start3A_24, %dma_start3A_25] : memref<10240x16xf32, #tpu.memory_space<vmem_shared>> -> memref<10240x16xf32, #tpu.memory_space<vmem_shared>>
      tpu.enqueue_indirect_dma source(%arg7 : memref<128x16xf32, #tpu.memory_space<vmem>>) target(%dma_start3A_26 : memref<10240x16xf32, #tpu.memory_space<vmem_shared>>) offsets(%dma_start3A_23 : memref<128xi32, #tpu.memory_space<vmem>>) semaphore(%arg10 : memref<!tpu.dma_semaphore, #tpu.memory_space<semaphore_mem>>) {add = true}
      %mul3A_27 = arith.constant 8 : i32
      %mul3A_28 = arith.muli %scan3A_17, %mul3A_27 : i32
      %add3A_29 = arith.constant 1 : i32
      %add3A_30 = arith.addi %mul3A_28, %add3A_29 : i32
      %dma_start3A_31 = arith.constant 0 : i32
      %dma_start3A_32 = tpu.memref_slice %arg6[%add3A_30, %dma_start3A_31] : memref<80x128xi32, #tpu.memory_space<vmem>> -> memref<1x128xi32, #tpu.memory_space<vmem>>
      %dma_start3A_33 = tpu.memref_squeeze %dma_start3A_32 : memref<1x128xi32, #tpu.memory_space<vmem>> -> memref<128xi32, #tpu.memory_space<vmem>>
      %dma_start3A_34 = arith.constant 0 : i32
      %dma_start3A_35 = arith.constant 0 : i32
      %dma_start3A_36 = tpu.memref_slice %arg9[%dma_start3A_34, %dma_start3A_35] : memref<10240x16xf32, #tpu.memory_space<vmem_shared>> -> memref<10240x16xf32, #tpu.memory_space<vmem_shared>>
      tpu.enqueue_indirect_dma source(%arg7 : memref<128x16xf32, #tpu.memory_space<vmem>>) target(%dma_start3A_36 : memref<10240x16xf32, #tpu.memory_space<vmem_shared>>) offsets(%dma_start3A_33 : memref<128xi32, #tpu.memory_space<vmem>>) semaphore(%arg10 : memref<!tpu.dma_semaphore, #tpu.memory_space<semaphore_mem>>) {add = true}
      %mul3A_37 = arith.constant 8 : i32
      %mul3A_38 = arith.muli %scan3A_17, %mul3A_37 : i32
      %add3A_39 = arith.constant 2 : i32
      %add3A_40 = arith.addi %mul3A_38, %add3A_39 : i32
      %dma_start3A_41 = arith.constant 0 : i32
      %dma_start3A_42 = tpu.memref_slice %arg6[%add3A_40, %dma_start3A_41] : memref<80x128xi32, #tpu.memory_space<vmem>> -> memref<1x128xi32, #tpu.memory_space<vmem>>
      %dma_start3A_43 = tpu.memref_squeeze %dma_start3A_42 : memref<1x128xi32, #tpu.memory_space<vmem>> -> memref<128xi32, #tpu.memory_space<vmem>>
      %dma_start3A_44 = arith.constant 0 : i32
      %dma_start3A_45 = arith.constant 0 : i32
      %dma_start3A_46 = tpu.memref_slice %arg9[%dma_start3A_44, %dma_start3A_45] : memref<10240x16xf32, #tpu.memory_space<vmem_shared>> -> memref<10240x16xf32, #tpu.memory_space<vmem_shared>>
      tpu.enqueue_indirect_dma source(%arg7 : memref<128x16xf32, #tpu.memory_space<vmem>>) target(%dma_start3A_46 : memref<10240x16xf32, #tpu.memory_space<vmem_shared>>) offsets(%dma_start3A_43 : memref<128xi32, #tpu.memory_space<vmem>>) semaphore(%arg10 : memref<!tpu.dma_semaphore, #tpu.memory_space<semaphore_mem>>) {add = true}
      %mul3A_47 = arith.constant 8 : i32
      %mul3A_48 = arith.muli %scan3A_17, %mul3A_47 : i32
      %add3A_49 = arith.constant 3 : i32
      %add3A_50 = arith.addi %mul3A_48, %add3A_49 : i32
      %dma_start3A_51 = arith.constant 0 : i32
      %dma_start3A_52 = tpu.memref_slice %arg6[%add3A_50, %dma_start3A_51] : memref<80x128xi32, #tpu.memory_space<vmem>> -> memref<1x128xi32, #tpu.memory_space<vmem>>
      %dma_start3A_53 = tpu.memref_squeeze %dma_start3A_52 : memref<1x128xi32, #tpu.memory_space<vmem>> -> memref<128xi32, #tpu.memory_space<vmem>>
      %dma_start3A_54 = arith.constant 0 : i32
      %dma_start3A_55 = arith.constant 0 : i32
      %dma_start3A_56 = tpu.memref_slice %arg9[%dma_start3A_54, %dma_start3A_55] : memref<10240x16xf32, #tpu.memory_space<vmem_shared>> -> memref<10240x16xf32, #tpu.memory_space<vmem_shared>>
      tpu.enqueue_indirect_dma source(%arg7 : memref<128x16xf32, #tpu.memory_space<vmem>>) target(%dma_start3A_56 : memref<10240x16xf32, #tpu.memory_space<vmem_shared>>) offsets(%dma_start3A_53 : memref<128xi32, #tpu.memory_space<vmem>>) semaphore(%arg10 : memref<!tpu.dma_semaphore, #tpu.memory_space<semaphore_mem>>) {add = true}
      %mul3A_57 = arith.constant 8 : i32
      %mul3A_58 = arith.muli %scan3A_17, %mul3A_57 : i32
      %add3A_59 = arith.constant 4 : i32
      %add3A_60 = arith.addi %mul3A_58, %add3A_59 : i32
      %dma_start3A_61 = arith.constant 0 : i32
      %dma_start3A_62 = tpu.memref_slice %arg6[%add3A_60, %dma_start3A_61] : memref<80x128xi32, #tpu.memory_space<vmem>> -> memref<1x128xi32, #tpu.memory_space<vmem>>
      %dma_start3A_63 = tpu.memref_squeeze %dma_start3A_62 : memref<1x128xi32, #tpu.memory_space<vmem>> -> memref<128xi32, #tpu.memory_space<vmem>>
      %dma_start3A_64 = arith.constant 0 : i32
      %dma_start3A_65 = arith.constant 0 : i32
      %dma_start3A_66 = tpu.memref_slice %arg9[%dma_start3A_64, %dma_start3A_65] : memref<10240x16xf32, #tpu.memory_space<vmem_shared>> -> memref<10240x16xf32, #tpu.memory_space<vmem_shared>>
      tpu.enqueue_indirect_dma source(%arg7 : memref<128x16xf32, #tpu.memory_space<vmem>>) target(%dma_start3A_66 : memref<10240x16xf32, #tpu.memory_space<vmem_shared>>) offsets(%dma_start3A_63 : memref<128xi32, #tpu.memory_space<vmem>>) semaphore(%arg10 : memref<!tpu.dma_semaphore, #tpu.memory_space<semaphore_mem>>) {add = true}
      %mul3A_67 = arith.constant 8 : i32
      %mul3A_68 = arith.muli %scan3A_17, %mul3A_67 : i32
      %add3A_69 = arith.constant 5 : i32
      %add3A_70 = arith.addi %mul3A_68, %add3A_69 : i32
      %dma_start3A_71 = arith.constant 0 : i32
      %dma_start3A_72 = tpu.memref_slice %arg6[%add3A_70, %dma_start3A_71] : memref<80x128xi32, #tpu.memory_space<vmem>> -> memref<1x128xi32, #tpu.memory_space<vmem>>
      %dma_start3A_73 = tpu.memref_squeeze %dma_start3A_72 : memref<1x128xi32, #tpu.memory_space<vmem>> -> memref<128xi32, #tpu.memory_space<vmem>>
      %dma_start3A_74 = arith.constant 0 : i32
      %dma_start3A_75 = arith.constant 0 : i32
      %dma_start3A_76 = tpu.memref_slice %arg9[%dma_start3A_74, %dma_start3A_75] : memref<10240x16xf32, #tpu.memory_space<vmem_shared>> -> memref<10240x16xf32, #tpu.memory_space<vmem_shared>>
      tpu.enqueue_indirect_dma source(%arg7 : memref<128x16xf32, #tpu.memory_space<vmem>>) target(%dma_start3A_76 : memref<10240x16xf32, #tpu.memory_space<vmem_shared>>) offsets(%dma_start3A_73 : memref<128xi32, #tpu.memory_space<vmem>>) semaphore(%arg10 : memref<!tpu.dma_semaphore, #tpu.memory_space<semaphore_mem>>) {add = true}
      %mul3A_77 = arith.constant 8 : i32
      %mul3A_78 = arith.muli %scan3A_17, %mul3A_77 : i32
      %add3A_79 = arith.constant 6 : i32
      %add3A_80 = arith.addi %mul3A_78, %add3A_79 : i32
      %dma_start3A_81 = arith.constant 0 : i32
      %dma_start3A_82 = tpu.memref_slice %arg6[%add3A_80, %dma_start3A_81] : memref<80x128xi32, #tpu.memory_space<vmem>> -> memref<1x128xi32, #tpu.memory_space<vmem>>
      %dma_start3A_83 = tpu.memref_squeeze %dma_start3A_82 : memref<1x128xi32, #tpu.memory_space<vmem>> -> memref<128xi32, #tpu.memory_space<vmem>>
      %dma_start3A_84 = arith.constant 0 : i32
      %dma_start3A_85 = arith.constant 0 : i32
      %dma_start3A_86 = tpu.memref_slice %arg9[%dma_start3A_84, %dma_start3A_85] : memref<10240x16xf32, #tpu.memory_space<vmem_shared>> -> memref<10240x16xf32, #tpu.memory_space<vmem_shared>>
      tpu.enqueue_indirect_dma source(%arg7 : memref<128x16xf32, #tpu.memory_space<vmem>>) target(%dma_start3A_86 : memref<10240x16xf32, #tpu.memory_space<vmem_shared>>) offsets(%dma_start3A_83 : memref<128xi32, #tpu.memory_space<vmem>>) semaphore(%arg10 : memref<!tpu.dma_semaphore, #tpu.memory_space<semaphore_mem>>) {add = true}
      %mul3A_87 = arith.constant 8 : i32
      %mul3A_88 = arith.muli %scan3A_17, %mul3A_87 : i32
      %add3A_89 = arith.constant 7 : i32
      %add3A_90 = arith.addi %mul3A_88, %add3A_89 : i32
      %dma_start3A_91 = arith.constant 0 : i32
      %dma_start3A_92 = tpu.memref_slice %arg6[%add3A_90, %dma_start3A_91] : memref<80x128xi32, #tpu.memory_space<vmem>> -> memref<1x128xi32, #tpu.memory_space<vmem>>
      %dma_start3A_93 = tpu.memref_squeeze %dma_start3A_92 : memref<1x128xi32, #tpu.memory_space<vmem>> -> memref<128xi32, #tpu.memory_space<vmem>>
      %dma_start3A_94 = arith.constant 0 : i32
      %dma_start3A_95 = arith.constant 0 : i32
      %dma_start3A_96 = tpu.memref_slice %arg9[%dma_start3A_94, %dma_start3A_95] : memref<10240x16xf32, #tpu.memory_space<vmem_shared>> -> memref<10240x16xf32, #tpu.memory_space<vmem_shared>>
      tpu.enqueue_indirect_dma source(%arg7 : memref<128x16xf32, #tpu.memory_space<vmem>>) target(%dma_start3A_96 : memref<10240x16xf32, #tpu.memory_space<vmem_shared>>) offsets(%dma_start3A_93 : memref<128xi32, #tpu.memory_space<vmem>>) semaphore(%arg10 : memref<!tpu.dma_semaphore, #tpu.memory_space<semaphore_mem>>) {add = true}
      %dma_wait3A = arith.constant 0 : i32
      %dma_wait3A_97 = tpu.memref_slice %arg6[%add3A_21, %dma_wait3A] : memref<80x128xi32, #tpu.memory_space<vmem>> -> memref<1x128xi32, #tpu.memory_space<vmem>>
      %dma_wait3A_98 = tpu.memref_squeeze %dma_wait3A_97 : memref<1x128xi32, #tpu.memory_space<vmem>> -> memref<128xi32, #tpu.memory_space<vmem>>
      %dma_wait3A_99 = arith.constant 0 : i32
      %dma_wait3A_100 = arith.constant 0 : i32
      %dma_wait3A_101 = tpu.memref_slice %arg9[%dma_wait3A_99, %dma_wait3A_100] : memref<10240x16xf32, #tpu.memory_space<vmem_shared>> -> memref<10240x16xf32, #tpu.memory_space<vmem_shared>>
      tpu.wait_indirect_dma semaphore(%arg10 : memref<!tpu.dma_semaphore, #tpu.memory_space<semaphore_mem>>) src(%arg7 : memref<128x16xf32, #tpu.memory_space<vmem>>) dst(%dma_wait3A_101 : memref<10240x16xf32, #tpu.memory_space<vmem_shared>>)
      %dma_wait3A_102 = arith.constant 0 : i32
      %dma_wait3A_103 = tpu.memref_slice %arg6[%add3A_30, %dma_wait3A_102] : memref<80x128xi32, #tpu.memory_space<vmem>> -> memref<1x128xi32, #tpu.memory_space<vmem>>
      %dma_wait3A_104 = tpu.memref_squeeze %dma_wait3A_103 : memref<1x128xi32, #tpu.memory_space<vmem>> -> memref<128xi32, #tpu.memory_space<vmem>>
      %dma_wait3A_105 = arith.constant 0 : i32
      %dma_wait3A_106 = arith.constant 0 : i32
      %dma_wait3A_107 = tpu.memref_slice %arg9[%dma_wait3A_105, %dma_wait3A_106] : memref<10240x16xf32, #tpu.memory_space<vmem_shared>> -> memref<10240x16xf32, #tpu.memory_space<vmem_shared>>
      tpu.wait_indirect_dma semaphore(%arg10 : memref<!tpu.dma_semaphore, #tpu.memory_space<semaphore_mem>>) src(%arg7 : memref<128x16xf32, #tpu.memory_space<vmem>>) dst(%dma_wait3A_107 : memref<10240x16xf32, #tpu.memory_space<vmem_shared>>)
      %dma_wait3A_108 = arith.constant 0 : i32
      %dma_wait3A_109 = tpu.memref_slice %arg6[%add3A_40, %dma_wait3A_108] : memref<80x128xi32, #tpu.memory_space<vmem>> -> memref<1x128xi32, #tpu.memory_space<vmem>>
      %dma_wait3A_110 = tpu.memref_squeeze %dma_wait3A_109 : memref<1x128xi32, #tpu.memory_space<vmem>> -> memref<128xi32, #tpu.memory_space<vmem>>
      %dma_wait3A_111 = arith.constant 0 : i32
      %dma_wait3A_112 = arith.constant 0 : i32
      %dma_wait3A_113 = tpu.memref_slice %arg9[%dma_wait3A_111, %dma_wait3A_112] : memref<10240x16xf32, #tpu.memory_space<vmem_shared>> -> memref<10240x16xf32, #tpu.memory_space<vmem_shared>>
      tpu.wait_indirect_dma semaphore(%arg10 : memref<!tpu.dma_semaphore, #tpu.memory_space<semaphore_mem>>) src(%arg7 : memref<128x16xf32, #tpu.memory_space<vmem>>) dst(%dma_wait3A_113 : memref<10240x16xf32, #tpu.memory_space<vmem_shared>>)
      %dma_wait3A_114 = arith.constant 0 : i32
      %dma_wait3A_115 = tpu.memref_slice %arg6[%add3A_50, %dma_wait3A_114] : memref<80x128xi32, #tpu.memory_space<vmem>> -> memref<1x128xi32, #tpu.memory_space<vmem>>
      %dma_wait3A_116 = tpu.memref_squeeze %dma_wait3A_115 : memref<1x128xi32, #tpu.memory_space<vmem>> -> memref<128xi32, #tpu.memory_space<vmem>>
      %dma_wait3A_117 = arith.constant 0 : i32
      %dma_wait3A_118 = arith.constant 0 : i32
      %dma_wait3A_119 = tpu.memref_slice %arg9[%dma_wait3A_117, %dma_wait3A_118] : memref<10240x16xf32, #tpu.memory_space<vmem_shared>> -> memref<10240x16xf32, #tpu.memory_space<vmem_shared>>
      tpu.wait_indirect_dma semaphore(%arg10 : memref<!tpu.dma_semaphore, #tpu.memory_space<semaphore_mem>>) src(%arg7 : memref<128x16xf32, #tpu.memory_space<vmem>>) dst(%dma_wait3A_119 : memref<10240x16xf32, #tpu.memory_space<vmem_shared>>)
      %dma_wait3A_120 = arith.constant 0 : i32
      %dma_wait3A_121 = tpu.memref_slice %arg6[%add3A_60, %dma_wait3A_120] : memref<80x128xi32, #tpu.memory_space<vmem>> -> memref<1x128xi32, #tpu.memory_space<vmem>>
      %dma_wait3A_122 = tpu.memref_squeeze %dma_wait3A_121 : memref<1x128xi32, #tpu.memory_space<vmem>> -> memref<128xi32, #tpu.memory_space<vmem>>
      %dma_wait3A_123 = arith.constant 0 : i32
      %dma_wait3A_124 = arith.constant 0 : i32
      %dma_wait3A_125 = tpu.memref_slice %arg9[%dma_wait3A_123, %dma_wait3A_124] : memref<10240x16xf32, #tpu.memory_space<vmem_shared>> -> memref<10240x16xf32, #tpu.memory_space<vmem_shared>>
      tpu.wait_indirect_dma semaphore(%arg10 : memref<!tpu.dma_semaphore, #tpu.memory_space<semaphore_mem>>) src(%arg7 : memref<128x16xf32, #tpu.memory_space<vmem>>) dst(%dma_wait3A_125 : memref<10240x16xf32, #tpu.memory_space<vmem_shared>>)
      %dma_wait3A_126 = arith.constant 0 : i32
      %dma_wait3A_127 = tpu.memref_slice %arg6[%add3A_70, %dma_wait3A_126] : memref<80x128xi32, #tpu.memory_space<vmem>> -> memref<1x128xi32, #tpu.memory_space<vmem>>
      %dma_wait3A_128 = tpu.memref_squeeze %dma_wait3A_127 : memref<1x128xi32, #tpu.memory_space<vmem>> -> memref<128xi32, #tpu.memory_space<vmem>>
      %dma_wait3A_129 = arith.constant 0 : i32
      %dma_wait3A_130 = arith.constant 0 : i32
      %dma_wait3A_131 = tpu.memref_slice %arg9[%dma_wait3A_129, %dma_wait3A_130] : memref<10240x16xf32, #tpu.memory_space<vmem_shared>> -> memref<10240x16xf32, #tpu.memory_space<vmem_shared>>
      tpu.wait_indirect_dma semaphore(%arg10 : memref<!tpu.dma_semaphore, #tpu.memory_space<semaphore_mem>>) src(%arg7 : memref<128x16xf32, #tpu.memory_space<vmem>>) dst(%dma_wait3A_131 : memref<10240x16xf32, #tpu.memory_space<vmem_shared>>)
      %dma_wait3A_132 = arith.constant 0 : i32
      %dma_wait3A_133 = tpu.memref_slice %arg6[%add3A_80, %dma_wait3A_132] : memref<80x128xi32, #tpu.memory_space<vmem>> -> memref<1x128xi32, #tpu.memory_space<vmem>>
      %dma_wait3A_134 = tpu.memref_squeeze %dma_wait3A_133 : memref<1x128xi32, #tpu.memory_space<vmem>> -> memref<128xi32, #tpu.memory_space<vmem>>
      %dma_wait3A_135 = arith.constant 0 : i32
      %dma_wait3A_136 = arith.constant 0 : i32
      %dma_wait3A_137 = tpu.memref_slice %arg9[%dma_wait3A_135, %dma_wait3A_136] : memref<10240x16xf32, #tpu.memory_space<vmem_shared>> -> memref<10240x16xf32, #tpu.memory_space<vmem_shared>>
      tpu.wait_indirect_dma semaphore(%arg10 : memref<!tpu.dma_semaphore, #tpu.memory_space<semaphore_mem>>) src(%arg7 : memref<128x16xf32, #tpu.memory_space<vmem>>) dst(%dma_wait3A_137 : memref<10240x16xf32, #tpu.memory_space<vmem_shared>>)
      %dma_wait3A_138 = arith.constant 0 : i32
      %dma_wait3A_139 = tpu.memref_slice %arg6[%add3A_90, %dma_wait3A_138] : memref<80x128xi32, #tpu.memory_space<vmem>> -> memref<1x128xi32, #tpu.memory_space<vmem>>
      %dma_wait3A_140 = tpu.memref_squeeze %dma_wait3A_139 : memref<1x128xi32, #tpu.memory_space<vmem>> -> memref<128xi32, #tpu.memory_space<vmem>>
      %dma_wait3A_141 = arith.constant 0 : i32
      %dma_wait3A_142 = arith.constant 0 : i32
      %dma_wait3A_143 = tpu.memref_slice %arg9[%dma_wait3A_141, %dma_wait3A_142] : memref<10240x16xf32, #tpu.memory_space<vmem_shared>> -> memref<10240x16xf32, #tpu.memory_space<vmem_shared>>
      tpu.wait_indirect_dma semaphore(%arg10 : memref<!tpu.dma_semaphore, #tpu.memory_space<semaphore_mem>>) src(%arg7 : memref<128x16xf32, #tpu.memory_space<vmem>>) dst(%dma_wait3A_143 : memref<10240x16xf32, #tpu.memory_space<vmem_shared>>)
    }
    %scan3A_11 = arith.constant 10 : i32
    %barrier3A_12 = arith.constant 0 : index
    tpu.barrier barrier_id(%barrier3A_12)
    %mul3A_13 = arith.constant 640 : i32
    %mul3A_14 = arith.muli %arg1, %mul3A_13 : i32
    "tpu.region"() ({
      %run_scoped3A = tpu.sem_alloc : memref<!tpu.dma_semaphore, #tpu.memory_space<semaphore_mem>>
      %dma_start3A = arith.constant 0 : i32
      %dma_start3A_17 = tpu.memref_slice %arg9[%mul3A_14, %dma_start3A] : memref<10240x16xf32, #tpu.memory_space<vmem_shared>> -> memref<640x16xf32, #tpu.memory_space<vmem_shared>>
      %dma_start3A_18 = arith.constant 0 : i32
      %dma_start3A_19 = tpu.memref_slice %arg9[%mul3A_14, %dma_start3A_18] : memref<10240x16xf32, #tpu.memory_space<vmem_shared>> -> memref<640x16xf32, #tpu.memory_space<vmem_shared>>
      tpu.enqueue_dma source(%dma_start3A_19 : memref<640x16xf32, #tpu.memory_space<vmem_shared>>) target(%arg8 : memref<640x16xf32, #tpu.memory_space<vmem>>) target_semaphore(%run_scoped3A : memref<!tpu.dma_semaphore, #tpu.memory_space<semaphore_mem>>)
      %dma_wait3A = arith.constant 0 : i32
      %dma_wait3A_20 = tpu.memref_slice %arg9[%mul3A_14, %dma_wait3A] : memref<10240x16xf32, #tpu.memory_space<vmem_shared>> -> memref<640x16xf32, #tpu.memory_space<vmem_shared>>
      %dma_wait3A_21 = arith.constant 0 : i32
      %dma_wait3A_22 = tpu.memref_slice %arg9[%mul3A_14, %dma_wait3A_21] : memref<10240x16xf32, #tpu.memory_space<vmem_shared>> -> memref<640x16xf32, #tpu.memory_space<vmem_shared>>
      tpu.wait_dma2 semaphore(%run_scoped3A : memref<!tpu.dma_semaphore, #tpu.memory_space<semaphore_mem>>) src(%dma_wait3A_22 : memref<640x16xf32, #tpu.memory_space<vmem_shared>>) dst(%arg8 : memref<640x16xf32, #tpu.memory_space<vmem>>)
      tpu.yield
    }) : () -> ()
    %mul3A_15 = arith.constant 640 : i32
    %mul3A_16 = arith.muli %arg1, %mul3A_15 : i32
    "tpu.region"() ({
      %run_scoped3A = tpu.sem_alloc : memref<!tpu.dma_semaphore, #tpu.memory_space<semaphore_mem>>
      %dma_start3A = arith.constant 0 : i32
      %dma_start3A_17 = tpu.memref_slice %arg5[%arg0, %mul3A_16, %dma_start3A] : memref<2x10240x16xf32, #tpu.memory_space<hbm>> -> memref<1x640x16xf32, #tpu.memory_space<hbm>>
      %dma_start3A_18 = tpu.memref_squeeze %dma_start3A_17 : memref<1x640x16xf32, #tpu.memory_space<hbm>> -> memref<640x16xf32, #tpu.memory_space<hbm>>
      %dma_start3A_19 = arith.constant 0 : i32
      %dma_start3A_20 = tpu.memref_slice %arg5[%arg0, %mul3A_16, %dma_start3A_19] : memref<2x10240x16xf32, #tpu.memory_space<hbm>> -> memref<1x640x16xf32, #tpu.memory_space<hbm>>
      %dma_start3A_21 = tpu.memref_squeeze %dma_start3A_20 : memref<1x640x16xf32, #tpu.memory_space<hbm>> -> memref<640x16xf32, #tpu.memory_space<hbm>>
      tpu.enqueue_dma source(%arg8 : memref<640x16xf32, #tpu.memory_space<vmem>>) target(%dma_start3A_21 : memref<640x16xf32, #tpu.memory_space<hbm>>) target_semaphore(%run_scoped3A : memref<!tpu.dma_semaphore, #tpu.memory_space<semaphore_mem>>)
      %dma_wait3A = arith.constant 0 : i32
      %dma_wait3A_22 = tpu.memref_slice %arg5[%arg0, %mul3A_16, %dma_wait3A] : memref<2x10240x16xf32, #tpu.memory_space<hbm>> -> memref<1x640x16xf32, #tpu.memory_space<hbm>>
      %dma_wait3A_23 = tpu.memref_squeeze %dma_wait3A_22 : memref<1x640x16xf32, #tpu.memory_space<hbm>> -> memref<640x16xf32, #tpu.memory_space<hbm>>
      %dma_wait3A_24 = arith.constant 0 : i32
      %dma_wait3A_25 = tpu.memref_slice %arg5[%arg0, %mul3A_16, %dma_wait3A_24] : memref<2x10240x16xf32, #tpu.memory_space<hbm>> -> memref<1x640x16xf32, #tpu.memory_space<hbm>>
      %dma_wait3A_26 = tpu.memref_squeeze %dma_wait3A_25 : memref<1x640x16xf32, #tpu.memory_space<hbm>> -> memref<640x16xf32, #tpu.memory_space<hbm>>
      tpu.wait_dma2 semaphore(%run_scoped3A : memref<!tpu.dma_semaphore, #tpu.memory_space<semaphore_mem>>) src(%arg8 : memref<640x16xf32, #tpu.memory_space<vmem>>) dst(%dma_wait3A_26 : memref<640x16xf32, #tpu.memory_space<hbm>>)
      tpu.yield
    }) : () -> ()
    return
  }
}

module attributes {stable_mosaic.version = 14 : i64} {
  func.func @_tc_enc(%arg0: memref<10240x128xf32, #tpu.memory_space<vmem>>, %arg1: memref<128x64xf32, #tpu.memory_space<vmem>>, %arg2: memref<2x10240x16xf32, #tpu.memory_space<vmem>>, %arg3: memref<10240x64xf32, #tpu.memory_space<vmem>>, %arg4: memref<10240x1xf32, #tpu.memory_space<vmem>>) attributes {dimension_semantics = [], scalar_prefetch = 0 : i64, scratch_operands = 0 : i64, tpu.core_type = #tpu.core_type<tc>} {
    %get3A = arith.constant 0 : index
    %get3A_0 = arith.constant 0 : index
    %get3A_1 = arith.constant 0 : index
    %get3A_2 = vector.load %arg2[%get3A, %get3A_0, %get3A_1] : memref<2x10240x16xf32, #tpu.memory_space<vmem>>, vector<1x10240x1xf32>
    %get3A_3 = vector.shape_cast %get3A_2 : vector<1x10240x1xf32> to vector<10240x1xf32>
    %get3A_4 = arith.constant 1 : index
    %get3A_5 = arith.constant 0 : index
    %get3A_6 = arith.constant 0 : index
    %get3A_7 = vector.load %arg2[%get3A_4, %get3A_5, %get3A_6] : memref<2x10240x16xf32, #tpu.memory_space<vmem>>, vector<1x10240x1xf32>
    %get3A_8 = vector.shape_cast %get3A_7 : vector<1x10240x1xf32> to vector<10240x1xf32>
    %add3A = arith.addf %get3A_3, %get3A_8 : vector<10240x1xf32>
    %add3A_9 = arith.constant 1.000000e+00 : f32
    %add3A_10 = vector.broadcast %add3A_9 : f32 to vector<10240x1xf32>
    %add3A_11 = arith.addf %add3A, %add3A_10 : vector<10240x1xf32>
    %rsqrt3A = math.rsqrt %add3A_11 : vector<10240x1xf32>
    %swap3A = arith.constant 0 : index
    %swap3A_12 = arith.constant 0 : index
    %swap3A_13 = vector.load %arg4[%swap3A, %swap3A_12] : memref<10240x1xf32, #tpu.memory_space<vmem>>, vector<10240x1xf32>
    tpu.vector_store %arg4[%swap3A, %swap3A_12], %rsqrt3A {strides = array<i32>} : memref<10240x1xf32, #tpu.memory_space<vmem>>, vector<10240x1xf32>,
    %get3A_14 = arith.constant 0 : index
    %get3A_15 = arith.constant 0 : index
    %get3A_16 = vector.load %arg0[%get3A_14, %get3A_15] : memref<10240x128xf32, #tpu.memory_space<vmem>>, vector<10240x128xf32>
    %get3A_17 = arith.constant 0 : index
    %get3A_18 = arith.constant 0 : index
    %get3A_19 = vector.load %arg1[%get3A_17, %get3A_18] : memref<128x64xf32, #tpu.memory_space<vmem>>, vector<128x64xf32>
    %dot_general3A = arith.constant dense<0.000000e+00> : vector<10240x64xf32>
    %dot_general3A_20 = tpu.matmul %get3A_16, %get3A_19, %dot_general3A {dimension_numbers = #tpu.dot_dimension_numbers<[1], [0], [0], [1], [0, 0, 1, 1], [], []>, transpose_lhs_hint = false} : vector<10240x128xf32>, vector<128x64xf32>, vector<10240x64xf32> -> vector<10240x64xf32>
    %mul3A = vector.broadcast %rsqrt3A : vector<10240x1xf32> to vector<10240x64xf32>
    %mul3A_21 = arith.mulf %dot_general3A_20, %mul3A : vector<10240x64xf32>
    %swap3A_22 = arith.constant 0 : index
    %swap3A_23 = arith.constant 0 : index
    %swap3A_24 = vector.load %arg3[%swap3A_22, %swap3A_23] : memref<10240x64xf32, #tpu.memory_space<vmem>>, vector<10240x64xf32>
    tpu.vector_store %arg3[%swap3A_22, %swap3A_23], %mul3A_21 {strides = array<i32>} : memref<10240x64xf32, #tpu.memory_space<vmem>>, vector<10240x64xf32>,
    return
  }
}

module attributes {stable_mosaic.version = 14 : i64} {
  func.func @_tc_mid(%arg0: memref<2x10240x64xf32, #tpu.memory_space<vmem>>, %arg1: memref<10240x64xf32, #tpu.memory_space<vmem>>, %arg2: memref<10240x1xf32, #tpu.memory_space<vmem>>, %arg3: memref<1x64xf32, #tpu.memory_space<vmem>>, %arg4: memref<10240x64xf32, #tpu.memory_space<vmem>>) attributes {dimension_semantics = [], scalar_prefetch = 0 : i64, scratch_operands = 0 : i64, tpu.core_type = #tpu.core_type<tc>} {
    %get3A = arith.constant 0 : index
    %get3A_0 = arith.constant 0 : index
    %get3A_1 = vector.load %arg2[%get3A, %get3A_0] : memref<10240x1xf32, #tpu.memory_space<vmem>>, vector<10240x1xf32>
    %get3A_2 = arith.constant 0 : index
    %get3A_3 = arith.constant 0 : index
    %get3A_4 = arith.constant 0 : index
    %get3A_5 = vector.load %arg0[%get3A_2, %get3A_3, %get3A_4] : memref<2x10240x64xf32, #tpu.memory_space<vmem>>, vector<1x10240x64xf32>
    %get3A_6 = vector.shape_cast %get3A_5 : vector<1x10240x64xf32> to vector<10240x64xf32>
    %get3A_7 = arith.constant 1 : index
    %get3A_8 = arith.constant 0 : index
    %get3A_9 = arith.constant 0 : index
    %get3A_10 = vector.load %arg0[%get3A_7, %get3A_8, %get3A_9] : memref<2x10240x64xf32, #tpu.memory_space<vmem>>, vector<1x10240x64xf32>
    %get3A_11 = vector.shape_cast %get3A_10 : vector<1x10240x64xf32> to vector<10240x64xf32>
    %add3A = arith.addf %get3A_6, %get3A_11 : vector<10240x64xf32>
    %get3A_12 = arith.constant 0 : index
    %get3A_13 = arith.constant 0 : index
    %get3A_14 = vector.load %arg1[%get3A_12, %get3A_13] : memref<10240x64xf32, #tpu.memory_space<vmem>>, vector<10240x64xf32>
    %add3A_15 = arith.addf %add3A, %get3A_14 : vector<10240x64xf32>
    %mul3A = vector.broadcast %get3A_1 : vector<10240x1xf32> to vector<10240x64xf32>
    %mul3A_16 = arith.mulf %add3A_15, %mul3A : vector<10240x64xf32>
    %get3A_17 = arith.constant 0 : index
    %get3A_18 = arith.constant 0 : index
    %get3A_19 = vector.load %arg3[%get3A_17, %get3A_18] : memref<1x64xf32, #tpu.memory_space<vmem>>, vector<1x64xf32>
    %add3A_20 = vector.broadcast %get3A_19 : vector<1x64xf32> to vector<10240x64xf32>
    %add3A_21 = arith.addf %mul3A_16, %add3A_20 : vector<10240x64xf32>
    %mul3A_22 = vector.broadcast %get3A_1 : vector<10240x1xf32> to vector<10240x64xf32>
    %mul3A_23 = arith.mulf %add3A_21, %mul3A_22 : vector<10240x64xf32>
    %swap3A = arith.constant 0 : index
    %swap3A_24 = arith.constant 0 : index
    %swap3A_25 = vector.load %arg4[%swap3A, %swap3A_24] : memref<10240x64xf32, #tpu.memory_space<vmem>>, vector<10240x64xf32>
    tpu.vector_store %arg4[%swap3A, %swap3A_24], %mul3A_23 {strides = array<i32>} : memref<10240x64xf32, #tpu.memory_space<vmem>>, vector<10240x64xf32>,
    return
  }
}

module attributes {stable_mosaic.version = 14 : i64} {
  func.func @_tc_out(%arg0: memref<2x10240x64xf32, #tpu.memory_space<vmem>>, %arg1: memref<10240x64xf32, #tpu.memory_space<vmem>>, %arg2: memref<10240x1xf32, #tpu.memory_space<vmem>>, %arg3: memref<1x128xf32, #tpu.memory_space<vmem>>, %arg4: memref<64x128xf32, #tpu.memory_space<vmem>>, %arg5: memref<10240x128xf32, #tpu.memory_space<vmem>>) attributes {dimension_semantics = [], scalar_prefetch = 0 : i64, scratch_operands = 0 : i64, tpu.core_type = #tpu.core_type<tc>} {
    %get3A = arith.constant 0 : index
    %get3A_0 = arith.constant 0 : index
    %get3A_1 = arith.constant 0 : index
    %get3A_2 = vector.load %arg0[%get3A, %get3A_0, %get3A_1] : memref<2x10240x64xf32, #tpu.memory_space<vmem>>, vector<1x10240x64xf32>
    %get3A_3 = vector.shape_cast %get3A_2 : vector<1x10240x64xf32> to vector<10240x64xf32>
    %get3A_4 = arith.constant 1 : index
    %get3A_5 = arith.constant 0 : index
    %get3A_6 = arith.constant 0 : index
    %get3A_7 = vector.load %arg0[%get3A_4, %get3A_5, %get3A_6] : memref<2x10240x64xf32, #tpu.memory_space<vmem>>, vector<1x10240x64xf32>
    %get3A_8 = vector.shape_cast %get3A_7 : vector<1x10240x64xf32> to vector<10240x64xf32>
    %add3A = arith.addf %get3A_3, %get3A_8 : vector<10240x64xf32>
    %get3A_9 = arith.constant 0 : index
    %get3A_10 = arith.constant 0 : index
    %get3A_11 = vector.load %arg1[%get3A_9, %get3A_10] : memref<10240x64xf32, #tpu.memory_space<vmem>>, vector<10240x64xf32>
    %add3A_12 = arith.addf %add3A, %get3A_11 : vector<10240x64xf32>
    %get3A_13 = arith.constant 0 : index
    %get3A_14 = arith.constant 0 : index
    %get3A_15 = vector.load %arg4[%get3A_13, %get3A_14] : memref<64x128xf32, #tpu.memory_space<vmem>>, vector<64x128xf32>
    %dot_general3A = arith.constant dense<0.000000e+00> : vector<10240x128xf32>
    %dot_general3A_16 = tpu.matmul %add3A_12, %get3A_15, %dot_general3A {dimension_numbers = #tpu.dot_dimension_numbers<[1], [0], [0], [1], [0, 0, 1, 1], [], []>, transpose_lhs_hint = false} : vector<10240x64xf32>, vector<64x128xf32>, vector<10240x128xf32> -> vector<10240x128xf32>
    %get3A_17 = arith.constant 0 : index
    %get3A_18 = arith.constant 0 : index
    %get3A_19 = vector.load %arg2[%get3A_17, %get3A_18] : memref<10240x1xf32, #tpu.memory_space<vmem>>, vector<10240x1xf32>
    %mul3A = vector.broadcast %get3A_19 : vector<10240x1xf32> to vector<10240x128xf32>
    %mul3A_20 = arith.mulf %dot_general3A_16, %mul3A : vector<10240x128xf32>
    %get3A_21 = arith.constant 0 : index
    %get3A_22 = arith.constant 0 : index
    %get3A_23 = vector.load %arg3[%get3A_21, %get3A_22] : memref<1x128xf32, #tpu.memory_space<vmem>>, vector<1x128xf32>
    %add3A_24 = vector.broadcast %get3A_23 : vector<1x128xf32> to vector<10240x128xf32>
    %add3A_25 = arith.addf %mul3A_20, %add3A_24 : vector<10240x128xf32>
    %swap3A = arith.constant 0 : index
    %swap3A_26 = arith.constant 0 : index
    %swap3A_27 = vector.load %arg5[%swap3A, %swap3A_26] : memref<10240x128xf32, #tpu.memory_space<vmem>>, vector<10240x128xf32>
    tpu.vector_store %arg5[%swap3A, %swap3A_26], %add3A_25 {strides = array<i32>} : memref<10240x128xf32, #tpu.memory_space<vmem>>, vector<10240x128xf32>,
    return
  }
}

</mosaic_0001>

<sc_bundles>
// kernel: kernel.11.cloned.1.call-start
scs
__scs_entry_jumppad:
0x0: {  	(pc) =	sbr.rel $0x88, $3  }
0x1: {  	(tag) =	ssettag $0x0;
	lr =	simm.s32 $0x1  }
0x2: {  	[smem:$0x3F9B] =	sst lr;
	_ =	strace $0xD0000000  }
0x3: {  	_ = 	snop  }
0x4: {  	_ = 	snop  }
0x5: {  	_ = 	snop  }
0x6: {  	_ = 	snop  }
0x7: {  	_ = 	snop  }
__scs_overlays_trampoline_lowered:
0x8: {  	[smem:$0x3FAA] =	sst s0  }
0x9: {  	[smem:$0x3FAB] =	sst s1  }
0xa: {  	[smem:$0x3FAC] =	sst s2  }
0xb: {  	[smem:$0x3FAD] =	sst s3  }
0xc: {  	[smem:$0x3FAE] =	sst s4  }
0xd: {  	[smem:$0x3FAF] =	sst s5  }
0xe: {  	[smem:$0x3FB0] =	sst s6  }
0xf: {  	[smem:$0x3FB1] =	sst s7  }
0x10: {  	[smem:$0x3FB2] =	sst s8  }
0x11: {  	[smem:$0x3FB3] =	sst s9;
	s0 =	simm.s32 @!p0 $0x0  }
0x12: {  	s1 =	sld [smem:$0x3F99];
	s0 =	simm.s32 @p0 $0x1  }
0x13: {  	[smem:$0x3FB4] =	sst s0;
	s0 =	simm.s32 @!p1 $0x0  }
0x14: {  	s2 =	sld [smem:$0x3F98];
	s0 =	simm.s32 @p1 $0x1  }
0x15: {  	[smem:$0x3FB5] =	sst s0;
	s0 =	simm.s32 @!p2 $0x0  }
0x16: {  	s3 =	sld [smem:$0x3FDB];
	s0 =	simm.s32 @p2 $0x1  }
0x17: {  	s4 =	simm.s32 $0x1BF5;
	[smem:$0x3FB7] =	sst s0  }
0x18: {  	s0 =	sld [smem:$0x3F9A];
	_ =	swait.ge [sflag:s4], $0x0  }
0x19: {  	s7 =	sld [smem:$0x3F9B]  }
0x1a: {  	s8 =	sadd.s32 $0xFFFFE003, lr  }
0x1b: {  	s9 =	sadd.s32 $0xFFFFFEF7, lr;
	s5 =	simm.s32 $0xFFFFFFFF;
	p2 =	slt.u32 s8, $0xFFFFF086  }
0x1c: {  	p1 =	slt.u32 s9, $0xF7A;
	s5 =	simm.s32 @!p2 $0x0  }
0x1d: {  	s5 =	simm.s32 @p1 $0x1;
	p0 =	seq.s32 s7, s2  }
0x1e: {  	s7 =	smul.u32 @!p0 $0xF7A, s2;
	p2 =	seq.s32 @!p0 s5, $0x0  }
0x1f: {  	s9 =	smul.u32 $0xF7A, s1;
	s8 =	simm.s32 @!p0 $0x1BF5;
	p2 =	por !p2, p0  }
0x20: {  	[sflag:s8] =	ssyncset.s32 @!p0 $0xFFFFF086;
	s6 =	sadd.s32 @!p0 s3, s7;
	s7 =	simm.s32 @!p0 $0x108  }
0x21: {  	s3 =	sadd.s32 s3, s9;
	s6 =	sadd.s32 @!p0 $0x88, s6;
	s7 =	simm.s32 @p2 $0x1082  }
0x22: {  	[simem:s7], [sflag:s8] =	dma.local @!p0 [hbm:s6], $0xF7A  }
0x23: {  	s9 =	sor.u32 $0xD0000000, s2;
	s6 =	simm.s32 $0x108;
	_ =	swait.ge @!p0 [sflag:s8], $0x0  }
0x24: {  	s3 =	sadd.s32 $0x88, s3;
	s6 =	simm.s32 @!p1 $0x1082;
	[sflag:s4] =	ssyncset.s32 $0xFFFFF086  }
0x25: {  	[simem:s6], [sflag:s4] =	dma.local [hbm:s3], $0xF7A  }
0x26: {  	[smem:$0x3F9B] =	sst s1;
	(tag) =	ssettag s2;
	_ =	strace s9  }
0x27: {  	s1 =	sld [smem:$0x3FAB]  }
0x28: {  	s2 =	sld [smem:$0x3FAC]  }
0x29: {  	s4 =	sld [smem:$0x3FAE]  }
0x2a: {  	p0 =	seq.s32 s5, $0x0;
	s5 =	sld [smem:$0x3FAF]  }
0x2b: {  	s6 =	sld [smem:$0x3FB0]  }
0x2c: {  	s7 =	sld [smem:$0x3FB1]  }
0x2d: {  	s3 =	simm.s32 $0x108;
	s8 =	sld [smem:$0x3FB2]  }
0x2e: {  	s3 =	simm.s32 @!p0 $0x1082;
	s9 =	sld [smem:$0x3FB3]  }
0x2f: {  	lr =	sadd.s32 s0, s3;
	s0 =	sld [smem:$0x3FAA]  }
0x30: {  	s3 =	sld [smem:$0x3FAD]  }
0x31: {  	[smem:$0x3FB6] =	sst s10  }
0x32: {  	s10 =	sld [smem:$0x3FB4];
	_ =	sdelay $0x3  }
0x33: {  	p0 =	seq.s32 s10, $0x1;
	s10 =	sld [smem:$0x3FB6];
	_ =	sdelay $0x3  }
0x34: {  	[smem:$0x3FB6] =	sst s10  }
0x35: {  	s10 =	sld [smem:$0x3FB5];
	_ =	sdelay $0x3  }
0x36: {  	p1 =	seq.s32 s10, $0x1;
	s10 =	sld [smem:$0x3FB6];
	_ =	sdelay $0x3  }
0x37: {  	[smem:$0x3FB6] =	sst s10  }
0x38: {  	s10 =	sld [smem:$0x3FB7]  }
0x39: {  	_ = 	snop;
	(pc) =	sbr.ind lr, $3  }
0x3a: {  	_ = 	snop  }
0x3b: {  	_ = 	snop  }
0x3c: {  	p2 =	seq.s32 s10, $0x1;
	s10 =	sld [smem:$0x3FB6]  }
0x3d: {  	_ =	shalt  }
0x3e: {  	_ =	shalt  }
0x3f: {  	_ =	shalt  }
0x40: {  	_ =	shalt  }
0x41: {  	_ =	shalt  }
0x42: {  	_ =	shalt  }
0x43: {  	_ =	shalt  }
0x44: {  	_ =	shalt  }
0x45: {  	_ =	shalt  }
0x46: {  	_ =	shalt  }
0x47: {  	_ =	shalt  }
0x48: {  	_ =	shalt  }
0x49: {  	_ =	shalt  }
0x4a: {  	_ =	shalt  }
0x4b: {  	_ =	shalt  }
0x4c: {  	_ =	shalt  }
0x4d: {  	_ =	shalt  }
0x4e: {  	_ =	shalt  }
0x4f: {  	_ =	shalt  }
0x50: {  	_ =	shalt  }
0x51: {  	_ =	shalt  }
0x52: {  	_ =	shalt  }
0x53: {  	_ =	shalt  }
0x54: {  	_ =	shalt  }
0x55: {  	_ =	shalt  }
0x56: {  	_ =	shalt  }
0x57: {  	_ =	shalt  }
0x58: {  	_ =	shalt  }
0x59: {  	_ =	shalt  }
0x5a: {  	_ =	shalt  }
0x5b: {  	_ =	shalt  }
0x5c: {  	_ =	shalt  }
0x5d: {  	_ =	shalt  }
0x5e: {  	_ =	shalt  }
0x5f: {  	_ =	shalt  }
0x60: {  	_ =	shalt  }
0x61: {  	_ =	shalt  }
0x62: {  	_ =	shalt  }
0x63: {  	_ =	shalt  }
0x64: {  	_ =	shalt  }
0x65: {  	_ =	shalt  }
0x66: {  	_ =	shalt  }
0x67: {  	_ =	shalt  }
0x68: {  	_ =	shalt  }
0x69: {  	_ =	shalt  }
0x6a: {  	_ =	shalt  }
0x6b: {  	_ =	shalt  }
0x6c: {  	_ =	shalt  }
0x6d: {  	_ =	shalt  }
0x6e: {  	_ =	shalt  }
0x6f: {  	_ =	shalt  }
0x70: {  	_ =	shalt  }
0x71: {  	_ =	shalt  }
0x72: {  	_ =	shalt  }
0x73: {  	_ =	shalt  }
0x74: {  	_ =	shalt  }
0x75: {  	_ =	shalt  }
0x76: {  	_ =	shalt  }
0x77: {  	_ =	shalt  }
0x78: {  	_ =	shalt  }
0x79: {  	_ =	shalt  }
0x7a: {  	_ =	shalt  }
0x7b: {  	_ =	shalt  }
0x7c: {  	_ =	shalt  }
0x7d: {  	_ =	shalt  }
0x7e: {  	_ =	shalt  }
0x7f: {  	_ =	shalt  }
0x80: {  	_ =	shalt  }
0x81: {  	_ =	shalt  }
0x82: {  	_ =	shalt  }
0x83: {  	_ =	shalt  }
0x84: {  	_ =	shalt  }
0x85: {  	_ =	shalt  }
0x86: {  	_ =	shalt  }
0x87: {  	_ =	shalt  }
.Lfunc_end0:
.L_simem_size_0:
called_computation.1_lowered:
.L_overlay_start_0:
0x88: {  	s2 =	sld [smem:$0x3FD9]  }
0x89: {  	s3 =	sld [smem:$0x3FFE];
	_ =	sdelay $0x1  }
0x8a: {  	s1 =	srdreg.scid  }
0x8b: {  	s0 =	sand.u32 $0x1, s1  }
0x8c: {  	s17 =	sshll.u32 s0, $0xA;
	s2 =	sadd.s32 s3, s2  }
0x8d: {  	s2 =	sadd.s32 s2, s17  }
0x8e: {  	[smem:$0x3FC2] =	sst s2  }
0x8f: {  	_ = 	snop  }
0x90: {  	s2 =	sld [smem:$0x3FD0];
	(tm) =	ssettm $0x1  }
0x91: {  	s18 =	sld [smem:$0x3FFB];
	_ =	sdelay $0x3  }
0x92: {  	_ =	strace s18  }
0x93: {  	s3 =	sld [smem:$0x3FFC];
	_ =	sdelay $0x3  }
0x94: {  	_ =	strace s3  }
0x95: {  	s3 =	sld [smem:$0x3FFD];
	_ =	sdelay $0x3  }
0x96: {  	_ =	strace s3  }
0x97: {  	_ =	strace $0x8FFFFFFF  }
0x98: {  	s19 =	sld [smem:$0x3FDB];
	_ =	sdelay $0x1  }
0x99: {  	s4 =	simm.s32 $_scs_section_size  }
0x9a: {  	s5 =	simm.s32 $_size__tile_overlayer_lowered;
	s6 =	simm.s32 $_tile_overlayer_lowered  }
0x9b: {  	s22 =	simm.s32 $0x1BFF;
	s21 =	sshll.u32 s6, $0x1;
	s3 =	sadd.s32 s4, s19  }
0x9c: {  	s7 =	simm.s32 $0x0;
	s20 =	sshll.u32 s5, $0x1;
	s5 =	sadd.s32 s21, s3  }
0x9d: {  	[timem:s7], [sflag:s22] =	dma.local [hbm:s5], s20  }
0x9e: {  	_ =	swait.ge [sflag:s22], s20  }
0x9f: {  	s4 =	ssub.s32 $0x0, s20;
	[sflag:s22] =	ssyncset.done $0x0  }
0xa0: {  	[sflag:s22] =	ssyncadd.s32 s4;
	_ =	sdelay $0x1  }
0xa1: {  	s23 =	simm.s32 $0x1B8B  }
0xa2: {  	_ =	swait.ge [sflag:s23], $0x1  }
0xa3: {  	[sflag:s23] =	ssyncset.done $0x0  }
0xa4: {  	s25 =	simm.s32 $0x1B8E;
	s24 =	sld [smem:$0x3FFE];
	[sflag:s23] =	ssyncadd.s32 $0xFFFFFFFF  }
0xa5: {  	s26 =	simm.s32 $execute0_lowered;
	[smem:$0x3FD2] =	sst s25  }
0xa6: {  	s5 =	sshll.u32 s26, $0x1;
	_ =	strace $0x80000049;
	[dreg:$0x1] =	wrdreg $0xFFFFFFFF  }
0xa7: {  	s28 =	simm.s32 $_size_execute0_lowered;
	s3 =	sadd.s32 s3, s5;
	[dreg:$0x0] =	wrdreg $0x0  }
0xa8: {  	s5 =	sshll.u32 s28, $0x1;
	[dreg:$0x2] =	wrdreg s3  }
0xa9: {  	[dreg:$0x3] =	wrdreg s5  }
0xaa: {  	[dreg:$0x4] =	wrdreg $0xC0  }
0xab: {  	_ =	task [dreg:s7], $0x5FFFF  }
0xac: {  	[dreg:$0x1] =	wrdreg $0xFFFFFFFF  }
0xad: {  	[dreg:$0x0] =	wrdreg $0x60  }
0xae: {  	[dreg:$0x2] =	wrdreg s24  }
0xaf: {  	[dreg:$0x3] =	wrdreg s2  }
0xb0: {  	[dreg:$0x4] =	wrdreg $0x118000  }
0xb1: {  	[dreg:$0x5] =	wrdreg $0x9  }
0xb2: {  	_ =	task.clear_ibuf [dreg:s7], $0x6FFFF;
	_ =	strace $0x90000049  }
0xb3: {  	s29 =	simm.s32 $0x9;
	_ =	strace $0x8000004E  }
0xb4: {  	_ =	swait.ge [sflag:s29], $0x1  }
0xb5: {  	[sflag:s29] =	ssyncadd.s32 $0xFFFFFFFF  }
0xb6: {  	_ =	strace $0x9000004E  }
0xb7: {  	_ =	sfence  }
0xb8: {  	s30 =	sld [smem:$0x0];
	_ =	sdelay $0x2  }
0xb9: {  	s31 =	sshll.u32 s1, $0xD;
	s1 =	sshrl.u32 s1, $0x2  }
0xba: {  	s3 =	sand.u32 $0x4000, s31;
	s1 =	sadd.s32 s1, s30  }
0xbb: {  	s0 =	sor.u32 s3, s0;
	s1 =	sshll.u32 s1, $0x11  }
0xbc: {  	s0 =	sor.u32 s1, s0  }
0xbd: {  	s0 =	sadd.s32 $0x8F2B, s0  }
0xbe: {  	[sflag:s0] =	ssyncadd.remote.s32 $0x1  }
0xbf: {  	_ =	sfence.sel $0xFFFF  }
0xc0: {  	[dreg:$0x0] =	wrdreg $0xFFFFFFFF;
	(pc) =	sbr.abs _section_cstart, $3  }
0xc1: {  	[dreg:$0x1] =	wrdreg $0xFFFFFFFF  }
0xc2: {  	_ =	task.clear_ibuf [dreg:s7], $0x2FFFF;
	_ =	strace $0x9FFFFFFF  }
0xc3: {  	(tm) =	ssettm $0x7FFFFFFF  }
tec
execute0_lowered:
.L_overlay_start_1:
0x0: {  	(tag) =	ssettag $0x1  }
0x1: {  	s0 =	rddreg [dreg:$0x0]  }
0x2: {  	s1 =	srdreg.scid;
	s2 =	rddreg [dreg:$0x1]  }
0x3: {  	s8 =	stileid.u32;
	s3 =	rddreg [dreg:$0x2]  }
0x4: {  	s17 =	simm.s32 $0xB;
	s19 =	simm.s32 $0xF000;
	s20 =	simm.s32 $0x80  }
0x5: {  	s28 =	simm.s32 $0x2;
	s29 =	simm.s32 $0x3;
	s30 =	simm.s32 $0x4  }
0x6: {  	s31 =	simm.s32 $0x5;
	s1 =	sand.u32 $0x1, s1;
	s4 =	sshll.u32 s8, $0x1  }
0x7: {  	s18 =	simm.s32 $0x8;
	s10 =	smul.u32 $0xA000, s8;
	s5 =	sor.u32 s1, s4  }
0x8: {  	s4 =	simm.s32 $0x0;
	s6 =	ssub.s32 $0x2, s1;
	s1 =	smul.u32 $0xA0000, s1  }
0x9: {  	s7 =	sadd.s32 $0x15800, s0;
	s5 =	smul.u32 $0x500, s5;
	[smem:$0x7FF] =	sst s4  }
0xa: {  	s21 =	sshrl.u32 s6, $0x1;
	s23 =	sadd.s32 $0x2800, s10;
	s8 =	sadd.s32 s10, s3  }
0xb: {  	s12 =	sadd.s32 $0x5000, s10;
	s13 =	sadd.s32 $0x7800, s10;
	_ =	strace $0x8000004A  }
0xc: {  	[dreg:$0x4] =	wrdreg s7;
	s6 =	ssub.s32 s6, s21;
	s9 =	sadd.s32 s23, s3  }
0xd: {  	s24 =	sadd.s32 s10, s1;
	s10 =	sadd.s32 s12, s3;
	s11 =	sadd.s32 s13, s3  }
0xe: {  	s25 =	sadd.s32 s1, s12;
	s21 =	simm.s32 $0x5000;
	s5 =	sadd.s32 s5, s0  }
0xf: {  	s0 =	sadd.s32 $0x15E00, s0;
	s7 =	sshrl.u32 s24, $0x3;
	s22 =	sadd.s32 $0x1800, s5  }
0x10: {  	s16 =	smax.u32 s6, $0x1;
	s5 =	sadd.s32 $0xB800, s5;
	[dreg:$0x5] =	wrdreg s22  }
0x11: {  	s24 =	simm.s32 $0xB000;
	s7 =	sadd.s32 s0, s7;
	[dreg:$0x6] =	wrdreg s5  }
0x12: {  	s6 =	simm.s32 $0xA;
	[dreg:$0x7] =	wrdreg s7;
	s5 =	sadd.s32 s1, s23  }
0x13: {  	s1 =	sadd.s32 s1, s13;
	s7 =	sshrl.u32 s25, $0x3;
	s22 =	simm.s32 $0x7000  }
0x14: {  	s23 =	simm.s32 $0x9000;
	s25 =	simm.s32 $0xD000;
	s5 =	sshrl.u32 s5, $0x3  }
0x15: {  	s1 =	sshrl.u32 s1, $0x3;
	s26 =	sadd.s32 s0, s7;
	s7 =	simm.s32 $0x0  }
0x16: {  	s5 =	sadd.s32 s0, s5;
	[dreg:$0x9] =	wrdreg s26;
	s0 =	sadd.s32 s0, s1  }
0x17: {  	s26 =	simm.s32 $0x1;
	s1 =	simm.s32 $0x6;
	[dreg:$0x8] =	wrdreg s5  }
0x18: {  	[dreg:$0xa] =	wrdreg s0;
	s0 =	simm.s32 $0x7;
	s5 =	simm.s32 $0x9  }
.LBB2_1:
0x19: {  	_ =	strace $0x8000004B  }
0x1a: {  	s12 =	rddreg [dreg:$0x5]  }
0x1b: {  	[tilespmem:s4], [sflag:$0xB] =	stream.linear.gather [hbm4b:s12+s4], $0x2800, $0x200038;
	[tilespmem:$0x1B800] =	vst v63  }
0x1c: {  	_ =	swait.ge [sflag:s17], $0x2800  }
0x1d: {  	[sflag:s17] =	ssyncset.done $0x0  }
0x1e: {  	s13 =	simm.s32 $0x2800;
	s15 =	rddreg [dreg:$0x6];
	[sflag:s17] =	ssyncadd.s32 $0xFFFFD800  }
0x1f: {  	[tilespmem:s13], [sflag:$0xB] =	stream.linear.gather [hbm4b:s15+s4], $0x2800, $0x200038;
	[tilespmem:$0x1B800] =	vst v63  }
0x20: {  	_ =	swait.ge [sflag:s17], $0x2800  }
0x21: {  	[sflag:s17] =	ssyncset.done $0x0  }
0x22: {  	s14 =	rddreg [dreg:$0x4];
	[sflag:s17] =	ssyncadd.s32 $0xFFFFD800  }
0x23: {  	[tilespmem:s19], [sflag:$0xB] =	stream.linear.gather [hbm4b:s14+s4], $0x2800, $0x200038;
	[tilespmem:$0x1B800] =	vst v63  }
0x24: {  	_ =	swait.ge [sflag:s17], $0x2800  }
0x25: {  	[sflag:s17] =	ssyncset.done $0x0  }
0x26: {  	[sflag:s17] =	ssyncadd.s32 $0xFFFFD800  }
0x27: {  	[spmem:s8] =	stream.linear.scatter [tilespmem:s19], [sflag:$0xB], $0x2800, $0x200038;
	[tilespmem:$0x1B800] =	vst v63  }
0x28: {  	_ =	swait.ge [sflag:s17], $0x2800  }
0x29: {  	[sflag:s17] =	ssyncset.done $0x0  }
0x2a: {  	[sflag:s17] =	ssyncadd.s32 $0xFFFFD800  }
0x2b: {  	[spmem:s9] =	stream.linear.scatter [tilespmem:s19], [sflag:$0xB], $0x2800, $0x200038;
	[tilespmem:$0x1B800] =	vst v63  }
0x2c: {  	_ =	swait.ge [sflag:s17], $0x2800  }
0x2d: {  	[sflag:s17] =	ssyncset.done $0x0  }
0x2e: {  	[sflag:s17] =	ssyncadd.s32 $0xFFFFD800  }
0x2f: {  	[spmem:s10] =	stream.linear.scatter [tilespmem:s19], [sflag:$0xB], $0x2800, $0x200038;
	[tilespmem:$0x1B800] =	vst v63  }
0x30: {  	_ =	swait.ge [sflag:s17], $0x2800  }
0x31: {  	[sflag:s17] =	ssyncset.done $0x0  }
0x32: {  	[sflag:s17] =	ssyncadd.s32 $0xFFFFD800  }
0x33: {  	[spmem:s11] =	stream.linear.scatter [tilespmem:s19], [sflag:$0xB], $0x2800, $0x200038;
	[tilespmem:$0x1B800] =	vst v63  }
0x34: {  	_ =	swait.ge [sflag:s17], $0x2800  }
0x35: {  	[sflag:s17] =	ssyncset.done $0x0  }
0x36: {  	[sflag:s17] =	ssyncadd.s32 $0xFFFFD800  }
0x37: {  	[bflag:$0x0] =	sbarrier.arrive $0xFFFF  }
0x38: {  	_ =	strace $0x9000004B  }
0x39: {  	s15 =	simm.s32 $0x0;
	_ =	strace $0x8000004C  }
0x3a: {  	[tilespmem:s21], [sflag:$0x1] =	stream.indirect.gather [hbm4b:s2+s20], $0x40, s15, s20, $0x2000b8;
	[tilespmem:$0x1B800] =	vst v63  }
0x3b: {  	s13 =	simm.s32 $0x80  }
0x3c: {  	[tilespmem:s22], [sflag:$0x2] =	stream.indirect.gather [hbm4b:s2+s20], $0x40, s13, s20, $0x2000b8;
	[tilespmem:$0x1B800] =	vst v63  }
0x3d: {  	s14 =	simm.s32 $0x100  }
0x3e: {  	[tilespmem:s23], [sflag:$0x3] =	stream.indirect.gather [hbm4b:s2+s20], $0x40, s14, s20, $0x2000b8;
	[tilespmem:$0x1B800] =	vst v63  }
0x3f: {  	s15 =	simm.s32 $0x180  }
0x40: {  	[tilespmem:s24], [sflag:$0x4] =	stream.indirect.gather [hbm4b:s2+s20], $0x40, s15, s20, $0x2000b8;
	[tilespmem:$0x1B800] =	vst v63  }
0x41: {  	s13 =	simm.s32 $0x200  }
0x42: {  	[tilespmem:s25], [sflag:$0x5] =	stream.indirect.gather [hbm4b:s2+s20], $0x40, s13, s20, $0x2000b8;
	[tilespmem:$0x1B800] =	vst v63  }
0x43: {  	_ =	swait.ge [sflag:s26], $0x2000  }
0x44: {  	[sflag:s26] =	ssyncset.done $0x0  }
0x45: {  	s14 =	simm.s32 $0x2800;
	[sflag:s26] =	ssyncadd.s32 $0xFFFFE000  }
0x46: {  	[spmem:s3] =	stream.indirect.scatter.add.f32 [tilespmem:s21], [sflag:$0x6], $0x40, s14, s20, $0x2000b8;
	[tilespmem:$0x1B800] =	vst v63  }
0x47: {  	_ =	swait.ge [sflag:s28], $0x2000  }
0x48: {  	[sflag:s28] =	ssyncset.done $0x0  }
0x49: {  	s15 =	simm.s32 $0x2880;
	[sflag:s28] =	ssyncadd.s32 $0xFFFFE000  }
0x4a: {  	[spmem:s3] =	stream.indirect.scatter.add.f32 [tilespmem:s22], [sflag:$0x7], $0x40, s15, s20, $0x2000b8;
	[tilespmem:$0x1B800] =	vst v63  }
0x4b: {  	_ =	swait.ge [sflag:s29], $0x2000  }
0x4c: {  	[sflag:s29] =	ssyncset.done $0x0  }
0x4d: {  	s13 =	simm.s32 $0x2900;
	[sflag:s29] =	ssyncadd.s32 $0xFFFFE000  }
0x4e: {  	[spmem:s3] =	stream.indirect.scatter.add.f32 [tilespmem:s23], [sflag:$0x8], $0x40, s13, s20, $0x2000b8;
	[tilespmem:$0x1B800] =	vst v63  }
0x4f: {  	_ =	swait.ge [sflag:s30], $0x2000  }
0x50: {  	[sflag:s30] =	ssyncset.done $0x0  }
0x51: {  	s14 =	simm.s32 $0x2980;
	[sflag:s30] =	ssyncadd.s32 $0xFFFFE000  }
0x52: {  	[spmem:s3] =	stream.indirect.scatter.add.f32 [tilespmem:s24], [sflag:$0x9], $0x40, s14, s20, $0x2000b8;
	[tilespmem:$0x1B800] =	vst v63  }
0x53: {  	_ =	swait.ge [sflag:s31], $0x2000  }
0x54: {  	[sflag:s31] =	ssyncset.done $0x0  }
0x55: {  	s15 =	simm.s32 $0x2A00;
	[sflag:s31] =	ssyncadd.s32 $0xFFFFE000  }
0x56: {  	[spmem:s3] =	stream.indirect.scatter.add.f32 [tilespmem:s25], [sflag:$0xA], $0x40, s15, s20, $0x2000b8;
	[tilespmem:$0x1B800] =	vst v63  }
0x57: {  	_ =	swait.ge [sflag:s1], $0x2000  }
0x58: {  	[sflag:s1] =	ssyncset.done $0x0  }
0x59: {  	[sflag:s1] =	ssyncadd.s32 $0xFFFFE000  }
0x5a: {  	_ =	swait.ge [sflag:s0], $0x2000  }
0x5b: {  	[sflag:s0] =	ssyncset.done $0x0  }
0x5c: {  	[sflag:s0] =	ssyncadd.s32 $0xFFFFE000  }
0x5d: {  	_ =	swait.ge [sflag:s18], $0x2000  }
0x5e: {  	[sflag:s18] =	ssyncset.done $0x0  }
0x5f: {  	[sflag:s18] =	ssyncadd.s32 $0xFFFFE000  }
0x60: {  	_ =	swait.ge [sflag:s5], $0x2000  }
0x61: {  	[sflag:s5] =	ssyncset.done $0x0  }
0x62: {  	[sflag:s5] =	ssyncadd.s32 $0xFFFFE000  }
0x63: {  	_ =	swait.ge [sflag:s6], $0x2000  }
0x64: {  	s12 =	simm.s32 $0xA00;
	s13 =	simm.s32 $0x1400;
	[sflag:s6] =	ssyncset.done $0x0  }
.LBB2_2:
0x65: {  	s14 =	sshra.s32 s12, $0x2  }
0x66: {  	[sflag:s6] =	ssyncadd.s32 $0xFFFFE000;
	s12 =	smov.u32 s13;
	s15 =	sadd.s32 $0xA00, s13  }
0x67: {  	[tilespmem:s21], [sflag:$0x1] =	stream.indirect.gather [hbm4b:s2+s20], $0x40, s14, s20, $0x2000b8;
	[tilespmem:$0x1B800] =	vst v63  }
0x68: {  	p0 =	sne.s32 s13, $0x9600;
	s13 =	sadd.s32 $0x80, s14  }
0x69: {  	[tilespmem:s22], [sflag:$0x2] =	stream.indirect.gather [hbm4b:s2+s20], $0x40, s13, s20, $0x2000b8;
	[tilespmem:$0x1B800] =	vst v63  }
0x6a: {  	s13 =	sadd.s32 $0x100, s14  }
0x6b: {  	[tilespmem:s23], [sflag:$0x3] =	stream.indirect.gather [hbm4b:s2+s20], $0x40, s13, s20, $0x2000b8;
	[tilespmem:$0x1B800] =	vst v63  }
0x6c: {  	s13 =	sadd.s32 $0x180, s14  }
0x6d: {  	[tilespmem:s24], [sflag:$0x4] =	stream.indirect.gather [hbm4b:s2+s20], $0x40, s13, s20, $0x2000b8;
	[tilespmem:$0x1B800] =	vst v63  }
0x6e: {  	s13 =	sadd.s32 $0x200, s14  }
0x6f: {  	[tilespmem:s25], [sflag:$0x5] =	stream.indirect.gather [hbm4b:s2+s20], $0x40, s13, s20, $0x2000b8;
	[tilespmem:$0x1B800] =	vst v63  }
0x70: {  	_ =	swait.ge [sflag:s26], $0x2000  }
0x71: {  	[sflag:s26] =	ssyncset.done $0x0  }
0x72: {  	s13 =	sadd.s32 $0x2800, s14;
	[sflag:s26] =	ssyncadd.s32 $0xFFFFE000  }
0x73: {  	[spmem:s3] =	stream.indirect.scatter.add.f32 [tilespmem:s21], [sflag:$0x6], $0x40, s13, s20, $0x2000b8;
	[tilespmem:$0x1B800] =	vst v63  }
0x74: {  	_ =	swait.ge [sflag:s28], $0x2000  }
0x75: {  	[sflag:s28] =	ssyncset.done $0x0  }
0x76: {  	s13 =	sadd.s32 $0x2880, s14;
	[sflag:s28] =	ssyncadd.s32 $0xFFFFE000  }
0x77: {  	[spmem:s3] =	stream.indirect.scatter.add.f32 [tilespmem:s22], [sflag:$0x7], $0x40, s13, s20, $0x2000b8;
	[tilespmem:$0x1B800] =	vst v63  }
0x78: {  	_ =	swait.ge [sflag:s29], $0x2000  }
0x79: {  	[sflag:s29] =	ssyncset.done $0x0  }
0x7a: {  	s13 =	sadd.s32 $0x2900, s14;
	[sflag:s29] =	ssyncadd.s32 $0xFFFFE000  }
0x7b: {  	[spmem:s3] =	stream.indirect.scatter.add.f32 [tilespmem:s23], [sflag:$0x8], $0x40, s13, s20, $0x2000b8;
	[tilespmem:$0x1B800] =	vst v63  }
0x7c: {  	_ =	swait.ge [sflag:s30], $0x2000  }
0x7d: {  	[sflag:s30] =	ssyncset.done $0x0  }
0x7e: {  	s13 =	sadd.s32 $0x2980, s14;
	[sflag:s30] =	ssyncadd.s32 $0xFFFFE000  }
0x7f: {  	[spmem:s3] =	stream.indirect.scatter.add.f32 [tilespmem:s24], [sflag:$0x9], $0x40, s13, s20, $0x2000b8;
	[tilespmem:$0x1B800] =	vst v63  }
0x80: {  	_ =	swait.ge [sflag:s31], $0x2000  }
0x81: {  	[sflag:s31] =	ssyncset.done $0x0  }
0x82: {  	s13 =	sadd.s32 $0x2A00, s14;
	[sflag:s31] =	ssyncadd.s32 $0xFFFFE000  }
0x83: {  	[spmem:s3] =	stream.indirect.scatter.add.f32 [tilespmem:s25], [sflag:$0xA], $0x40, s13, s20, $0x2000b8;
	[tilespmem:$0x1B800] =	vst v63  }
0x84: {  	_ =	swait.ge [sflag:s1], $0x2000  }
0x85: {  	[sflag:s1] =	ssyncset.done $0x0  }
0x86: {  	[sflag:s1] =	ssyncadd.s32 $0xFFFFE000  }
0x87: {  	_ =	swait.ge [sflag:s0], $0x2000  }
0x88: {  	[sflag:s0] =	ssyncset.done $0x0  }
0x89: {  	[sflag:s0] =	ssyncadd.s32 $0xFFFFE000  }
0x8a: {  	_ =	swait.ge [sflag:s18], $0x2000  }
0x8b: {  	[sflag:s18] =	ssyncset.done $0x0  }
0x8c: {  	[sflag:s18] =	ssyncadd.s32 $0xFFFFE000  }
.Ltmp0:
0x8d: {  	_ =	swait.ge [sflag:s5], $0x2000;
	(pc) =	sbr.rel @p0 .LBB2_2-.Ltmp0, $4  }
0x8e: {  	[sflag:s5] =	ssyncset.done $0x0  }
0x8f: {  	[sflag:s5] =	ssyncadd.s32 $0xFFFFE000  }
0x90: {  	_ =	swait.ge [sflag:s6], $0x2000  }
0x91: {  	s13 =	smov.u32 s15;
	[sflag:s6] =	ssyncset.done $0x0  }
0x92: {  	s12 =	sshra.s32 s12, $0x2;
	[sflag:s6] =	ssyncadd.s32 $0xFFFFE000  }
0x93: {  	[tilespmem:s21], [sflag:$0x1] =	stream.indirect.gather [hbm4b:s2+s20], $0x40, s12, s20, $0x2000b8;
	[tilespmem:$0x1B800] =	vst v63  }
0x94: {  	s13 =	sadd.s32 $0x80, s12  }
0x95: {  	[tilespmem:s22], [sflag:$0x2] =	stream.indirect.gather [hbm4b:s2+s20], $0x40, s13, s20, $0x2000b8;
	[tilespmem:$0x1B800] =	vst v63  }
0x96: {  	s14 =	sadd.s32 $0x100, s12  }
0x97: {  	[tilespmem:s23], [sflag:$0x3] =	stream.indirect.gather [hbm4b:s2+s20], $0x40, s14, s20, $0x2000b8;
	[tilespmem:$0x1B800] =	vst v63  }
0x98: {  	s15 =	sadd.s32 $0x180, s12  }
0x99: {  	[tilespmem:s24], [sflag:$0x4] =	stream.indirect.gather [hbm4b:s2+s20], $0x40, s15, s20, $0x2000b8;
	[tilespmem:$0x1B800] =	vst v63  }
0x9a: {  	s14 =	sadd.s32 $0x200, s12  }
0x9b: {  	[tilespmem:s25], [sflag:$0x5] =	stream.indirect.gather [hbm4b:s2+s20], $0x40, s14, s20, $0x2000b8;
	[tilespmem:$0x1B800] =	vst v63  }
0x9c: {  	_ =	swait.ge [sflag:s26], $0x2000  }
0x9d: {  	[sflag:s26] =	ssyncset.done $0x0  }
0x9e: {  	s15 =	sadd.s32 $0x2800, s12;
	[sflag:s26] =	ssyncadd.s32 $0xFFFFE000  }
0x9f: {  	[spmem:s3] =	stream.indirect.scatter.add.f32 [tilespmem:s21], [sflag:$0x6], $0x40, s15, s20, $0x2000b8;
	[tilespmem:$0x1B800] =	vst v63  }
0xa0: {  	_ =	swait.ge [sflag:s28], $0x2000  }
0xa1: {  	[sflag:s28] =	ssyncset.done $0x0  }
0xa2: {  	s14 =	sadd.s32 $0x2880, s12;
	[sflag:s28] =	ssyncadd.s32 $0xFFFFE000  }
0xa3: {  	[spmem:s3] =	stream.indirect.scatter.add.f32 [tilespmem:s22], [sflag:$0x7], $0x40, s14, s20, $0x2000b8;
	[tilespmem:$0x1B800] =	vst v63  }
0xa4: {  	_ =	swait.ge [sflag:s29], $0x2000  }
0xa5: {  	[sflag:s29] =	ssyncset.done $0x0  }
0xa6: {  	s15 =	sadd.s32 $0x2900, s12;
	[sflag:s29] =	ssyncadd.s32 $0xFFFFE000  }
0xa7: {  	[spmem:s3] =	stream.indirect.scatter.add.f32 [tilespmem:s23], [sflag:$0x8], $0x40, s15, s20, $0x2000b8;
	[tilespmem:$0x1B800] =	vst v63  }
0xa8: {  	_ =	swait.ge [sflag:s30], $0x2000  }
0xa9: {  	[sflag:s30] =	ssyncset.done $0x0  }
0xaa: {  	s14 =	sadd.s32 $0x2980, s12;
	[sflag:s30] =	ssyncadd.s32 $0xFFFFE000  }
0xab: {  	[spmem:s3] =	stream.indirect.scatter.add.f32 [tilespmem:s24], [sflag:$0x9], $0x40, s14, s20, $0x2000b8;
	[tilespmem:$0x1B800] =	vst v63  }
0xac: {  	_ =	swait.ge [sflag:s31], $0x2000  }
0xad: {  	[sflag:s31] =	ssyncset.done $0x0  }
0xae: {  	s12 =	sadd.s32 $0x2A00, s12;
	[sflag:s31] =	ssyncadd.s32 $0xFFFFE000  }
0xaf: {  	[spmem:s3] =	stream.indirect.scatter.add.f32 [tilespmem:s25], [sflag:$0xA], $0x40, s12, s20, $0x2000b8;
	[tilespmem:$0x1B800] =	vst v63  }
0xb0: {  	_ =	swait.ge [sflag:s1], $0x2000  }
0xb1: {  	[sflag:s1] =	ssyncset.done $0x0  }
0xb2: {  	[sflag:s1] =	ssyncadd.s32 $0xFFFFE000  }
0xb3: {  	_ =	swait.ge [sflag:s0], $0x2000  }
0xb4: {  	[sflag:s0] =	ssyncset.done $0x0  }
0xb5: {  	[sflag:s0] =	ssyncadd.s32 $0xFFFFE000  }
0xb6: {  	_ =	swait.ge [sflag:s18], $0x2000  }
0xb7: {  	[sflag:s18] =	ssyncset.done $0x0  }
0xb8: {  	[sflag:s18] =	ssyncadd.s32 $0xFFFFE000  }
0xb9: {  	_ =	swait.ge [sflag:s5], $0x2000  }
0xba: {  	[sflag:s5] =	ssyncset.done $0x0  }
0xbb: {  	[sflag:s5] =	ssyncadd.s32 $0xFFFFE000  }
0xbc: {  	_ =	swait.ge [sflag:s6], $0x2000  }
0xbd: {  	[sflag:s6] =	ssyncset.done $0x0  }
0xbe: {  	[sflag:s6] =	ssyncadd.s32 $0xFFFFE000  }
0xbf: {  	[bflag:$0x0] =	sbarrier.arrive $0xFFFF  }
0xc0: {  	_ =	strace $0x9000004C  }
0xc1: {  	_ =	strace $0x8000004D  }
0xc2: {  	[tilespmem:s19], [sflag:$0xB] =	stream.linear.gather [spmem:s8], $0x2800, $0x200038;
	[tilespmem:$0x1B800] =	vst v63  }
0xc3: {  	_ =	swait.ge [sflag:s17], $0x2800  }
0xc4: {  	[sflag:s17] =	ssyncset.done $0x0  }
0xc5: {  	s15 =	rddreg [dreg:$0x7];
	[sflag:s17] =	ssyncadd.s32 $0xFFFFD800  }
0xc6: {  	[hbm4b:s15+s4] =	stream.linear.scatter [tilespmem:s19], [sflag:$0xB], $0x2800, $0x200038;
	[tilespmem:$0x1B800] =	vst v63  }
0xc7: {  	_ =	swait.ge [sflag:s17], $0x2800  }
0xc8: {  	[sflag:s17] =	ssyncset.done $0x0  }
0xc9: {  	[sflag:s17] =	ssyncadd.s32 $0xFFFFD800  }
0xca: {  	[tilespmem:s19], [sflag:$0xB] =	stream.linear.gather [spmem:s9], $0x2800, $0x200038;
	[tilespmem:$0x1B800] =	vst v63  }
0xcb: {  	_ =	swait.ge [sflag:s17], $0x2800  }
0xcc: {  	[sflag:s17] =	ssyncset.done $0x0  }
0xcd: {  	s13 =	rddreg [dreg:$0x8];
	[sflag:s17] =	ssyncadd.s32 $0xFFFFD800  }
0xce: {  	[hbm4b:s13+s4] =	stream.linear.scatter [tilespmem:s19], [sflag:$0xB], $0x2800, $0x200038;
	[tilespmem:$0x1B800] =	vst v63  }
0xcf: {  	_ =	swait.ge [sflag:s17], $0x2800  }
0xd0: {  	[sflag:s17] =	ssyncset.done $0x0  }
0xd1: {  	[sflag:s17] =	ssyncadd.s32 $0xFFFFD800  }
0xd2: {  	[tilespmem:s19], [sflag:$0xB] =	stream.linear.gather [spmem:s10], $0x2800, $0x200038;
	[tilespmem:$0x1B800] =	vst v63  }
0xd3: {  	_ =	swait.ge [sflag:s17], $0x2800  }
0xd4: {  	[sflag:s17] =	ssyncset.done $0x0  }
0xd5: {  	s14 =	rddreg [dreg:$0x9];
	[sflag:s17] =	ssyncadd.s32 $0xFFFFD800  }
0xd6: {  	[hbm4b:s14+s4] =	stream.linear.scatter [tilespmem:s19], [sflag:$0xB], $0x2800, $0x200038;
	[tilespmem:$0x1B800] =	vst v63  }
0xd7: {  	_ =	swait.ge [sflag:s17], $0x2800  }
0xd8: {  	[sflag:s17] =	ssyncset.done $0x0  }
0xd9: {  	[sflag:s17] =	ssyncadd.s32 $0xFFFFD800  }
0xda: {  	[tilespmem:s19], [sflag:$0xB] =	stream.linear.gather [spmem:s11], $0x2800, $0x200038;
	[tilespmem:$0x1B800] =	vst v63  }
0xdb: {  	_ =	swait.ge [sflag:s17], $0x2800  }
0xdc: {  	s7 =	sadd.s32 $0x1, s7;
	[sflag:s17] =	ssyncset.done $0x0  }
0xdd: {  	p0 =	sne.s32 s7, s16;
	s15 =	rddreg [dreg:$0xa];
	[sflag:s17] =	ssyncadd.s32 $0xFFFFD800  }
0xde: {  	[hbm4b:s15+s4] =	stream.linear.scatter [tilespmem:s19], [sflag:$0xB], $0x2800, $0x200038;
	[tilespmem:$0x1B800] =	vst v63  }
.Ltmp1:
0xdf: {  	_ = 	snop;
	(pc) =	sbr.rel @p0 .LBB2_1-.Ltmp1, $4  }
0xe0: {  	_ =	swait.ge [sflag:s17], $0x2800  }
0xe1: {  	[sflag:s17] =	ssyncset.done $0x0  }
0xe2: {  	[sflag:s17] =	ssyncadd.s32 $0xFFFFD800  }
0xe3: {  	_ =	strace $0x9000004D  }
0xe4: {  	_ =	sfence.sel $0x180000  }
0xe5: {  	[bflag:$0x0] =	sbarrier.arrive $0xFFFF  }
0xe6: {  	_ =	strace $0x9000004A  }
0xe7: {  	s0 =	stileid.u32;
	[bflag:$0x2] =	sbarrier.arrive $0xFFFF  }
0xe8: {  	p0 =	sne.s32 s0, $0x0;
	s0 =	rddreg [dreg:$0x3]  }
0xe9: {  	s0 =	sadd.s32 @!p0 $0x100000, s0  }
0xea: {  	[sflag:s0] =	ssyncadd.tile.s32 @!p0 $0x1;
	_ =	shalt  }
.Lfunc_end2:
_tile_overlayer_lowered:
.L_overlay_start_2:
0xeb: {  	(tag) =	ssettag $0x2  }
0xec: {  	s0 =	rddreg [dreg:$0x0];
	s2 =	stileid.u32  }
0xed: {  	s1 =	rddreg [dreg:$0x1];
	p0 =	sne.s32 s2, $0x0  }
0xee: {  	s3 =	rddreg [dreg:$0x2];
	[bflag:$0x3] =	sbarrier.arrive $0xFFFF;
	s2 =	simm.s32 @!p0 $0x1C0B  }
0xef: {  	[timem:s3], [sflag:s2] =	dma.local @!p0 [hbm:s0], s1  }
0xf0: {  	s0 =	simm.s32 @!p0 $0xB  }
0xf1: {  	_ =	swait.ge @!p0 [sflag:s0], s1  }
0xf2: {  	s1 =	ssub.s32 @!p0 $0x0, s1;
	[sflag:s0] =	ssyncset.done @!p0 $0x0  }
0xf3: {  	[sflag:s0] =	ssyncadd.s32 @!p0 s1  }
0xf4: {  	[bflag:$0x3] =	sbarrier.arrive $0xFFFF  }
0xf5: {  	_ =	shalt  }

// kernel: kernel.14.cloned.1.call-start
scs
__scs_entry_jumppad:
0x0: {  	(pc) =	sbr.rel $0x88, $3  }
0x1: {  	(tag) =	ssettag $0x0;
	lr =	simm.s32 $0x1  }
0x2: {  	[smem:$0x3F9B] =	sst lr;
	_ =	strace $0xD0000000  }
0x3: {  	_ = 	snop  }
0x4: {  	_ = 	snop  }
0x5: {  	_ = 	snop  }
0x6: {  	_ = 	snop  }
0x7: {  	_ = 	snop  }
__scs_overlays_trampoline_lowered:
0x8: {  	[smem:$0x3FAA] =	sst s0  }
0x9: {  	[smem:$0x3FAB] =	sst s1  }
0xa: {  	[smem:$0x3FAC] =	sst s2  }
0xb: {  	[smem:$0x3FAD] =	sst s3  }
0xc: {  	[smem:$0x3FAE] =	sst s4  }
0xd: {  	[smem:$0x3FAF] =	sst s5  }
0xe: {  	[smem:$0x3FB0] =	sst s6  }
0xf: {  	[smem:$0x3FB1] =	sst s7  }
0x10: {  	[smem:$0x3FB2] =	sst s8  }
0x11: {  	[smem:$0x3FB3] =	sst s9;
	s0 =	simm.s32 @!p0 $0x0  }
0x12: {  	s1 =	sld [smem:$0x3F99];
	s0 =	simm.s32 @p0 $0x1  }
0x13: {  	[smem:$0x3FB4] =	sst s0;
	s0 =	simm.s32 @!p1 $0x0  }
0x14: {  	s2 =	sld [smem:$0x3F98];
	s0 =	simm.s32 @p1 $0x1  }
0x15: {  	[smem:$0x3FB5] =	sst s0;
	s0 =	simm.s32 @!p2 $0x0  }
0x16: {  	s3 =	sld [smem:$0x3FDB];
	s0 =	simm.s32 @p2 $0x1  }
0x17: {  	s4 =	simm.s32 $0x1BF5;
	[smem:$0x3FB7] =	sst s0  }
0x18: {  	s0 =	sld [smem:$0x3F9A];
	_ =	swait.ge [sflag:s4], $0x0  }
0x19: {  	s7 =	sld [smem:$0x3F9B]  }
0x1a: {  	s8 =	sadd.s32 $0xFFFFE003, lr  }
0x1b: {  	s9 =	sadd.s32 $0xFFFFFEF7, lr;
	s5 =	simm.s32 $0xFFFFFFFF;
	p2 =	slt.u32 s8, $0xFFFFF086  }
0x1c: {  	p1 =	slt.u32 s9, $0xF7A;
	s5 =	simm.s32 @!p2 $0x0  }
0x1d: {  	s5 =	simm.s32 @p1 $0x1;
	p0 =	seq.s32 s7, s2  }
0x1e: {  	s7 =	smul.u32 @!p0 $0xF7A, s2;
	p2 =	seq.s32 @!p0 s5, $0x0  }
0x1f: {  	s9 =	smul.u32 $0xF7A, s1;
	s8 =	simm.s32 @!p0 $0x1BF5;
	p2 =	por !p2, p0  }
0x20: {  	[sflag:s8] =	ssyncset.s32 @!p0 $0xFFFFF086;
	s6 =	sadd.s32 @!p0 s3, s7;
	s7 =	simm.s32 @!p0 $0x108  }
0x21: {  	s3 =	sadd.s32 s3, s9;
	s6 =	sadd.s32 @!p0 $0x88, s6;
	s7 =	simm.s32 @p2 $0x1082  }
0x22: {  	[simem:s7], [sflag:s8] =	dma.local @!p0 [hbm:s6], $0xF7A  }
0x23: {  	s9 =	sor.u32 $0xD0000000, s2;
	s6 =	simm.s32 $0x108;
	_ =	swait.ge @!p0 [sflag:s8], $0x0  }
0x24: {  	s3 =	sadd.s32 $0x88, s3;
	s6 =	simm.s32 @!p1 $0x1082;
	[sflag:s4] =	ssyncset.s32 $0xFFFFF086  }
0x25: {  	[simem:s6], [sflag:s4] =	dma.local [hbm:s3], $0xF7A  }
0x26: {  	[smem:$0x3F9B] =	sst s1;
	(tag) =	ssettag s2;
	_ =	strace s9  }
0x27: {  	s1 =	sld [smem:$0x3FAB]  }
0x28: {  	s2 =	sld [smem:$0x3FAC]  }
0x29: {  	s4 =	sld [smem:$0x3FAE]  }
0x2a: {  	p0 =	seq.s32 s5, $0x0;
	s5 =	sld [smem:$0x3FAF]  }
0x2b: {  	s6 =	sld [smem:$0x3FB0]  }
0x2c: {  	s7 =	sld [smem:$0x3FB1]  }
0x2d: {  	s3 =	simm.s32 $0x108;
	s8 =	sld [smem:$0x3FB2]  }
0x2e: {  	s3 =	simm.s32 @!p0 $0x1082;
	s9 =	sld [smem:$0x3FB3]  }
0x2f: {  	lr =	sadd.s32 s0, s3;
	s0 =	sld [smem:$0x3FAA]  }
0x30: {  	s3 =	sld [smem:$0x3FAD]  }
0x31: {  	[smem:$0x3FB6] =	sst s10  }
0x32: {  	s10 =	sld [smem:$0x3FB4];
	_ =	sdelay $0x3  }
0x33: {  	p0 =	seq.s32 s10, $0x1;
	s10 =	sld [smem:$0x3FB6];
	_ =	sdelay $0x3  }
0x34: {  	[smem:$0x3FB6] =	sst s10  }
0x35: {  	s10 =	sld [smem:$0x3FB5];
	_ =	sdelay $0x3  }
0x36: {  	p1 =	seq.s32 s10, $0x1;
	s10 =	sld [smem:$0x3FB6];
	_ =	sdelay $0x3  }
0x37: {  	[smem:$0x3FB6] =	sst s10  }
0x38: {  	s10 =	sld [smem:$0x3FB7]  }
0x39: {  	_ = 	snop;
	(pc) =	sbr.ind lr, $3  }
0x3a: {  	_ = 	snop  }
0x3b: {  	_ = 	snop  }
0x3c: {  	p2 =	seq.s32 s10, $0x1;
	s10 =	sld [smem:$0x3FB6]  }
0x3d: {  	_ =	shalt  }
0x3e: {  	_ =	shalt  }
0x3f: {  	_ =	shalt  }
0x40: {  	_ =	shalt  }
0x41: {  	_ =	shalt  }
0x42: {  	_ =	shalt  }
0x43: {  	_ =	shalt  }
0x44: {  	_ =	shalt  }
0x45: {  	_ =	shalt  }
0x46: {  	_ =	shalt  }
0x47: {  	_ =	shalt  }
0x48: {  	_ =	shalt  }
0x49: {  	_ =	shalt  }
0x4a: {  	_ =	shalt  }
0x4b: {  	_ =	shalt  }
0x4c: {  	_ =	shalt  }
0x4d: {  	_ =	shalt  }
0x4e: {  	_ =	shalt  }
0x4f: {  	_ =	shalt  }
0x50: {  	_ =	shalt  }
0x51: {  	_ =	shalt  }
0x52: {  	_ =	shalt  }
0x53: {  	_ =	shalt  }
0x54: {  	_ =	shalt  }
0x55: {  	_ =	shalt  }
0x56: {  	_ =	shalt  }
0x57: {  	_ =	shalt  }
0x58: {  	_ =	shalt  }
0x59: {  	_ =	shalt  }
0x5a: {  	_ =	shalt  }
0x5b: {  	_ =	shalt  }
0x5c: {  	_ =	shalt  }
0x5d: {  	_ =	shalt  }
0x5e: {  	_ =	shalt  }
0x5f: {  	_ =	shalt  }
0x60: {  	_ =	shalt  }
0x61: {  	_ =	shalt  }
0x62: {  	_ =	shalt  }
0x63: {  	_ =	shalt  }
0x64: {  	_ =	shalt  }
0x65: {  	_ =	shalt  }
0x66: {  	_ =	shalt  }
0x67: {  	_ =	shalt  }
0x68: {  	_ =	shalt  }
0x69: {  	_ =	shalt  }
0x6a: {  	_ =	shalt  }
0x6b: {  	_ =	shalt  }
0x6c: {  	_ =	shalt  }
0x6d: {  	_ =	shalt  }
0x6e: {  	_ =	shalt  }
0x6f: {  	_ =	shalt  }
0x70: {  	_ =	shalt  }
0x71: {  	_ =	shalt  }
0x72: {  	_ =	shalt  }
0x73: {  	_ =	shalt  }
0x74: {  	_ =	shalt  }
0x75: {  	_ =	shalt  }
0x76: {  	_ =	shalt  }
0x77: {  	_ =	shalt  }
0x78: {  	_ =	shalt  }
0x79: {  	_ =	shalt  }
0x7a: {  	_ =	shalt  }
0x7b: {  	_ =	shalt  }
0x7c: {  	_ =	shalt  }
0x7d: {  	_ =	shalt  }
0x7e: {  	_ =	shalt  }
0x7f: {  	_ =	shalt  }
0x80: {  	_ =	shalt  }
0x81: {  	_ =	shalt  }
0x82: {  	_ =	shalt  }
0x83: {  	_ =	shalt  }
0x84: {  	_ =	shalt  }
0x85: {  	_ =	shalt  }
0x86: {  	_ =	shalt  }
0x87: {  	_ =	shalt  }
.Lfunc_end0:
.L_simem_size_0:
called_computation.2_lowered:
.L_overlay_start_0:
0x88: {  	s2 =	sld [smem:$0x3FD9]  }
0x89: {  	s3 =	sld [smem:$0x3FFE];
	_ =	sdelay $0x1  }
0x8a: {  	s1 =	srdreg.scid  }
0x8b: {  	s0 =	sand.u32 $0x1, s1  }
0x8c: {  	s17 =	sshll.u32 s0, $0xA;
	s2 =	sadd.s32 s3, s2  }
0x8d: {  	s2 =	sadd.s32 s2, s17  }
0x8e: {  	[smem:$0x3FC2] =	sst s2  }
0x8f: {  	_ = 	snop  }
0x90: {  	s2 =	sld [smem:$0x3FD0];
	(tm) =	ssettm $0x1  }
0x91: {  	s18 =	sld [smem:$0x3FFB];
	_ =	sdelay $0x3  }
0x92: {  	_ =	strace s18  }
0x93: {  	s3 =	sld [smem:$0x3FFC];
	_ =	sdelay $0x3  }
0x94: {  	_ =	strace s3  }
0x95: {  	s3 =	sld [smem:$0x3FFD];
	_ =	sdelay $0x3  }
0x96: {  	_ =	strace s3  }
0x97: {  	_ =	strace $0x8FFFFFFF  }
0x98: {  	s19 =	sld [smem:$0x3FDB];
	_ =	sdelay $0x1  }
0x99: {  	s4 =	simm.s32 $_scs_section_size  }
0x9a: {  	s5 =	simm.s32 $_size__tile_overlayer_lowered;
	s6 =	simm.s32 $_tile_overlayer_lowered  }
0x9b: {  	s22 =	simm.s32 $0x1BFF;
	s21 =	sshll.u32 s6, $0x1;
	s3 =	sadd.s32 s4, s19  }
0x9c: {  	s7 =	simm.s32 $0x0;
	s20 =	sshll.u32 s5, $0x1;
	s5 =	sadd.s32 s21, s3  }
0x9d: {  	[timem:s7], [sflag:s22] =	dma.local [hbm:s5], s20  }
0x9e: {  	_ =	swait.ge [sflag:s22], s20  }
0x9f: {  	s4 =	ssub.s32 $0x0, s20;
	[sflag:s22] =	ssyncset.done $0x0  }
0xa0: {  	[sflag:s22] =	ssyncadd.s32 s4;
	_ =	sdelay $0x1  }
0xa1: {  	s23 =	simm.s32 $0x1B8B  }
0xa2: {  	_ =	swait.ge [sflag:s23], $0x1  }
0xa3: {  	[sflag:s23] =	ssyncset.done $0x0  }
0xa4: {  	s25 =	simm.s32 $0x1B8E;
	s24 =	sld [smem:$0x3FFE];
	[sflag:s23] =	ssyncadd.s32 $0xFFFFFFFF  }
0xa5: {  	s26 =	simm.s32 $execute0_lowered;
	[smem:$0x3FD2] =	sst s25  }
0xa6: {  	s5 =	sshll.u32 s26, $0x1;
	_ =	strace $0x8000004F;
	[dreg:$0x1] =	wrdreg $0xFFFFFFFF  }
0xa7: {  	s28 =	simm.s32 $_size_execute0_lowered;
	s3 =	sadd.s32 s3, s5;
	[dreg:$0x0] =	wrdreg $0x0  }
0xa8: {  	s5 =	sshll.u32 s28, $0x1;
	[dreg:$0x2] =	wrdreg s3  }
0xa9: {  	[dreg:$0x3] =	wrdreg s5  }
0xaa: {  	[dreg:$0x4] =	wrdreg $0xC0  }
0xab: {  	_ =	task [dreg:s7], $0x5FFFF  }
0xac: {  	[dreg:$0x1] =	wrdreg $0xFFFFFFFF  }
0xad: {  	[dreg:$0x0] =	wrdreg $0x60  }
0xae: {  	[dreg:$0x2] =	wrdreg s24  }
0xaf: {  	[dreg:$0x3] =	wrdreg s2  }
0xb0: {  	[dreg:$0x4] =	wrdreg $0x118000  }
0xb1: {  	[dreg:$0x5] =	wrdreg $0x9  }
0xb2: {  	_ =	task.clear_ibuf [dreg:s7], $0x6FFFF;
	_ =	strace $0x9000004F  }
0xb3: {  	s29 =	simm.s32 $0x9;
	_ =	strace $0x80000054  }
0xb4: {  	_ =	swait.ge [sflag:s29], $0x1  }
0xb5: {  	[sflag:s29] =	ssyncadd.s32 $0xFFFFFFFF  }
0xb6: {  	_ =	strace $0x90000054  }
0xb7: {  	_ =	sfence  }
0xb8: {  	s30 =	sld [smem:$0x0];
	_ =	sdelay $0x2  }
0xb9: {  	s31 =	sshll.u32 s1, $0xD;
	s1 =	sshrl.u32 s1, $0x2  }
0xba: {  	s3 =	sand.u32 $0x4000, s31;
	s1 =	sadd.s32 s1, s30  }
0xbb: {  	s0 =	sor.u32 s3, s0;
	s1 =	sshll.u32 s1, $0x11  }
0xbc: {  	s0 =	sor.u32 s1, s0  }
0xbd: {  	s0 =	sadd.s32 $0x8F2B, s0  }
0xbe: {  	[sflag:s0] =	ssyncadd.remote.s32 $0x1  }
0xbf: {  	_ =	sfence.sel $0xFFFF  }
0xc0: {  	[dreg:$0x0] =	wrdreg $0xFFFFFFFF;
	(pc) =	sbr.abs _section_cstart, $3  }
0xc1: {  	[dreg:$0x1] =	wrdreg $0xFFFFFFFF  }
0xc2: {  	_ =	task.clear_ibuf [dreg:s7], $0x2FFFF;
	_ =	strace $0x9FFFFFFF  }
0xc3: {  	(tm) =	ssettm $0x7FFFFFFF  }
tec
execute0_lowered:
.L_overlay_start_1:
0x0: {  	(tag) =	ssettag $0x1  }
0x1: {  	s0 =	rddreg [dreg:$0x0]  }
0x2: {  	s1 =	srdreg.scid;
	s2 =	rddreg [dreg:$0x1]  }
0x3: {  	s8 =	stileid.u32;
	s3 =	rddreg [dreg:$0x2]  }
0x4: {  	s17 =	simm.s32 $0xB;
	s19 =	simm.s32 $0xF000;
	s20 =	simm.s32 $0x80  }
0x5: {  	s28 =	simm.s32 $0x2;
	s29 =	simm.s32 $0x3;
	s30 =	simm.s32 $0x4  }
0x6: {  	s31 =	simm.s32 $0x5;
	s1 =	sand.u32 $0x1, s1;
	s4 =	sshll.u32 s8, $0x1  }
0x7: {  	s18 =	simm.s32 $0x8;
	s10 =	smul.u32 $0xA000, s8;
	s5 =	sor.u32 s1, s4  }
0x8: {  	s4 =	simm.s32 $0x0;
	s6 =	ssub.s32 $0x2, s1;
	s1 =	smul.u32 $0xA0000, s1  }
0x9: {  	s7 =	sadd.s32 $0x15800, s0;
	s5 =	smul.u32 $0x500, s5;
	[smem:$0x7FF] =	sst s4  }
0xa: {  	s21 =	sshrl.u32 s6, $0x1;
	s23 =	sadd.s32 $0x2800, s10;
	s8 =	sadd.s32 s10, s3  }
0xb: {  	s12 =	sadd.s32 $0x5000, s10;
	s13 =	sadd.s32 $0x7800, s10;
	_ =	strace $0x80000050  }
0xc: {  	[dreg:$0x4] =	wrdreg s7;
	s6 =	ssub.s32 s6, s21;
	s9 =	sadd.s32 s23, s3  }
0xd: {  	s24 =	sadd.s32 s10, s1;
	s10 =	sadd.s32 s12, s3;
	s11 =	sadd.s32 s13, s3  }
0xe: {  	s25 =	sadd.s32 s1, s12;
	s21 =	simm.s32 $0x5000;
	s5 =	sadd.s32 s5, s0  }
0xf: {  	s0 =	sadd.s32 $0x15E00, s0;
	s7 =	sshrl.u32 s24, $0x3;
	s22 =	sadd.s32 $0x1800, s5  }
0x10: {  	s16 =	smax.u32 s6, $0x1;
	s5 =	sadd.s32 $0xB800, s5;
	[dreg:$0x5] =	wrdreg s22  }
0x11: {  	s24 =	simm.s32 $0xB000;
	s7 =	sadd.s32 s0, s7;
	[dreg:$0x6] =	wrdreg s5  }
0x12: {  	s6 =	simm.s32 $0xA;
	[dreg:$0x7] =	wrdreg s7;
	s5 =	sadd.s32 s1, s23  }
0x13: {  	s1 =	sadd.s32 s1, s13;
	s7 =	sshrl.u32 s25, $0x3;
	s22 =	simm.s32 $0x7000  }
0x14: {  	s23 =	simm.s32 $0x9000;
	s25 =	simm.s32 $0xD000;
	s5 =	sshrl.u32 s5, $0x3  }
0x15: {  	s1 =	sshrl.u32 s1, $0x3;
	s26 =	sadd.s32 s0, s7;
	s7 =	simm.s32 $0x0  }
0x16: {  	s5 =	sadd.s32 s0, s5;
	[dreg:$0x9] =	wrdreg s26;
	s0 =	sadd.s32 s0, s1  }
0x17: {  	s26 =	simm.s32 $0x1;
	s1 =	simm.s32 $0x6;
	[dreg:$0x8] =	wrdreg s5  }
0x18: {  	[dreg:$0xa] =	wrdreg s0;
	s0 =	simm.s32 $0x7;
	s5 =	simm.s32 $0x9  }
.LBB2_1:
0x19: {  	_ =	strace $0x80000051  }
0x1a: {  	s12 =	rddreg [dreg:$0x5]  }
0x1b: {  	[tilespmem:s4], [sflag:$0xB] =	stream.linear.gather [hbm4b:s12+s4], $0x2800, $0x200038;
	[tilespmem:$0x1B800] =	vst v63  }
0x1c: {  	_ =	swait.ge [sflag:s17], $0x2800  }
0x1d: {  	[sflag:s17] =	ssyncset.done $0x0  }
0x1e: {  	s13 =	simm.s32 $0x2800;
	s15 =	rddreg [dreg:$0x6];
	[sflag:s17] =	ssyncadd.s32 $0xFFFFD800  }
0x1f: {  	[tilespmem:s13], [sflag:$0xB] =	stream.linear.gather [hbm4b:s15+s4], $0x2800, $0x200038;
	[tilespmem:$0x1B800] =	vst v63  }
0x20: {  	_ =	swait.ge [sflag:s17], $0x2800  }
0x21: {  	[sflag:s17] =	ssyncset.done $0x0  }
0x22: {  	s14 =	rddreg [dreg:$0x4];
	[sflag:s17] =	ssyncadd.s32 $0xFFFFD800  }
0x23: {  	[tilespmem:s19], [sflag:$0xB] =	stream.linear.gather [hbm4b:s14+s4], $0x2800, $0x200038;
	[tilespmem:$0x1B800] =	vst v63  }
0x24: {  	_ =	swait.ge [sflag:s17], $0x2800  }
0x25: {  	[sflag:s17] =	ssyncset.done $0x0  }
0x26: {  	[sflag:s17] =	ssyncadd.s32 $0xFFFFD800  }
0x27: {  	[spmem:s8] =	stream.linear.scatter [tilespmem:s19], [sflag:$0xB], $0x2800, $0x200038;
	[tilespmem:$0x1B800] =	vst v63  }
0x28: {  	_ =	swait.ge [sflag:s17], $0x2800  }
0x29: {  	[sflag:s17] =	ssyncset.done $0x0  }
0x2a: {  	[sflag:s17] =	ssyncadd.s32 $0xFFFFD800  }
0x2b: {  	[spmem:s9] =	stream.linear.scatter [tilespmem:s19], [sflag:$0xB], $0x2800, $0x200038;
	[tilespmem:$0x1B800] =	vst v63  }
0x2c: {  	_ =	swait.ge [sflag:s17], $0x2800  }
0x2d: {  	[sflag:s17] =	ssyncset.done $0x0  }
0x2e: {  	[sflag:s17] =	ssyncadd.s32 $0xFFFFD800  }
0x2f: {  	[spmem:s10] =	stream.linear.scatter [tilespmem:s19], [sflag:$0xB], $0x2800, $0x200038;
	[tilespmem:$0x1B800] =	vst v63  }
0x30: {  	_ =	swait.ge [sflag:s17], $0x2800  }
0x31: {  	[sflag:s17] =	ssyncset.done $0x0  }
0x32: {  	[sflag:s17] =	ssyncadd.s32 $0xFFFFD800  }
0x33: {  	[spmem:s11] =	stream.linear.scatter [tilespmem:s19], [sflag:$0xB], $0x2800, $0x200038;
	[tilespmem:$0x1B800] =	vst v63  }
0x34: {  	_ =	swait.ge [sflag:s17], $0x2800  }
0x35: {  	[sflag:s17] =	ssyncset.done $0x0  }
0x36: {  	[sflag:s17] =	ssyncadd.s32 $0xFFFFD800  }
0x37: {  	[bflag:$0x0] =	sbarrier.arrive $0xFFFF  }
0x38: {  	_ =	strace $0x90000051  }
0x39: {  	s15 =	simm.s32 $0x0;
	_ =	strace $0x80000052  }
0x3a: {  	[tilespmem:s21], [sflag:$0x1] =	stream.indirect.gather [hbm4b:s2+s20], $0x40, s15, s20, $0x2000b8;
	[tilespmem:$0x1B800] =	vst v63  }
0x3b: {  	s13 =	simm.s32 $0x80  }
0x3c: {  	[tilespmem:s22], [sflag:$0x2] =	stream.indirect.gather [hbm4b:s2+s20], $0x40, s13, s20, $0x2000b8;
	[tilespmem:$0x1B800] =	vst v63  }
0x3d: {  	s14 =	simm.s32 $0x100  }
0x3e: {  	[tilespmem:s23], [sflag:$0x3] =	stream.indirect.gather [hbm4b:s2+s20], $0x40, s14, s20, $0x2000b8;
	[tilespmem:$0x1B800] =	vst v63  }
0x3f: {  	s15 =	simm.s32 $0x180  }
0x40: {  	[tilespmem:s24], [sflag:$0x4] =	stream.indirect.gather [hbm4b:s2+s20], $0x40, s15, s20, $0x2000b8;
	[tilespmem:$0x1B800] =	vst v63  }
0x41: {  	s13 =	simm.s32 $0x200  }
0x42: {  	[tilespmem:s25], [sflag:$0x5] =	stream.indirect.gather [hbm4b:s2+s20], $0x40, s13, s20, $0x2000b8;
	[tilespmem:$0x1B800] =	vst v63  }
0x43: {  	_ =	swait.ge [sflag:s26], $0x2000  }
0x44: {  	[sflag:s26] =	ssyncset.done $0x0  }
0x45: {  	s14 =	simm.s32 $0x2800;
	[sflag:s26] =	ssyncadd.s32 $0xFFFFE000  }
0x46: {  	[spmem:s3] =	stream.indirect.scatter.add.f32 [tilespmem:s21], [sflag:$0x6], $0x40, s14, s20, $0x2000b8;
	[tilespmem:$0x1B800] =	vst v63  }
0x47: {  	_ =	swait.ge [sflag:s28], $0x2000  }
0x48: {  	[sflag:s28] =	ssyncset.done $0x0  }
0x49: {  	s15 =	simm.s32 $0x2880;
	[sflag:s28] =	ssyncadd.s32 $0xFFFFE000  }
0x4a: {  	[spmem:s3] =	stream.indirect.scatter.add.f32 [tilespmem:s22], [sflag:$0x7], $0x40, s15, s20, $0x2000b8;
	[tilespmem:$0x1B800] =	vst v63  }
0x4b: {  	_ =	swait.ge [sflag:s29], $0x2000  }
0x4c: {  	[sflag:s29] =	ssyncset.done $0x0  }
0x4d: {  	s13 =	simm.s32 $0x2900;
	[sflag:s29] =	ssyncadd.s32 $0xFFFFE000  }
0x4e: {  	[spmem:s3] =	stream.indirect.scatter.add.f32 [tilespmem:s23], [sflag:$0x8], $0x40, s13, s20, $0x2000b8;
	[tilespmem:$0x1B800] =	vst v63  }
0x4f: {  	_ =	swait.ge [sflag:s30], $0x2000  }
0x50: {  	[sflag:s30] =	ssyncset.done $0x0  }
0x51: {  	s14 =	simm.s32 $0x2980;
	[sflag:s30] =	ssyncadd.s32 $0xFFFFE000  }
0x52: {  	[spmem:s3] =	stream.indirect.scatter.add.f32 [tilespmem:s24], [sflag:$0x9], $0x40, s14, s20, $0x2000b8;
	[tilespmem:$0x1B800] =	vst v63  }
0x53: {  	_ =	swait.ge [sflag:s31], $0x2000  }
0x54: {  	[sflag:s31] =	ssyncset.done $0x0  }
0x55: {  	s15 =	simm.s32 $0x2A00;
	[sflag:s31] =	ssyncadd.s32 $0xFFFFE000  }
0x56: {  	[spmem:s3] =	stream.indirect.scatter.add.f32 [tilespmem:s25], [sflag:$0xA], $0x40, s15, s20, $0x2000b8;
	[tilespmem:$0x1B800] =	vst v63  }
0x57: {  	_ =	swait.ge [sflag:s1], $0x2000  }
0x58: {  	[sflag:s1] =	ssyncset.done $0x0  }
0x59: {  	[sflag:s1] =	ssyncadd.s32 $0xFFFFE000  }
0x5a: {  	_ =	swait.ge [sflag:s0], $0x2000  }
0x5b: {  	[sflag:s0] =	ssyncset.done $0x0  }
0x5c: {  	[sflag:s0] =	ssyncadd.s32 $0xFFFFE000  }
0x5d: {  	_ =	swait.ge [sflag:s18], $0x2000  }
0x5e: {  	[sflag:s18] =	ssyncset.done $0x0  }
0x5f: {  	[sflag:s18] =	ssyncadd.s32 $0xFFFFE000  }
0x60: {  	_ =	swait.ge [sflag:s5], $0x2000  }
0x61: {  	[sflag:s5] =	ssyncset.done $0x0  }
0x62: {  	[sflag:s5] =	ssyncadd.s32 $0xFFFFE000  }
0x63: {  	_ =	swait.ge [sflag:s6], $0x2000  }
0x64: {  	s12 =	simm.s32 $0xA00;
	s13 =	simm.s32 $0x1400;
	[sflag:s6] =	ssyncset.done $0x0  }
.LBB2_2:
0x65: {  	s14 =	sshra.s32 s12, $0x2  }
0x66: {  	[sflag:s6] =	ssyncadd.s32 $0xFFFFE000;
	s12 =	smov.u32 s13;
	s15 =	sadd.s32 $0xA00, s13  }
0x67: {  	[tilespmem:s21], [sflag:$0x1] =	stream.indirect.gather [hbm4b:s2+s20], $0x40, s14, s20, $0x2000b8;
	[tilespmem:$0x1B800] =	vst v63  }
0x68: {  	p0 =	sne.s32 s13, $0x9600;
	s13 =	sadd.s32 $0x80, s14  }
0x69: {  	[tilespmem:s22], [sflag:$0x2] =	stream.indirect.gather [hbm4b:s2+s20], $0x40, s13, s20, $0x2000b8;
	[tilespmem:$0x1B800] =	vst v63  }
0x6a: {  	s13 =	sadd.s32 $0x100, s14  }
0x6b: {  	[tilespmem:s23], [sflag:$0x3] =	stream.indirect.gather [hbm4b:s2+s20], $0x40, s13, s20, $0x2000b8;
	[tilespmem:$0x1B800] =	vst v63  }
0x6c: {  	s13 =	sadd.s32 $0x180, s14  }
0x6d: {  	[tilespmem:s24], [sflag:$0x4] =	stream.indirect.gather [hbm4b:s2+s20], $0x40, s13, s20, $0x2000b8;
	[tilespmem:$0x1B800] =	vst v63  }
0x6e: {  	s13 =	sadd.s32 $0x200, s14  }
0x6f: {  	[tilespmem:s25], [sflag:$0x5] =	stream.indirect.gather [hbm4b:s2+s20], $0x40, s13, s20, $0x2000b8;
	[tilespmem:$0x1B800] =	vst v63  }
0x70: {  	_ =	swait.ge [sflag:s26], $0x2000  }
0x71: {  	[sflag:s26] =	ssyncset.done $0x0  }
0x72: {  	s13 =	sadd.s32 $0x2800, s14;
	[sflag:s26] =	ssyncadd.s32 $0xFFFFE000  }
0x73: {  	[spmem:s3] =	stream.indirect.scatter.add.f32 [tilespmem:s21], [sflag:$0x6], $0x40, s13, s20, $0x2000b8;
	[tilespmem:$0x1B800] =	vst v63  }
0x74: {  	_ =	swait.ge [sflag:s28], $0x2000  }
0x75: {  	[sflag:s28] =	ssyncset.done $0x0  }
0x76: {  	s13 =	sadd.s32 $0x2880, s14;
	[sflag:s28] =	ssyncadd.s32 $0xFFFFE000  }
0x77: {  	[spmem:s3] =	stream.indirect.scatter.add.f32 [tilespmem:s22], [sflag:$0x7], $0x40, s13, s20, $0x2000b8;
	[tilespmem:$0x1B800] =	vst v63  }
0x78: {  	_ =	swait.ge [sflag:s29], $0x2000  }
0x79: {  	[sflag:s29] =	ssyncset.done $0x0  }
0x7a: {  	s13 =	sadd.s32 $0x2900, s14;
	[sflag:s29] =	ssyncadd.s32 $0xFFFFE000  }
0x7b: {  	[spmem:s3] =	stream.indirect.scatter.add.f32 [tilespmem:s23], [sflag:$0x8], $0x40, s13, s20, $0x2000b8;
	[tilespmem:$0x1B800] =	vst v63  }
0x7c: {  	_ =	swait.ge [sflag:s30], $0x2000  }
0x7d: {  	[sflag:s30] =	ssyncset.done $0x0  }
0x7e: {  	s13 =	sadd.s32 $0x2980, s14;
	[sflag:s30] =	ssyncadd.s32 $0xFFFFE000  }
0x7f: {  	[spmem:s3] =	stream.indirect.scatter.add.f32 [tilespmem:s24], [sflag:$0x9], $0x40, s13, s20, $0x2000b8;
	[tilespmem:$0x1B800] =	vst v63  }
0x80: {  	_ =	swait.ge [sflag:s31], $0x2000  }
0x81: {  	[sflag:s31] =	ssyncset.done $0x0  }
0x82: {  	s13 =	sadd.s32 $0x2A00, s14;
	[sflag:s31] =	ssyncadd.s32 $0xFFFFE000  }
0x83: {  	[spmem:s3] =	stream.indirect.scatter.add.f32 [tilespmem:s25], [sflag:$0xA], $0x40, s13, s20, $0x2000b8;
	[tilespmem:$0x1B800] =	vst v63  }
0x84: {  	_ =	swait.ge [sflag:s1], $0x2000  }
0x85: {  	[sflag:s1] =	ssyncset.done $0x0  }
0x86: {  	[sflag:s1] =	ssyncadd.s32 $0xFFFFE000  }
0x87: {  	_ =	swait.ge [sflag:s0], $0x2000  }
0x88: {  	[sflag:s0] =	ssyncset.done $0x0  }
0x89: {  	[sflag:s0] =	ssyncadd.s32 $0xFFFFE000  }
0x8a: {  	_ =	swait.ge [sflag:s18], $0x2000  }
0x8b: {  	[sflag:s18] =	ssyncset.done $0x0  }
0x8c: {  	[sflag:s18] =	ssyncadd.s32 $0xFFFFE000  }
.Ltmp0:
0x8d: {  	_ =	swait.ge [sflag:s5], $0x2000;
	(pc) =	sbr.rel @p0 .LBB2_2-.Ltmp0, $4  }
0x8e: {  	[sflag:s5] =	ssyncset.done $0x0  }
0x8f: {  	[sflag:s5] =	ssyncadd.s32 $0xFFFFE000  }
0x90: {  	_ =	swait.ge [sflag:s6], $0x2000  }
0x91: {  	s13 =	smov.u32 s15;
	[sflag:s6] =	ssyncset.done $0x0  }
0x92: {  	s12 =	sshra.s32 s12, $0x2;
	[sflag:s6] =	ssyncadd.s32 $0xFFFFE000  }
0x93: {  	[tilespmem:s21], [sflag:$0x1] =	stream.indirect.gather [hbm4b:s2+s20], $0x40, s12, s20, $0x2000b8;
	[tilespmem:$0x1B800] =	vst v63  }
0x94: {  	s13 =	sadd.s32 $0x80, s12  }
0x95: {  	[tilespmem:s22], [sflag:$0x2] =	stream.indirect.gather [hbm4b:s2+s20], $0x40, s13, s20, $0x2000b8;
	[tilespmem:$0x1B800] =	vst v63  }
0x96: {  	s14 =	sadd.s32 $0x100, s12  }
0x97: {  	[tilespmem:s23], [sflag:$0x3] =	stream.indirect.gather [hbm4b:s2+s20], $0x40, s14, s20, $0x2000b8;
	[tilespmem:$0x1B800] =	vst v63  }
0x98: {  	s15 =	sadd.s32 $0x180, s12  }
0x99: {  	[tilespmem:s24], [sflag:$0x4] =	stream.indirect.gather [hbm4b:s2+s20], $0x40, s15, s20, $0x2000b8;
	[tilespmem:$0x1B800] =	vst v63  }
0x9a: {  	s14 =	sadd.s32 $0x200, s12  }
0x9b: {  	[tilespmem:s25], [sflag:$0x5] =	stream.indirect.gather [hbm4b:s2+s20], $0x40, s14, s20, $0x2000b8;
	[tilespmem:$0x1B800] =	vst v63  }
0x9c: {  	_ =	swait.ge [sflag:s26], $0x2000  }
0x9d: {  	[sflag:s26] =	ssyncset.done $0x0  }
0x9e: {  	s15 =	sadd.s32 $0x2800, s12;
	[sflag:s26] =	ssyncadd.s32 $0xFFFFE000  }
0x9f: {  	[spmem:s3] =	stream.indirect.scatter.add.f32 [tilespmem:s21], [sflag:$0x6], $0x40, s15, s20, $0x2000b8;
	[tilespmem:$0x1B800] =	vst v63  }
0xa0: {  	_ =	swait.ge [sflag:s28], $0x2000  }
0xa1: {  	[sflag:s28] =	ssyncset.done $0x0  }
0xa2: {  	s14 =	sadd.s32 $0x2880, s12;
	[sflag:s28] =	ssyncadd.s32 $0xFFFFE000  }
0xa3: {  	[spmem:s3] =	stream.indirect.scatter.add.f32 [tilespmem:s22], [sflag:$0x7], $0x40, s14, s20, $0x2000b8;
	[tilespmem:$0x1B800] =	vst v63  }
0xa4: {  	_ =	swait.ge [sflag:s29], $0x2000  }
0xa5: {  	[sflag:s29] =	ssyncset.done $0x0  }
0xa6: {  	s15 =	sadd.s32 $0x2900, s12;
	[sflag:s29] =	ssyncadd.s32 $0xFFFFE000  }
0xa7: {  	[spmem:s3] =	stream.indirect.scatter.add.f32 [tilespmem:s23], [sflag:$0x8], $0x40, s15, s20, $0x2000b8;
	[tilespmem:$0x1B800] =	vst v63  }
0xa8: {  	_ =	swait.ge [sflag:s30], $0x2000  }
0xa9: {  	[sflag:s30] =	ssyncset.done $0x0  }
0xaa: {  	s14 =	sadd.s32 $0x2980, s12;
	[sflag:s30] =	ssyncadd.s32 $0xFFFFE000  }
0xab: {  	[spmem:s3] =	stream.indirect.scatter.add.f32 [tilespmem:s24], [sflag:$0x9], $0x40, s14, s20, $0x2000b8;
	[tilespmem:$0x1B800] =	vst v63  }
0xac: {  	_ =	swait.ge [sflag:s31], $0x2000  }
0xad: {  	[sflag:s31] =	ssyncset.done $0x0  }
0xae: {  	s12 =	sadd.s32 $0x2A00, s12;
	[sflag:s31] =	ssyncadd.s32 $0xFFFFE000  }
0xaf: {  	[spmem:s3] =	stream.indirect.scatter.add.f32 [tilespmem:s25], [sflag:$0xA], $0x40, s12, s20, $0x2000b8;
	[tilespmem:$0x1B800] =	vst v63  }
0xb0: {  	_ =	swait.ge [sflag:s1], $0x2000  }
0xb1: {  	[sflag:s1] =	ssyncset.done $0x0  }
0xb2: {  	[sflag:s1] =	ssyncadd.s32 $0xFFFFE000  }
0xb3: {  	_ =	swait.ge [sflag:s0], $0x2000  }
0xb4: {  	[sflag:s0] =	ssyncset.done $0x0  }
0xb5: {  	[sflag:s0] =	ssyncadd.s32 $0xFFFFE000  }
0xb6: {  	_ =	swait.ge [sflag:s18], $0x2000  }
0xb7: {  	[sflag:s18] =	ssyncset.done $0x0  }
0xb8: {  	[sflag:s18] =	ssyncadd.s32 $0xFFFFE000  }
0xb9: {  	_ =	swait.ge [sflag:s5], $0x2000  }
0xba: {  	[sflag:s5] =	ssyncset.done $0x0  }
0xbb: {  	[sflag:s5] =	ssyncadd.s32 $0xFFFFE000  }
0xbc: {  	_ =	swait.ge [sflag:s6], $0x2000  }
0xbd: {  	[sflag:s6] =	ssyncset.done $0x0  }
0xbe: {  	[sflag:s6] =	ssyncadd.s32 $0xFFFFE000  }
0xbf: {  	[bflag:$0x0] =	sbarrier.arrive $0xFFFF  }
0xc0: {  	_ =	strace $0x90000052  }
0xc1: {  	_ =	strace $0x80000053  }
0xc2: {  	[tilespmem:s19], [sflag:$0xB] =	stream.linear.gather [spmem:s8], $0x2800, $0x200038;
	[tilespmem:$0x1B800] =	vst v63  }
0xc3: {  	_ =	swait.ge [sflag:s17], $0x2800  }
0xc4: {  	[sflag:s17] =	ssyncset.done $0x0  }
0xc5: {  	s15 =	rddreg [dreg:$0x7];
	[sflag:s17] =	ssyncadd.s32 $0xFFFFD800  }
0xc6: {  	[hbm4b:s15+s4] =	stream.linear.scatter [tilespmem:s19], [sflag:$0xB], $0x2800, $0x200038;
	[tilespmem:$0x1B800] =	vst v63  }
0xc7: {  	_ =	swait.ge [sflag:s17], $0x2800  }
0xc8: {  	[sflag:s17] =	ssyncset.done $0x0  }
0xc9: {  	[sflag:s17] =	ssyncadd.s32 $0xFFFFD800  }
0xca: {  	[tilespmem:s19], [sflag:$0xB] =	stream.linear.gather [spmem:s9], $0x2800, $0x200038;
	[tilespmem:$0x1B800] =	vst v63  }
0xcb: {  	_ =	swait.ge [sflag:s17], $0x2800  }
0xcc: {  	[sflag:s17] =	ssyncset.done $0x0  }
0xcd: {  	s13 =	rddreg [dreg:$0x8];
	[sflag:s17] =	ssyncadd.s32 $0xFFFFD800  }
0xce: {  	[hbm4b:s13+s4] =	stream.linear.scatter [tilespmem:s19], [sflag:$0xB], $0x2800, $0x200038;
	[tilespmem:$0x1B800] =	vst v63  }
0xcf: {  	_ =	swait.ge [sflag:s17], $0x2800  }
0xd0: {  	[sflag:s17] =	ssyncset.done $0x0  }
0xd1: {  	[sflag:s17] =	ssyncadd.s32 $0xFFFFD800  }
0xd2: {  	[tilespmem:s19], [sflag:$0xB] =	stream.linear.gather [spmem:s10], $0x2800, $0x200038;
	[tilespmem:$0x1B800] =	vst v63  }
0xd3: {  	_ =	swait.ge [sflag:s17], $0x2800  }
0xd4: {  	[sflag:s17] =	ssyncset.done $0x0  }
0xd5: {  	s14 =	rddreg [dreg:$0x9];
	[sflag:s17] =	ssyncadd.s32 $0xFFFFD800  }
0xd6: {  	[hbm4b:s14+s4] =	stream.linear.scatter [tilespmem:s19], [sflag:$0xB], $0x2800, $0x200038;
	[tilespmem:$0x1B800] =	vst v63  }
0xd7: {  	_ =	swait.ge [sflag:s17], $0x2800  }
0xd8: {  	[sflag:s17] =	ssyncset.done $0x0  }
0xd9: {  	[sflag:s17] =	ssyncadd.s32 $0xFFFFD800  }
0xda: {  	[tilespmem:s19], [sflag:$0xB] =	stream.linear.gather [spmem:s11], $0x2800, $0x200038;
	[tilespmem:$0x1B800] =	vst v63  }
0xdb: {  	_ =	swait.ge [sflag:s17], $0x2800  }
0xdc: {  	s7 =	sadd.s32 $0x1, s7;
	[sflag:s17] =	ssyncset.done $0x0  }
0xdd: {  	p0 =	sne.s32 s7, s16;
	s15 =	rddreg [dreg:$0xa];
	[sflag:s17] =	ssyncadd.s32 $0xFFFFD800  }
0xde: {  	[hbm4b:s15+s4] =	stream.linear.scatter [tilespmem:s19], [sflag:$0xB], $0x2800, $0x200038;
	[tilespmem:$0x1B800] =	vst v63  }
.Ltmp1:
0xdf: {  	_ = 	snop;
	(pc) =	sbr.rel @p0 .LBB2_1-.Ltmp1, $4  }
0xe0: {  	_ =	swait.ge [sflag:s17], $0x2800  }
0xe1: {  	[sflag:s17] =	ssyncset.done $0x0  }
0xe2: {  	[sflag:s17] =	ssyncadd.s32 $0xFFFFD800  }
0xe3: {  	_ =	strace $0x90000053  }
0xe4: {  	_ =	sfence.sel $0x180000  }
0xe5: {  	[bflag:$0x0] =	sbarrier.arrive $0xFFFF  }
0xe6: {  	_ =	strace $0x90000050  }
0xe7: {  	s0 =	stileid.u32;
	[bflag:$0x2] =	sbarrier.arrive $0xFFFF  }
0xe8: {  	p0 =	sne.s32 s0, $0x0;
	s0 =	rddreg [dreg:$0x3]  }
0xe9: {  	s0 =	sadd.s32 @!p0 $0x100000, s0  }
0xea: {  	[sflag:s0] =	ssyncadd.tile.s32 @!p0 $0x1;
	_ =	shalt  }
.Lfunc_end2:
_tile_overlayer_lowered:
.L_overlay_start_2:
0xeb: {  	(tag) =	ssettag $0x2  }
0xec: {  	s0 =	rddreg [dreg:$0x0];
	s2 =	stileid.u32  }
0xed: {  	s1 =	rddreg [dreg:$0x1];
	p0 =	sne.s32 s2, $0x0  }
0xee: {  	s3 =	rddreg [dreg:$0x2];
	[bflag:$0x3] =	sbarrier.arrive $0xFFFF;
	s2 =	simm.s32 @!p0 $0x1C0B  }
0xef: {  	[timem:s3], [sflag:s2] =	dma.local @!p0 [hbm:s0], s1  }
0xf0: {  	s0 =	simm.s32 @!p0 $0xB  }
0xf1: {  	_ =	swait.ge @!p0 [sflag:s0], s1  }
0xf2: {  	s1 =	ssub.s32 @!p0 $0x0, s1;
	[sflag:s0] =	ssyncset.done @!p0 $0x0  }
0xf3: {  	[sflag:s0] =	ssyncadd.s32 @!p0 s1  }
0xf4: {  	[bflag:$0x3] =	sbarrier.arrive $0xFFFF  }
0xf5: {  	_ =	shalt  }

// kernel: kernel.8.cloned.1.call-start
scs
__scs_entry_jumppad:
0x0: {  	(pc) =	sbr.rel $0x88, $3  }
0x1: {  	(tag) =	ssettag $0x0;
	lr =	simm.s32 $0x1  }
0x2: {  	[smem:$0x3F9B] =	sst lr;
	_ =	strace $0xD0000000  }
0x3: {  	_ = 	snop  }
0x4: {  	_ = 	snop  }
0x5: {  	_ = 	snop  }
0x6: {  	_ = 	snop  }
0x7: {  	_ = 	snop  }
__scs_overlays_trampoline_lowered:
0x8: {  	[smem:$0x3FAA] =	sst s0  }
0x9: {  	[smem:$0x3FAB] =	sst s1  }
0xa: {  	[smem:$0x3FAC] =	sst s2  }
0xb: {  	[smem:$0x3FAD] =	sst s3  }
0xc: {  	[smem:$0x3FAE] =	sst s4  }
0xd: {  	[smem:$0x3FAF] =	sst s5  }
0xe: {  	[smem:$0x3FB0] =	sst s6  }
0xf: {  	[smem:$0x3FB1] =	sst s7  }
0x10: {  	[smem:$0x3FB2] =	sst s8  }
0x11: {  	[smem:$0x3FB3] =	sst s9;
	s0 =	simm.s32 @!p0 $0x0  }
0x12: {  	s1 =	sld [smem:$0x3F99];
	s0 =	simm.s32 @p0 $0x1  }
0x13: {  	[smem:$0x3FB4] =	sst s0;
	s0 =	simm.s32 @!p1 $0x0  }
0x14: {  	s2 =	sld [smem:$0x3F98];
	s0 =	simm.s32 @p1 $0x1  }
0x15: {  	[smem:$0x3FB5] =	sst s0;
	s0 =	simm.s32 @!p2 $0x0  }
0x16: {  	s3 =	sld [smem:$0x3FDB];
	s0 =	simm.s32 @p2 $0x1  }
0x17: {  	s4 =	simm.s32 $0x1BF5;
	[smem:$0x3FB7] =	sst s0  }
0x18: {  	s0 =	sld [smem:$0x3F9A];
	_ =	swait.ge [sflag:s4], $0x0  }
0x19: {  	s7 =	sld [smem:$0x3F9B]  }
0x1a: {  	s8 =	sadd.s32 $0xFFFFE003, lr  }
0x1b: {  	s9 =	sadd.s32 $0xFFFFFEF7, lr;
	s5 =	simm.s32 $0xFFFFFFFF;
	p2 =	slt.u32 s8, $0xFFFFF086  }
0x1c: {  	p1 =	slt.u32 s9, $0xF7A;
	s5 =	simm.s32 @!p2 $0x0  }
0x1d: {  	s5 =	simm.s32 @p1 $0x1;
	p0 =	seq.s32 s7, s2  }
0x1e: {  	s7 =	smul.u32 @!p0 $0xF7A, s2;
	p2 =	seq.s32 @!p0 s5, $0x0  }
0x1f: {  	s9 =	smul.u32 $0xF7A, s1;
	s8 =	simm.s32 @!p0 $0x1BF5;
	p2 =	por !p2, p0  }
0x20: {  	[sflag:s8] =	ssyncset.s32 @!p0 $0xFFFFF086;
	s6 =	sadd.s32 @!p0 s3, s7;
	s7 =	simm.s32 @!p0 $0x108  }
0x21: {  	s3 =	sadd.s32 s3, s9;
	s6 =	sadd.s32 @!p0 $0x88, s6;
	s7 =	simm.s32 @p2 $0x1082  }
0x22: {  	[simem:s7], [sflag:s8] =	dma.local @!p0 [hbm:s6], $0xF7A  }
0x23: {  	s9 =	sor.u32 $0xD0000000, s2;
	s6 =	simm.s32 $0x108;
	_ =	swait.ge @!p0 [sflag:s8], $0x0  }
0x24: {  	s3 =	sadd.s32 $0x88, s3;
	s6 =	simm.s32 @!p1 $0x1082;
	[sflag:s4] =	ssyncset.s32 $0xFFFFF086  }
0x25: {  	[simem:s6], [sflag:s4] =	dma.local [hbm:s3], $0xF7A  }
0x26: {  	[smem:$0x3F9B] =	sst s1;
	(tag) =	ssettag s2;
	_ =	strace s9  }
0x27: {  	s1 =	sld [smem:$0x3FAB]  }
0x28: {  	s2 =	sld [smem:$0x3FAC]  }
0x29: {  	s4 =	sld [smem:$0x3FAE]  }
0x2a: {  	p0 =	seq.s32 s5, $0x0;
	s5 =	sld [smem:$0x3FAF]  }
0x2b: {  	s6 =	sld [smem:$0x3FB0]  }
0x2c: {  	s7 =	sld [smem:$0x3FB1]  }
0x2d: {  	s3 =	simm.s32 $0x108;
	s8 =	sld [smem:$0x3FB2]  }
0x2e: {  	s3 =	simm.s32 @!p0 $0x1082;
	s9 =	sld [smem:$0x3FB3]  }
0x2f: {  	lr =	sadd.s32 s0, s3;
	s0 =	sld [smem:$0x3FAA]  }
0x30: {  	s3 =	sld [smem:$0x3FAD]  }
0x31: {  	[smem:$0x3FB6] =	sst s10  }
0x32: {  	s10 =	sld [smem:$0x3FB4];
	_ =	sdelay $0x3  }
0x33: {  	p0 =	seq.s32 s10, $0x1;
	s10 =	sld [smem:$0x3FB6];
	_ =	sdelay $0x3  }
0x34: {  	[smem:$0x3FB6] =	sst s10  }
0x35: {  	s10 =	sld [smem:$0x3FB5];
	_ =	sdelay $0x3  }
0x36: {  	p1 =	seq.s32 s10, $0x1;
	s10 =	sld [smem:$0x3FB6];
	_ =	sdelay $0x3  }
0x37: {  	[smem:$0x3FB6] =	sst s10  }
0x38: {  	s10 =	sld [smem:$0x3FB7]  }
0x39: {  	_ = 	snop;
	(pc) =	sbr.ind lr, $3  }
0x3a: {  	_ = 	snop  }
0x3b: {  	_ = 	snop  }
0x3c: {  	p2 =	seq.s32 s10, $0x1;
	s10 =	sld [smem:$0x3FB6]  }
0x3d: {  	_ =	shalt  }
0x3e: {  	_ =	shalt  }
0x3f: {  	_ =	shalt  }
0x40: {  	_ =	shalt  }
0x41: {  	_ =	shalt  }
0x42: {  	_ =	shalt  }
0x43: {  	_ =	shalt  }
0x44: {  	_ =	shalt  }
0x45: {  	_ =	shalt  }
0x46: {  	_ =	shalt  }
0x47: {  	_ =	shalt  }
0x48: {  	_ =	shalt  }
0x49: {  	_ =	shalt  }
0x4a: {  	_ =	shalt  }
0x4b: {  	_ =	shalt  }
0x4c: {  	_ =	shalt  }
0x4d: {  	_ =	shalt  }
0x4e: {  	_ =	shalt  }
0x4f: {  	_ =	shalt  }
0x50: {  	_ =	shalt  }
0x51: {  	_ =	shalt  }
0x52: {  	_ =	shalt  }
0x53: {  	_ =	shalt  }
0x54: {  	_ =	shalt  }
0x55: {  	_ =	shalt  }
0x56: {  	_ =	shalt  }
0x57: {  	_ =	shalt  }
0x58: {  	_ =	shalt  }
0x59: {  	_ =	shalt  }
0x5a: {  	_ =	shalt  }
0x5b: {  	_ =	shalt  }
0x5c: {  	_ =	shalt  }
0x5d: {  	_ =	shalt  }
0x5e: {  	_ =	shalt  }
0x5f: {  	_ =	shalt  }
0x60: {  	_ =	shalt  }
0x61: {  	_ =	shalt  }
0x62: {  	_ =	shalt  }
0x63: {  	_ =	shalt  }
0x64: {  	_ =	shalt  }
0x65: {  	_ =	shalt  }
0x66: {  	_ =	shalt  }
0x67: {  	_ =	shalt  }
0x68: {  	_ =	shalt  }
0x69: {  	_ =	shalt  }
0x6a: {  	_ =	shalt  }
0x6b: {  	_ =	shalt  }
0x6c: {  	_ =	shalt  }
0x6d: {  	_ =	shalt  }
0x6e: {  	_ =	shalt  }
0x6f: {  	_ =	shalt  }
0x70: {  	_ =	shalt  }
0x71: {  	_ =	shalt  }
0x72: {  	_ =	shalt  }
0x73: {  	_ =	shalt  }
0x74: {  	_ =	shalt  }
0x75: {  	_ =	shalt  }
0x76: {  	_ =	shalt  }
0x77: {  	_ =	shalt  }
0x78: {  	_ =	shalt  }
0x79: {  	_ =	shalt  }
0x7a: {  	_ =	shalt  }
0x7b: {  	_ =	shalt  }
0x7c: {  	_ =	shalt  }
0x7d: {  	_ =	shalt  }
0x7e: {  	_ =	shalt  }
0x7f: {  	_ =	shalt  }
0x80: {  	_ =	shalt  }
0x81: {  	_ =	shalt  }
0x82: {  	_ =	shalt  }
0x83: {  	_ =	shalt  }
0x84: {  	_ =	shalt  }
0x85: {  	_ =	shalt  }
0x86: {  	_ =	shalt  }
0x87: {  	_ =	shalt  }
.Lfunc_end0:
.L_simem_size_0:
called_computation_lowered:
.L_overlay_start_0:
0x88: {  	s2 =	sld [smem:$0x3FD9]  }
0x89: {  	s3 =	sld [smem:$0x3FFE];
	_ =	sdelay $0x1  }
0x8a: {  	s1 =	srdreg.scid  }
0x8b: {  	s0 =	sand.u32 $0x1, s1  }
0x8c: {  	s17 =	sshll.u32 s0, $0xA;
	s2 =	sadd.s32 s3, s2  }
0x8d: {  	s2 =	sadd.s32 s2, s17  }
0x8e: {  	[smem:$0x3FC2] =	sst s2  }
0x8f: {  	_ = 	snop  }
0x90: {  	s2 =	sld [smem:$0x3FD0];
	(tm) =	ssettm $0x1  }
0x91: {  	s18 =	sld [smem:$0x3FFB];
	_ =	sdelay $0x3  }
0x92: {  	_ =	strace s18  }
0x93: {  	s3 =	sld [smem:$0x3FFC];
	_ =	sdelay $0x3  }
0x94: {  	_ =	strace s3  }
0x95: {  	s3 =	sld [smem:$0x3FFD];
	_ =	sdelay $0x3  }
0x96: {  	_ =	strace s3  }
0x97: {  	_ =	strace $0x8FFFFFFF  }
0x98: {  	s19 =	sld [smem:$0x3FDB];
	_ =	sdelay $0x1  }
0x99: {  	s4 =	simm.s32 $_scs_section_size  }
0x9a: {  	s5 =	simm.s32 $_size__tile_overlayer_lowered;
	s6 =	simm.s32 $_tile_overlayer_lowered  }
0x9b: {  	s22 =	simm.s32 $0x1BFF;
	s21 =	sshll.u32 s6, $0x1;
	s3 =	sadd.s32 s4, s19  }
0x9c: {  	s7 =	simm.s32 $0x0;
	s20 =	sshll.u32 s5, $0x1;
	s5 =	sadd.s32 s21, s3  }
0x9d: {  	[timem:s7], [sflag:s22] =	dma.local [hbm:s5], s20  }
0x9e: {  	_ =	swait.ge [sflag:s22], s20  }
0x9f: {  	s4 =	ssub.s32 $0x0, s20;
	[sflag:s22] =	ssyncset.done $0x0  }
0xa0: {  	[sflag:s22] =	ssyncadd.s32 s4;
	_ =	sdelay $0x1  }
0xa1: {  	s23 =	simm.s32 $0x1B8B  }
0xa2: {  	_ =	swait.ge [sflag:s23], $0x1  }
0xa3: {  	[sflag:s23] =	ssyncset.done $0x0  }
0xa4: {  	s25 =	simm.s32 $0x1B8E;
	s24 =	sld [smem:$0x3FFE];
	[sflag:s23] =	ssyncadd.s32 $0xFFFFFFFF  }
0xa5: {  	s26 =	simm.s32 $execute0_lowered;
	[smem:$0x3FD2] =	sst s25  }
0xa6: {  	s5 =	sshll.u32 s26, $0x1;
	_ =	strace $0x80000046;
	[dreg:$0x1] =	wrdreg $0xFFFFFFFF  }
0xa7: {  	s28 =	simm.s32 $_size_execute0_lowered;
	s3 =	sadd.s32 s3, s5;
	[dreg:$0x0] =	wrdreg $0x0  }
0xa8: {  	s5 =	sshll.u32 s28, $0x1;
	[dreg:$0x2] =	wrdreg s3  }
0xa9: {  	[dreg:$0x3] =	wrdreg s5  }
0xaa: {  	[dreg:$0x4] =	wrdreg $0xC0  }
0xab: {  	_ =	task [dreg:s7], $0x5FFFF  }
0xac: {  	[dreg:$0x1] =	wrdreg $0xFFFFFFFF  }
0xad: {  	[dreg:$0x0] =	wrdreg $0x60  }
0xae: {  	[dreg:$0x2] =	wrdreg s24  }
0xaf: {  	[dreg:$0x3] =	wrdreg s2  }
0xb0: {  	[dreg:$0x4] =	wrdreg $0x58000  }
0xb1: {  	[dreg:$0x5] =	wrdreg $0x9  }
0xb2: {  	_ =	task.clear_ibuf [dreg:s7], $0x6FFFF;
	_ =	strace $0x90000046  }
0xb3: {  	s29 =	simm.s32 $0x9;
	_ =	strace $0x80000048  }
0xb4: {  	_ =	swait.ge [sflag:s29], $0x1  }
0xb5: {  	[sflag:s29] =	ssyncadd.s32 $0xFFFFFFFF  }
0xb6: {  	_ =	strace $0x90000048  }
0xb7: {  	_ =	sfence  }
0xb8: {  	s30 =	sld [smem:$0x0];
	_ =	sdelay $0x2  }
0xb9: {  	s31 =	sshll.u32 s1, $0xD;
	s1 =	sshrl.u32 s1, $0x2  }
0xba: {  	s3 =	sand.u32 $0x4000, s31;
	s1 =	sadd.s32 s1, s30  }
0xbb: {  	s0 =	sor.u32 s3, s0;
	s1 =	sshll.u32 s1, $0x11  }
0xbc: {  	s0 =	sor.u32 s1, s0  }
0xbd: {  	s0 =	sadd.s32 $0x8F2B, s0  }
0xbe: {  	[sflag:s0] =	ssyncadd.remote.s32 $0x1  }
0xbf: {  	_ =	sfence.sel $0xFFFF  }
0xc0: {  	[dreg:$0x0] =	wrdreg $0xFFFFFFFF;
	(pc) =	sbr.abs _section_cstart, $3  }
0xc1: {  	[dreg:$0x1] =	wrdreg $0xFFFFFFFF  }
0xc2: {  	_ =	task.clear_ibuf [dreg:s7], $0x2FFFF;
	_ =	strace $0x9FFFFFFF  }
0xc3: {  	(tm) =	ssettm $0x7FFFFFFF  }
tec
execute0_lowered:
.L_overlay_start_1:
0x0: {  	(tag) =	ssettag $0x1  }
0x1: {  	s5 =	rddreg [dreg:$0x0]  }
0x2: {  	s8 =	rddreg [dreg:$0x1];
	s1 =	srdreg.scid  }
0x3: {  	s0 =	stileid.u32;
	s2 =	rddreg [dreg:$0x2]  }
0x4: {  	s3 =	simm.s32 $0x0;
	s13 =	simm.s32 $0x80;
	s14 =	simm.s32 $0x1  }
0x5: {  	s15 =	simm.s32 $0x0;
	s4 =	sand.u32 $0x1, s1;
	s1 =	rddreg [dreg:$0x3]  }
0x6: {  	s6 =	sshll.u32 s0, $0x1;
	[smem:$0x7FF] =	sst s3;
	s7 =	smul.u32 $0x2800, s0  }
0x7: {  	s6 =	sor.u32 s4, s6;
	_ =	strace $0x80000047;
	s9 =	ssub.s32 $0x2, s4  }
0x8: {  	s10 =	smul.u32 $0x28000, s4;
	s4 =	sadd.s32 $0x15800, s5;
	s11 =	sshrl.u32 s7, $0x3  }
0x9: {  	s6 =	smul.u32 $0x500, s6;
	s12 =	sshrl.u32 s9, $0x1;
	s11 =	sadd.s32 s11, s5  }
0xa: {  	s9 =	ssub.s32 s9, s12;
	s10 =	sadd.s32 s7, s10;
	s7 =	sadd.s32 s7, s2  }
0xb: {  	s12 =	simm.s32 $0x3000;
	s6 =	sadd.s32 s6, s5;
	s10 =	sshrl.u32 s10, $0x3  }
0xc: {  	s9 =	smax.u32 s9, $0x1;
	s5 =	sadd.s32 $0xB800, s6;
	s6 =	sadd.s32 $0x15A00, s11  }
0xd: {  	s8 =	sadd.s32 s8, s10;
	s10 =	simm.s32 $0x2;
	s11 =	simm.s32 $0x2800  }
.LBB2_1:
0xe: {  	[tilespmem:s3], [sflag:$0x2] =	stream.linear.gather [hbm4b:s5+s3], $0x2800, $0x38;
	[tilespmem:$0x8000] =	vst v63  }
0xf: {  	_ =	swait.ge [sflag:s10], $0x2800  }
0x10: {  	[sflag:s10] =	ssyncset.done $0x0  }
0x11: {  	[sflag:s10] =	ssyncadd.s32 $0xFFFFD800  }
0x12: {  	[tilespmem:s11], [sflag:$0x2] =	stream.linear.gather [hbm4b:s4+s3], $0x800, $0x38;
	[tilespmem:$0x8000] =	vst v63  }
0x13: {  	_ =	swait.ge [sflag:s10], $0x800  }
0x14: {  	[sflag:s10] =	ssyncset.done $0x0  }
0x15: {  	[sflag:s10] =	ssyncadd.s32 $0xFFFFF800  }
0x16: {  	[tilespmem:s12], [sflag:$0x2] =	stream.linear.gather [hbm4b:s6+s3], $0x2800, $0x38;
	[tilespmem:$0x8000] =	vst v63  }
0x17: {  	_ =	swait.ge [sflag:s10], $0x2800  }
0x18: {  	[sflag:s10] =	ssyncset.done $0x0  }
0x19: {  	[sflag:s10] =	ssyncadd.s32 $0xFFFFD800  }
0x1a: {  	[spmem:s7] =	stream.linear.scatter [tilespmem:s12], [sflag:$0x2], $0x2800, $0x38;
	[tilespmem:$0x8000] =	vst v63  }
0x1b: {  	_ =	swait.ge [sflag:s10], $0x2800  }
0x1c: {  	[sflag:s10] =	ssyncset.done $0x0  }
0x1d: {  	[sflag:s10] =	ssyncadd.s32 $0xFFFFD800  }
0x1e: {  	s16 =	simm.s32 $0x0;
	[bflag:$0x0] =	sbarrier.arrive $0xFFFF  }
0x1f: {  	[spmem:s2] =	stream.indirect.scatter.add.f32 [tilespmem:s11], [sflag:$0x1], $0x10, s16, s13, $0xb8;
	[tilespmem:$0x8000] =	vst v63  }
0x20: {  	s24 =	simm.s32 $0x80  }
0x21: {  	[spmem:s2] =	stream.indirect.scatter.add.f32 [tilespmem:s11], [sflag:$0x1], $0x10, s24, s13, $0xb8;
	[tilespmem:$0x8000] =	vst v63  }
0x22: {  	s25 =	simm.s32 $0x100  }
0x23: {  	[spmem:s2] =	stream.indirect.scatter.add.f32 [tilespmem:s11], [sflag:$0x1], $0x10, s25, s13, $0xb8;
	[tilespmem:$0x8000] =	vst v63  }
0x24: {  	s26 =	simm.s32 $0x180  }
0x25: {  	[spmem:s2] =	stream.indirect.scatter.add.f32 [tilespmem:s11], [sflag:$0x1], $0x10, s26, s13, $0xb8;
	[tilespmem:$0x8000] =	vst v63  }
0x26: {  	s28 =	simm.s32 $0x200  }
0x27: {  	[spmem:s2] =	stream.indirect.scatter.add.f32 [tilespmem:s11], [sflag:$0x1], $0x10, s28, s13, $0xb8;
	[tilespmem:$0x8000] =	vst v63  }
0x28: {  	s29 =	simm.s32 $0x280  }
0x29: {  	[spmem:s2] =	stream.indirect.scatter.add.f32 [tilespmem:s11], [sflag:$0x1], $0x10, s29, s13, $0xb8;
	[tilespmem:$0x8000] =	vst v63  }
0x2a: {  	s30 =	simm.s32 $0x300  }
0x2b: {  	[spmem:s2] =	stream.indirect.scatter.add.f32 [tilespmem:s11], [sflag:$0x1], $0x10, s30, s13, $0xb8;
	[tilespmem:$0x8000] =	vst v63  }
0x2c: {  	s31 =	simm.s32 $0x380  }
0x2d: {  	[spmem:s2] =	stream.indirect.scatter.add.f32 [tilespmem:s11], [sflag:$0x1], $0x10, s31, s13, $0xb8;
	[tilespmem:$0x8000] =	vst v63  }
0x2e: {  	_ =	swait.ge [sflag:s14], $0x800  }
0x2f: {  	[sflag:s14] =	ssyncset.done $0x0  }
0x30: {  	[sflag:s14] =	ssyncadd.s32 $0xFFFFF800  }
0x31: {  	_ =	swait.ge [sflag:s14], $0x800  }
0x32: {  	[sflag:s14] =	ssyncset.done $0x0  }
0x33: {  	[sflag:s14] =	ssyncadd.s32 $0xFFFFF800  }
0x34: {  	_ =	swait.ge [sflag:s14], $0x800  }
0x35: {  	[sflag:s14] =	ssyncset.done $0x0  }
0x36: {  	[sflag:s14] =	ssyncadd.s32 $0xFFFFF800  }
0x37: {  	_ =	swait.ge [sflag:s14], $0x800  }
0x38: {  	[sflag:s14] =	ssyncset.done $0x0  }
0x39: {  	[sflag:s14] =	ssyncadd.s32 $0xFFFFF800  }
0x3a: {  	_ =	swait.ge [sflag:s14], $0x800  }
0x3b: {  	[sflag:s14] =	ssyncset.done $0x0  }
0x3c: {  	[sflag:s14] =	ssyncadd.s32 $0xFFFFF800  }
0x3d: {  	_ =	swait.ge [sflag:s14], $0x800  }
0x3e: {  	[sflag:s14] =	ssyncset.done $0x0  }
0x3f: {  	[sflag:s14] =	ssyncadd.s32 $0xFFFFF800  }
0x40: {  	_ =	swait.ge [sflag:s14], $0x800  }
0x41: {  	[sflag:s14] =	ssyncset.done $0x0  }
0x42: {  	[sflag:s14] =	ssyncadd.s32 $0xFFFFF800  }
0x43: {  	_ =	swait.ge [sflag:s14], $0x800  }
0x44: {  	s18 =	simm.s32 $0x2000;
	s16 =	simm.s32 $0x1000;
	[sflag:s14] =	ssyncset.done $0x0  }
.LBB2_2:
0x45: {  	s19 =	sshra.s32 s16, $0x2  }
0x46: {  	[sflag:s14] =	ssyncadd.s32 $0xFFFFF800;
	s16 =	smov.u32 s18;
	s17 =	sadd.s32 $0x1000, s18  }
0x47: {  	[spmem:s2] =	stream.indirect.scatter.add.f32 [tilespmem:s11], [sflag:$0x1], $0x10, s19, s13, $0xb8;
	[tilespmem:$0x8000] =	vst v63  }
0x48: {  	p0 =	sne.s32 s18, $0x9000;
	s18 =	sadd.s32 $0x80, s19  }
0x49: {  	[spmem:s2] =	stream.indirect.scatter.add.f32 [tilespmem:s11], [sflag:$0x1], $0x10, s18, s13, $0xb8;
	[tilespmem:$0x8000] =	vst v63  }
0x4a: {  	s18 =	sadd.s32 $0x100, s19  }
0x4b: {  	[spmem:s2] =	stream.indirect.scatter.add.f32 [tilespmem:s11], [sflag:$0x1], $0x10, s18, s13, $0xb8;
	[tilespmem:$0x8000] =	vst v63  }
0x4c: {  	s18 =	sadd.s32 $0x180, s19  }
0x4d: {  	[spmem:s2] =	stream.indirect.scatter.add.f32 [tilespmem:s11], [sflag:$0x1], $0x10, s18, s13, $0xb8;
	[tilespmem:$0x8000] =	vst v63  }
0x4e: {  	s18 =	sadd.s32 $0x200, s19  }
0x4f: {  	[spmem:s2] =	stream.indirect.scatter.add.f32 [tilespmem:s11], [sflag:$0x1], $0x10, s18, s13, $0xb8;
	[tilespmem:$0x8000] =	vst v63  }
0x50: {  	s18 =	sadd.s32 $0x280, s19  }
0x51: {  	[spmem:s2] =	stream.indirect.scatter.add.f32 [tilespmem:s11], [sflag:$0x1], $0x10, s18, s13, $0xb8;
	[tilespmem:$0x8000] =	vst v63  }
0x52: {  	s18 =	sadd.s32 $0x300, s19  }
0x53: {  	[spmem:s2] =	stream.indirect.scatter.add.f32 [tilespmem:s11], [sflag:$0x1], $0x10, s18, s13, $0xb8;
	[tilespmem:$0x8000] =	vst v63  }
0x54: {  	s18 =	sadd.s32 $0x380, s19  }
0x55: {  	[spmem:s2] =	stream.indirect.scatter.add.f32 [tilespmem:s11], [sflag:$0x1], $0x10, s18, s13, $0xb8;
	[tilespmem:$0x8000] =	vst v63  }
0x56: {  	_ =	swait.ge [sflag:s14], $0x800  }
0x57: {  	[sflag:s14] =	ssyncset.done $0x0  }
0x58: {  	[sflag:s14] =	ssyncadd.s32 $0xFFFFF800  }
0x59: {  	_ =	swait.ge [sflag:s14], $0x800  }
0x5a: {  	[sflag:s14] =	ssyncset.done $0x0  }
0x5b: {  	[sflag:s14] =	ssyncadd.s32 $0xFFFFF800  }
0x5c: {  	_ =	swait.ge [sflag:s14], $0x800  }
0x5d: {  	[sflag:s14] =	ssyncset.done $0x0  }
0x5e: {  	[sflag:s14] =	ssyncadd.s32 $0xFFFFF800  }
0x5f: {  	_ =	swait.ge [sflag:s14], $0x800  }
0x60: {  	[sflag:s14] =	ssyncset.done $0x0  }
0x61: {  	[sflag:s14] =	ssyncadd.s32 $0xFFFFF800  }
0x62: {  	_ =	swait.ge [sflag:s14], $0x800  }
0x63: {  	[sflag:s14] =	ssyncset.done $0x0  }
0x64: {  	[sflag:s14] =	ssyncadd.s32 $0xFFFFF800  }
0x65: {  	_ =	swait.ge [sflag:s14], $0x800  }
0x66: {  	[sflag:s14] =	ssyncset.done $0x0  }
0x67: {  	[sflag:s14] =	ssyncadd.s32 $0xFFFFF800  }
.Ltmp0:
0x68: {  	_ =	swait.ge [sflag:s14], $0x800;
	(pc) =	sbr.rel @p0 .LBB2_2-.Ltmp0, $4  }
0x69: {  	[sflag:s14] =	ssyncset.done $0x0  }
0x6a: {  	[sflag:s14] =	ssyncadd.s32 $0xFFFFF800  }
0x6b: {  	_ =	swait.ge [sflag:s14], $0x800  }
0x6c: {  	s18 =	smov.u32 s17;
	[sflag:s14] =	ssyncset.done $0x0  }
0x6d: {  	s16 =	sshra.s32 s16, $0x2;
	[sflag:s14] =	ssyncadd.s32 $0xFFFFF800  }
0x6e: {  	[spmem:s2] =	stream.indirect.scatter.add.f32 [tilespmem:s11], [sflag:$0x1], $0x10, s16, s13, $0xb8;
	[tilespmem:$0x8000] =	vst v63  }
0x6f: {  	s17 =	sadd.s32 $0x80, s16  }
0x70: {  	[spmem:s2] =	stream.indirect.scatter.add.f32 [tilespmem:s11], [sflag:$0x1], $0x10, s17, s13, $0xb8;
	[tilespmem:$0x8000] =	vst v63  }
0x71: {  	s26 =	sadd.s32 $0x100, s16  }
0x72: {  	[spmem:s2] =	stream.indirect.scatter.add.f32 [tilespmem:s11], [sflag:$0x1], $0x10, s26, s13, $0xb8;
	[tilespmem:$0x8000] =	vst v63  }
0x73: {  	s28 =	sadd.s32 $0x180, s16  }
0x74: {  	[spmem:s2] =	stream.indirect.scatter.add.f32 [tilespmem:s11], [sflag:$0x1], $0x10, s28, s13, $0xb8;
	[tilespmem:$0x8000] =	vst v63  }
0x75: {  	s29 =	sadd.s32 $0x200, s16  }
0x76: {  	[spmem:s2] =	stream.indirect.scatter.add.f32 [tilespmem:s11], [sflag:$0x1], $0x10, s29, s13, $0xb8;
	[tilespmem:$0x8000] =	vst v63  }
0x77: {  	s30 =	sadd.s32 $0x280, s16  }
0x78: {  	[spmem:s2] =	stream.indirect.scatter.add.f32 [tilespmem:s11], [sflag:$0x1], $0x10, s30, s13, $0xb8;
	[tilespmem:$0x8000] =	vst v63  }
0x79: {  	s31 =	sadd.s32 $0x300, s16  }
0x7a: {  	[spmem:s2] =	stream.indirect.scatter.add.f32 [tilespmem:s11], [sflag:$0x1], $0x10, s31, s13, $0xb8;
	[tilespmem:$0x8000] =	vst v63  }
0x7b: {  	s16 =	sadd.s32 $0x380, s16  }
0x7c: {  	[spmem:s2] =	stream.indirect.scatter.add.f32 [tilespmem:s11], [sflag:$0x1], $0x10, s16, s13, $0xb8;
	[tilespmem:$0x8000] =	vst v63  }
0x7d: {  	_ =	swait.ge [sflag:s14], $0x800  }
0x7e: {  	[sflag:s14] =	ssyncset.done $0x0  }
0x7f: {  	[sflag:s14] =	ssyncadd.s32 $0xFFFFF800  }
0x80: {  	_ =	swait.ge [sflag:s14], $0x800  }
0x81: {  	[sflag:s14] =	ssyncset.done $0x0  }
0x82: {  	[sflag:s14] =	ssyncadd.s32 $0xFFFFF800  }
0x83: {  	_ =	swait.ge [sflag:s14], $0x800  }
0x84: {  	[sflag:s14] =	ssyncset.done $0x0  }
0x85: {  	[sflag:s14] =	ssyncadd.s32 $0xFFFFF800  }
0x86: {  	_ =	swait.ge [sflag:s14], $0x800  }
0x87: {  	[sflag:s14] =	ssyncset.done $0x0  }
0x88: {  	[sflag:s14] =	ssyncadd.s32 $0xFFFFF800  }
0x89: {  	_ =	swait.ge [sflag:s14], $0x800  }
0x8a: {  	[sflag:s14] =	ssyncset.done $0x0  }
0x8b: {  	[sflag:s14] =	ssyncadd.s32 $0xFFFFF800  }
0x8c: {  	_ =	swait.ge [sflag:s14], $0x800  }
0x8d: {  	[sflag:s14] =	ssyncset.done $0x0  }
0x8e: {  	[sflag:s14] =	ssyncadd.s32 $0xFFFFF800  }
0x8f: {  	_ =	swait.ge [sflag:s14], $0x800  }
0x90: {  	[sflag:s14] =	ssyncset.done $0x0  }
0x91: {  	[sflag:s14] =	ssyncadd.s32 $0xFFFFF800  }
0x92: {  	_ =	swait.ge [sflag:s14], $0x800  }
0x93: {  	[sflag:s14] =	ssyncset.done $0x0  }
0x94: {  	[sflag:s14] =	ssyncadd.s32 $0xFFFFF800  }
0x95: {  	[bflag:$0x0] =	sbarrier.arrive $0xFFFF  }
0x96: {  	[tilespmem:s12], [sflag:$0x2] =	stream.linear.gather [spmem:s7], $0x2800, $0x38;
	[tilespmem:$0x8000] =	vst v63  }
0x97: {  	s15 =	sadd.s32 $0x1, s15;
	_ =	swait.ge [sflag:s10], $0x2800  }
0x98: {  	p0 =	sne.s32 s15, s9;
	[sflag:s10] =	ssyncset.done $0x0  }
.Ltmp1:
0x99: {  	[sflag:s10] =	ssyncadd.s32 $0xFFFFD800;
	(pc) =	sbr.rel @p0 .LBB2_1-.Ltmp1, $4  }
0x9a: {  	[hbm4b:s8+s3] =	stream.linear.scatter [tilespmem:s12], [sflag:$0x2], $0x2800, $0x38;
	[tilespmem:$0x8000] =	vst v63  }
0x9b: {  	_ =	swait.ge [sflag:s10], $0x2800  }
0x9c: {  	[sflag:s10] =	ssyncset.done $0x0  }
0x9d: {  	[sflag:s10] =	ssyncadd.s32 $0xFFFFD800  }
0x9e: {  	_ =	sfence.sel $0x180000  }
0x9f: {  	[bflag:$0x0] =	sbarrier.arrive $0xFFFF  }
0xa0: {  	p0 =	sne.s32 s0, $0x0;
	_ =	strace $0x90000047  }
0xa1: {  	s0 =	sadd.s32 @!p0 $0x100000, s1;
	[bflag:$0x2] =	sbarrier.arrive $0xFFFF  }
0xa2: {  	[sflag:s0] =	ssyncadd.tile.s32 @!p0 $0x1;
	_ =	shalt  }
.Lfunc_end2:
_tile_overlayer_lowered:
.L_overlay_start_2:
0xa3: {  	(tag) =	ssettag $0x2  }
0xa4: {  	s0 =	rddreg [dreg:$0x0];
	s2 =	stileid.u32  }
0xa5: {  	s1 =	rddreg [dreg:$0x1];
	p0 =	sne.s32 s2, $0x0  }
0xa6: {  	s3 =	rddreg [dreg:$0x2];
	[bflag:$0x3] =	sbarrier.arrive $0xFFFF;
	s2 =	simm.s32 @!p0 $0x1C02  }
0xa7: {  	[timem:s3], [sflag:s2] =	dma.local @!p0 [hbm:s0], s1  }
0xa8: {  	s0 =	simm.s32 @!p0 $0x2  }
0xa9: {  	_ =	swait.ge @!p0 [sflag:s0], s1  }
0xaa: {  	s1 =	ssub.s32 @!p0 $0x0, s1;
	[sflag:s0] =	ssyncset.done @!p0 $0x0  }
0xab: {  	[sflag:s0] =	ssyncadd.s32 @!p0 s1  }
0xac: {  	[bflag:$0x3] =	sbarrier.arrive $0xFFFF  }
0xad: {  	_ =	shalt  }

</sc_bundles>
